<compile_context>
chip_gen: v7x
topology: tpu7x:2x2x1
jax: 0.10.2.dev20260603
libtpu: 0.0.44.dev20260713+nightly
codegen_flags: <defaults>
</compile_context>

<pallas_src>
import functools

import jax
import jax.numpy as jnp
from jax import lax
from jax.experimental import pallas as pl
from jax.experimental.pallas import tpu as pltpu
from jax.experimental.pallas import tpu_sc as plsc

N = 10000
H = 256
A = 128
NC = 2
NS = 16
BATCH = 128
NT = N + 112
STRIPE = NT // NS
EPAD = 163840
NB = EPAD // (NS * BATCH)
NBD = EPAD // (NC * NS * BATCH)
BN = 2000


def _zero_rows(buf, rows, cols):
    def zrow(r, _):
        for k in range(cols // 16):
            buf[r, pl.ds(k * 16, 16)] = jnp.zeros((16,), jnp.float32)
        return 0
    lax.fori_loop(0, rows, zrow, 0)


def _zero_acc_stripe(acc, zbuf, base):
    full, rem = STRIPE // 128, STRIPE % 128
    for k in range(full):
        pltpu.sync_copy(zbuf, acc.at[pl.ds(base + k * 128, 128)])
    if rem:
        pltpu.sync_copy(zbuf.at[pl.ds(0, rem)],
                        acc.at[pl.ds(base + full * 128, rem)])


def _deg_body(dstd, on128, z128, out, dst_v, ones_v, acc, semd):
    c = lax.axis_index("c")
    s = lax.axis_index("s")
    w = c * NS + s
    pltpu.sync_copy(dstd.at[w], dst_v)
    pltpu.sync_copy(on128, ones_v)
    base = s * STRIPE
    full, rem = STRIPE // 128, STRIPE % 128
    for k in range(full):
        pltpu.sync_copy(z128, acc.at[pl.ds(base + k * 128, 128)])
    if rem:
        pltpu.sync_copy(z128.at[pl.ds(0, rem)],
                        acc.at[pl.ds(base + full * 128, rem)])
    plsc.subcore_barrier()

    def body(j, _):
        pltpu.sync_copy(ones_v, acc.at[dst_v.at[j]], add=True)
        return 0
    lax.fori_loop(0, NBD, body, 0)
    plsc.subcore_barrier()
    pltpu.sync_copy(acc.at[pl.ds(s * STRIPE, STRIPE)],
                    out.at[pl.ds(c * NT + s * STRIPE, STRIPE)])


def _deg_counts(dstd, on128, z128):
    return pl.kernel(
        _deg_body,
        out_type=jax.ShapeDtypeStruct((NC * NT, BATCH), jnp.float32),
        mesh=plsc.VectorSubcoreMesh(core_axis_name="c", subcore_axis_name="s"),
        scratch_types=[
            pltpu.VMEM((NBD, BATCH), jnp.int32),
            pltpu.VMEM((BATCH, BATCH), jnp.float32),
            pltpu.VMEM_SHARED((NT, BATCH), jnp.float32),
            pltpu.SemaphoreType.DMA,
        ],
    )(dstd, on128, z128)


CH = 40


def _scatter_body(gflat, srcp, dstp, z128, out, src_v, dst_v, buf0, buf1, acc,
                  sem0, sem1, *, nb):
    c = lax.axis_index("c")
    s = lax.axis_index("s")
    w = c * NS + s
    base = s * STRIPE
    full, rem = STRIPE // 128, STRIPE % 128
    for k in range(full):
        pltpu.sync_copy(z128, acc.at[pl.ds(base + k * 128, 128)])
    if rem:
        pltpu.sync_copy(z128.at[pl.ds(0, rem)],
                        acc.at[pl.ds(base + full * 128, rem)])
    plsc.subcore_barrier()

    def step(b, buf, sem, start_next):
        pltpu.make_async_copy(gflat.at[src_v.at[b]], buf, sem).wait()
        pltpu.sync_copy(buf, acc.at[dst_v.at[b]], add=True)
        if start_next:
            pltpu.async_copy(gflat.at[src_v.at[b + 2]], buf, sem)

    def chunk(q, _):
        pltpu.sync_copy(srcp.at[w, pl.ds(q * CH, CH)], src_v)
        pltpu.sync_copy(dstp.at[w, pl.ds(q * CH, CH)], dst_v)
        pltpu.async_copy(gflat.at[src_v.at[0]], buf0, sem0)
        pltpu.async_copy(gflat.at[src_v.at[1]], buf1, sem1)

        def body(j2, _):
            step(2 * j2, buf0, sem0, True)
            step(2 * j2 + 1, buf1, sem1, True)
            return 0
        lax.fori_loop(0, CH // 2 - 1, body, 0)
        step(CH - 2, buf0, sem0, False)
        step(CH - 1, buf1, sem1, False)
        return 0
    lax.fori_loop(0, nb // CH, chunk, 0)
    plsc.subcore_barrier()
    pltpu.sync_copy(acc.at[pl.ds(s * STRIPE, STRIPE)],
                    out.at[pl.ds(c * NT + s * STRIPE, STRIPE)])


def _edge_scatter(gflat, srcp, dstp, z128, nb):
    return pl.kernel(
        functools.partial(_scatter_body, nb=nb),
        out_type=jax.ShapeDtypeStruct((NC * NT, BATCH), jnp.float32),
        mesh=plsc.VectorSubcoreMesh(core_axis_name="c", subcore_axis_name="s"),
        scratch_types=[
            pltpu.VMEM((CH, BATCH), jnp.int32),
            pltpu.VMEM((CH, BATCH), jnp.int32),
            pltpu.VMEM((BATCH, BATCH), jnp.float32),
            pltpu.VMEM((BATCH, BATCH), jnp.float32),
            pltpu.VMEM_SHARED((NT, BATCH), jnp.float32),
            pltpu.SemaphoreType.DMA,
            pltpu.SemaphoreType.DMA,
        ],
    )(gflat, srcp, dstp, z128)


def _dinv_of(deg_ref):
    dvec = deg_ref[0, :, 0:1] + deg_ref[1, :, 0:1] + jnp.float32(1)
    return lax.rsqrt(dvec)


def _t0_body(x_ref, w_ref, deg_ref, g_ref):
    dinv = _dinv_of(deg_ref)
    p = jnp.dot(x_ref[...], w_ref[...], preferred_element_type=jnp.float32)
    g = dinv * p
    hc = g.shape[1] // 2
    g_ref[0] = g[:, :hc]
    g_ref[1] = g[:, hc:]


def _mid_body(s_ref, g_ref, deg_ref, b_ref, w_ref, h_ref, gn_ref, *, split):
    dinv = _dinv_of(deg_ref)
    t = jnp.concatenate([s_ref[0] + g_ref[0], s_ref[1] + g_ref[1]], axis=1)
    h = jnp.tanh(dinv * t + b_ref[...])
    h_ref[...] = h
    p = jnp.dot(h, w_ref[...], preferred_element_type=jnp.float32)
    gn = dinv * p
    if split:
        hc = gn.shape[1] // 2
        gn_ref[0] = gn[:, :hc]
        gn_ref[1] = gn[:, hc:]
    else:
        gn_ref[...] = gn


def _fin_body(s_ref, g_ref, deg_ref, b_ref, o_ref):
    dinv = _dinv_of(deg_ref)
    t = s_ref[0] + s_ref[1] + g_ref[...]
    o_ref[...] = jnp.tanh(dinv * t + b_ref[...])


def _row_blk(shape):
    return pl.BlockSpec((1,) * (len(shape) - 2) + (BN, shape[-1]),
                        lambda i: (0,) * (len(shape) - 2) + (i, 0))


def _full_blk(shape):
    return pl.BlockSpec(shape, lambda i: (0,) * len(shape))


def _t0(x, w0, deg2):
    return pl.pallas_call(
        _t0_body,
        grid=(N // BN,),
        in_specs=[_row_blk((N, H)), _full_blk((H, H)),
                  pl.BlockSpec((2, BN, 16), lambda i: (0, i, 0))],
        out_specs=pl.BlockSpec((2, BN, H // 2), lambda i: (0, i, 0)),
        out_shape=jax.ShapeDtypeStruct((2, N, H // 2), jnp.float32),
    )(x, w0, deg2)


def _tmid(s2, g2, deg2, b, w, split):
    k = w.shape[1]
    if split:
        gn_spec = pl.BlockSpec((2, BN, k // 2), lambda i: (0, i, 0))
        gn_shape = jax.ShapeDtypeStruct((2, N, k // 2), jnp.float32)
    else:
        gn_spec = _row_blk((N, k))
        gn_shape = jax.ShapeDtypeStruct((N, k), jnp.float32)
    return pl.pallas_call(
        functools.partial(_mid_body, split=split),
        grid=(N // BN,),
        in_specs=[pl.BlockSpec((2, BN, H // 2), lambda i: (0, i, 0)),
                  pl.BlockSpec((2, BN, H // 2), lambda i: (0, i, 0)),
                  pl.BlockSpec((2, BN, 16), lambda i: (0, i, 0)),
                  _full_blk((1, H)), _full_blk((H, k))],
        out_specs=[_row_blk((N, H)), gn_spec],
        out_shape=[jax.ShapeDtypeStruct((N, H), jnp.float32), gn_shape],
    )(s2, g2, deg2, b, w)


def _tfin(s2, g2, deg2, b):
    return pl.pallas_call(
        _fin_body,
        grid=(N // BN,),
        in_specs=[pl.BlockSpec((2, BN, A), lambda i: (0, i, 0)),
                  _row_blk((N, A)),
                  pl.BlockSpec((2, BN, 16), lambda i: (0, i, 0)),
                  _full_blk((1, A))],
        out_specs=_row_blk((N, A)),
        out_shape=jax.ShapeDtypeStruct((N, A), jnp.float32),
    )(s2, g2, deg2, b)


def kernel(x, edge_index, W0, b0, W1, b1, W2, b2):
    e = edge_index.shape[1]
    src, dst = edge_index[0], edge_index[1]
    padidx = jnp.arange(EPAD - e, dtype=jnp.int32) % 16
    srcf = jnp.concatenate([src, padidx])
    dstf = jnp.concatenate([dst, N + padidx])
    src01 = jnp.stack([srcf, srcf + N]).reshape(NC * NS, NB, BATCH)
    dst01 = jnp.stack([dstf, dstf]).reshape(NC * NS, NB, BATCH)
    src2 = srcf.reshape(NC * NS, NBD, BATCH)
    dst2 = dstf.reshape(NC * NS, NBD, BATCH)

    z128 = jnp.zeros((128, BATCH), jnp.float32)
    on128 = jnp.ones((128, BATCH), jnp.float32)

    degw = _deg_counts(dst2, on128, z128).reshape(NC, NT, BATCH)
    deg2 = degw[:, :, :16]

    def layer_scatter01(gsplit):
        sflat = _edge_scatter(gsplit.reshape(NC * N, BATCH), src01, dst01,
                              z128, NB)
        return sflat.reshape(NC, NT, BATCH)

    g0 = _t0(x, W0, deg2)
    s0 = layer_scatter01(g0)
    h1, g1 = _tmid(s0, g0, deg2, b0.reshape(1, H), W1, split=True)
    s1 = layer_scatter01(g1)
    h2, g2 = _tmid(s1, g1, deg2, b1.reshape(1, H), W2, split=False)
    s2 = _edge_scatter(g2, src2, dst2, z128, NBD).reshape(NC, NT, A)
    out = _tfin(s2, g2, deg2, b2.reshape(1, A))
    return (out, h1, h2)

# --- scband reference (transcript-rebuilt; emitter-appended) ---
"""Pipeline reference for scband-decoder-137438954181 (READ-ONLY COPY).

The authoritative reference and input builder live on the scoring server;
editing this copy changes nothing except your own understanding.
"""

import jax, jax.numpy as jnp
import numpy as np

N = 10000
E = 160000
H = 256
A = 128


def _gcn_conv(x, edge_index, W, b):
    n = x.shape[0]
    loop = jnp.arange(n, dtype=edge_index.dtype)
    src = jnp.concatenate([edge_index[0], loop])
    dst = jnp.concatenate([edge_index[1], loop])
    ones = jnp.ones(src.shape[0], dtype=x.dtype)
    deg = jnp.zeros(n, dtype=x.dtype).at[dst].add(ones)
    deg_inv_sqrt = jnp.where(deg > 0, 1.0 / jnp.sqrt(deg), 0.0)
    norm = deg_inv_sqrt[src] * deg_inv_sqrt[dst]
    h = x @ W
    msg = h[src] * norm[:, None]
    out = jnp.zeros((n, W.shape[1]), dtype=x.dtype).at[dst].add(msg)
    return out + b


def setup_inputs(seed: int = 0):
    key = jax.random.key(seed)
    ks = jax.random.split(key, 8)
    x = jax.random.normal(ks[0], (N, H), dtype=jnp.float32)
    edge_index = jax.random.randint(ks[1], (2, E), 0, N, dtype=jnp.int32)
    W0 = jax.random.normal(ks[2], (H, H), dtype=jnp.float32) * 0.05
    b0 = jnp.zeros((H,), dtype=jnp.float32)
    W1 = jax.random.normal(ks[3], (H, H), dtype=jnp.float32) * 0.05
    b1 = jnp.zeros((H,), dtype=jnp.float32)
    W2 = jax.random.normal(ks[4], (H, A), dtype=jnp.float32) * 0.05
    b2 = jnp.zeros((A,), dtype=jnp.float32)
    return {"x": x, "edge_index": edge_index, "W0": W0, "b0": b0, "W1": W1, "b1": b1, "W2": W2, "b2": b2}


def reference(x, edge_index, W0, b0, W1, b1, W2, b2):
    xs = []
    h = jnp.tanh(_gcn_conv(x, edge_index, W0, b0))
    xs.append(h)
    h = jnp.tanh(_gcn_conv(h, edge_index, W1, b1))
    xs.append(h)
    out = jnp.tanh(_gcn_conv(h, edge_index, W2, b2))
    return (out, xs[0], xs[1])

if __name__ == "__main__":
    import jax
    _d = setup_inputs()
    print(jax.jit(kernel)(*tuple(_d.values())))

</pallas_src>

<mosaic_0001>
#map = affine_map<(d0, d1) -> (0, 0)>
#map1 = affine_map<(d0, d1) -> (0, 0, 0)>
module attributes {stable_mosaic.version = 14 : i64} {
  func.func @_scatter_body(%arg0: i32, %arg1: i32, %arg2: memref<20000x128xf32, #tpu.memory_space<hbm>>, %arg3: memref<32x80x128xi32, #tpu.memory_space<hbm>>, %arg4: memref<32x80x128xi32, #tpu.memory_space<hbm>>, %arg5: memref<128x128xf32, #tpu.memory_space<hbm>>, %arg6: memref<20224x128xf32, #tpu.memory_space<hbm>>, %arg7: memref<40x128xi32, #tpu.memory_space<vmem>>, %arg8: memref<40x128xi32, #tpu.memory_space<vmem>>, %arg9: memref<128x128xf32, #tpu.memory_space<vmem>>, %arg10: memref<128x128xf32, #tpu.memory_space<vmem>>, %arg11: memref<10112x128xf32, #tpu.memory_space<vmem_shared>>, %arg12: memref<!tpu.dma_semaphore, #tpu.memory_space<semaphore_mem>>, %arg13: memref<!tpu.dma_semaphore, #tpu.memory_space<semaphore_mem>>) attributes {dimension_semantics = [#tpu.dimension_semantics<core_parallel>, #tpu.dimension_semantics<subcore_parallel>], iteration_bounds = array<i64: 2, 16>, scalar_prefetch = 0 : i64, scratch_operands = 7 : i64, tpu.core_type = #tpu.core_type<sc_vector_subcore>, window_params = [{transform_indices = #map}, {transform_indices = #map1}, {transform_indices = #map1}, {transform_indices = #map}, {transform_indices = #map}]} {
    %mul3A = arith.constant 16 : i32
    %mul3A_0 = arith.muli %arg0, %mul3A : i32
    %add3A = arith.addi %mul3A_0, %arg1 : i32
    %mul3A_1 = arith.constant 632 : i32
    %mul3A_2 = arith.muli %arg1, %mul3A_1 : i32
    %add3A_3 = arith.constant 0 : i32
    %add3A_4 = arith.addi %mul3A_2, %add3A_3 : i32
    "tpu.region"() ({
      %run_scoped3A = tpu.sem_alloc : memref<!tpu.dma_semaphore, #tpu.memory_space<semaphore_mem>>
      %dma_start3A = arith.constant 0 : i32
      %dma_start3A_27 = tpu.memref_slice %arg11[%add3A_4, %dma_start3A] : memref<10112x128xf32, #tpu.memory_space<vmem_shared>> -> memref<128x128xf32, #tpu.memory_space<vmem_shared>>
      tpu.enqueue_dma source(%arg5 : memref<128x128xf32, #tpu.memory_space<hbm>>) target(%dma_start3A_27 : memref<128x128xf32, #tpu.memory_space<vmem_shared>>) target_semaphore(%run_scoped3A : memref<!tpu.dma_semaphore, #tpu.memory_space<semaphore_mem>>)
      %dma_wait3A = arith.constant 0 : i32
      %dma_wait3A_28 = tpu.memref_slice %arg11[%add3A_4, %dma_wait3A] : memref<10112x128xf32, #tpu.memory_space<vmem_shared>> -> memref<128x128xf32, #tpu.memory_space<vmem_shared>>
      tpu.wait_dma2 semaphore(%run_scoped3A : memref<!tpu.dma_semaphore, #tpu.memory_space<semaphore_mem>>) src(%arg5 : memref<128x128xf32, #tpu.memory_space<hbm>>) dst(%dma_wait3A_28 : memref<128x128xf32, #tpu.memory_space<vmem_shared>>)
      tpu.yield
    }) : () -> ()
    %add3A_5 = arith.constant 128 : i32
    %add3A_6 = arith.addi %mul3A_2, %add3A_5 : i32
    "tpu.region"() ({
      %run_scoped3A = tpu.sem_alloc : memref<!tpu.dma_semaphore, #tpu.memory_space<semaphore_mem>>
      %dma_start3A = arith.constant 0 : i32
      %dma_start3A_27 = tpu.memref_slice %arg11[%add3A_6, %dma_start3A] : memref<10112x128xf32, #tpu.memory_space<vmem_shared>> -> memref<128x128xf32, #tpu.memory_space<vmem_shared>>
      tpu.enqueue_dma source(%arg5 : memref<128x128xf32, #tpu.memory_space<hbm>>) target(%dma_start3A_27 : memref<128x128xf32, #tpu.memory_space<vmem_shared>>) target_semaphore(%run_scoped3A : memref<!tpu.dma_semaphore, #tpu.memory_space<semaphore_mem>>)
      %dma_wait3A = arith.constant 0 : i32
      %dma_wait3A_28 = tpu.memref_slice %arg11[%add3A_6, %dma_wait3A] : memref<10112x128xf32, #tpu.memory_space<vmem_shared>> -> memref<128x128xf32, #tpu.memory_space<vmem_shared>>
      tpu.wait_dma2 semaphore(%run_scoped3A : memref<!tpu.dma_semaphore, #tpu.memory_space<semaphore_mem>>) src(%arg5 : memref<128x128xf32, #tpu.memory_space<hbm>>) dst(%dma_wait3A_28 : memref<128x128xf32, #tpu.memory_space<vmem_shared>>)
      tpu.yield
    }) : () -> ()
    %add3A_7 = arith.constant 256 : i32
    %add3A_8 = arith.addi %mul3A_2, %add3A_7 : i32
    "tpu.region"() ({
      %run_scoped3A = tpu.sem_alloc : memref<!tpu.dma_semaphore, #tpu.memory_space<semaphore_mem>>
      %dma_start3A = arith.constant 0 : i32
      %dma_start3A_27 = tpu.memref_slice %arg11[%add3A_8, %dma_start3A] : memref<10112x128xf32, #tpu.memory_space<vmem_shared>> -> memref<128x128xf32, #tpu.memory_space<vmem_shared>>
      tpu.enqueue_dma source(%arg5 : memref<128x128xf32, #tpu.memory_space<hbm>>) target(%dma_start3A_27 : memref<128x128xf32, #tpu.memory_space<vmem_shared>>) target_semaphore(%run_scoped3A : memref<!tpu.dma_semaphore, #tpu.memory_space<semaphore_mem>>)
      %dma_wait3A = arith.constant 0 : i32
      %dma_wait3A_28 = tpu.memref_slice %arg11[%add3A_8, %dma_wait3A] : memref<10112x128xf32, #tpu.memory_space<vmem_shared>> -> memref<128x128xf32, #tpu.memory_space<vmem_shared>>
      tpu.wait_dma2 semaphore(%run_scoped3A : memref<!tpu.dma_semaphore, #tpu.memory_space<semaphore_mem>>) src(%arg5 : memref<128x128xf32, #tpu.memory_space<hbm>>) dst(%dma_wait3A_28 : memref<128x128xf32, #tpu.memory_space<vmem_shared>>)
      tpu.yield
    }) : () -> ()
    %add3A_9 = arith.constant 384 : i32
    %add3A_10 = arith.addi %mul3A_2, %add3A_9 : i32
    "tpu.region"() ({
      %run_scoped3A = tpu.sem_alloc : memref<!tpu.dma_semaphore, #tpu.memory_space<semaphore_mem>>
      %dma_start3A = arith.constant 0 : i32
      %dma_start3A_27 = tpu.memref_slice %arg11[%add3A_10, %dma_start3A] : memref<10112x128xf32, #tpu.memory_space<vmem_shared>> -> memref<128x128xf32, #tpu.memory_space<vmem_shared>>
      tpu.enqueue_dma source(%arg5 : memref<128x128xf32, #tpu.memory_space<hbm>>) target(%dma_start3A_27 : memref<128x128xf32, #tpu.memory_space<vmem_shared>>) target_semaphore(%run_scoped3A : memref<!tpu.dma_semaphore, #tpu.memory_space<semaphore_mem>>)
      %dma_wait3A = arith.constant 0 : i32
      %dma_wait3A_28 = tpu.memref_slice %arg11[%add3A_10, %dma_wait3A] : memref<10112x128xf32, #tpu.memory_space<vmem_shared>> -> memref<128x128xf32, #tpu.memory_space<vmem_shared>>
      tpu.wait_dma2 semaphore(%run_scoped3A : memref<!tpu.dma_semaphore, #tpu.memory_space<semaphore_mem>>) src(%arg5 : memref<128x128xf32, #tpu.memory_space<hbm>>) dst(%dma_wait3A_28 : memref<128x128xf32, #tpu.memory_space<vmem_shared>>)
      tpu.yield
    }) : () -> ()
    %add3A_11 = arith.constant 512 : i32
    %add3A_12 = arith.addi %mul3A_2, %add3A_11 : i32
    "tpu.region"() ({
      %run_scoped3A = tpu.sem_alloc : memref<!tpu.dma_semaphore, #tpu.memory_space<semaphore_mem>>
      %dma_start3A = arith.constant 0 : i32
      %dma_start3A_27 = tpu.memref_slice %arg11[%add3A_12, %dma_start3A] : memref<10112x128xf32, #tpu.memory_space<vmem_shared>> -> memref<120x128xf32, #tpu.memory_space<vmem_shared>>
      %dma_start3A_28 = arith.constant 0 : i32
      %dma_start3A_29 = arith.constant 0 : i32
      %dma_start3A_30 = tpu.memref_slice %arg5[%dma_start3A_28, %dma_start3A_29] : memref<128x128xf32, #tpu.memory_space<hbm>> -> memref<120x128xf32, #tpu.memory_space<hbm>>
      tpu.enqueue_dma source(%dma_start3A_30 : memref<120x128xf32, #tpu.memory_space<hbm>>) target(%dma_start3A_27 : memref<120x128xf32, #tpu.memory_space<vmem_shared>>) target_semaphore(%run_scoped3A : memref<!tpu.dma_semaphore, #tpu.memory_space<semaphore_mem>>)
      %dma_wait3A = arith.constant 0 : i32
      %dma_wait3A_31 = tpu.memref_slice %arg11[%add3A_12, %dma_wait3A] : memref<10112x128xf32, #tpu.memory_space<vmem_shared>> -> memref<120x128xf32, #tpu.memory_space<vmem_shared>>
      %dma_wait3A_32 = arith.constant 0 : i32
      %dma_wait3A_33 = arith.constant 0 : i32
      %dma_wait3A_34 = tpu.memref_slice %arg5[%dma_wait3A_32, %dma_wait3A_33] : memref<128x128xf32, #tpu.memory_space<hbm>> -> memref<120x128xf32, #tpu.memory_space<hbm>>
      tpu.wait_dma2 semaphore(%run_scoped3A : memref<!tpu.dma_semaphore, #tpu.memory_space<semaphore_mem>>) src(%dma_wait3A_34 : memref<120x128xf32, #tpu.memory_space<hbm>>) dst(%dma_wait3A_31 : memref<120x128xf32, #tpu.memory_space<vmem_shared>>)
      tpu.yield
    }) : () -> ()
    %barrier3A = arith.constant 0 : index
    tpu.barrier barrier_id(%barrier3A)
    %scan3A = arith.constant 0 : i32
    %scan3A_13 = arith.constant 0 : i32
    %scan3A_14 = arith.constant 2 : i32
    %scan3A_15 = arith.addi %scan3A_13, %scan3A_14 : i32
    %scan3A_16 = arith.constant 1 : i32
    %scan3A_17 = scf.for %scan3A_27 = %scan3A_13 to %scan3A_15 step %scan3A_16 iter_args(%scan3A_28 = %scan3A) -> (i32)  : i32 {
      %mul3A_29 = arith.constant 40 : i32
      %mul3A_30 = arith.muli %scan3A_27, %mul3A_29 : i32
      "tpu.region"() ({
        %run_scoped3A_68 = tpu.sem_alloc : memref<!tpu.dma_semaphore, #tpu.memory_space<semaphore_mem>>
        %dma_start3A_69 = arith.constant 0 : i32
        %dma_start3A_70 = tpu.memref_slice %arg3[%add3A, %mul3A_30, %dma_start3A_69] : memref<32x80x128xi32, #tpu.memory_space<hbm>> -> memref<1x40x128xi32, #tpu.memory_space<hbm>>
        %dma_start3A_71 = tpu.memref_squeeze %dma_start3A_70 : memref<1x40x128xi32, #tpu.memory_space<hbm>> -> memref<40x128xi32, #tpu.memory_space<hbm>>
        %dma_start3A_72 = arith.constant 0 : i32
        %dma_start3A_73 = tpu.memref_slice %arg3[%add3A, %mul3A_30, %dma_start3A_72] : memref<32x80x128xi32, #tpu.memory_space<hbm>> -> memref<1x40x128xi32, #tpu.memory_space<hbm>>
        %dma_start3A_74 = tpu.memref_squeeze %dma_start3A_73 : memref<1x40x128xi32, #tpu.memory_space<hbm>> -> memref<40x128xi32, #tpu.memory_space<hbm>>
        tpu.enqueue_dma source(%dma_start3A_74 : memref<40x128xi32, #tpu.memory_space<hbm>>) target(%arg7 : memref<40x128xi32, #tpu.memory_space<vmem>>) target_semaphore(%run_scoped3A_68 : memref<!tpu.dma_semaphore, #tpu.memory_space<semaphore_mem>>)
        %dma_wait3A_75 = arith.constant 0 : i32
        %dma_wait3A_76 = tpu.memref_slice %arg3[%add3A, %mul3A_30, %dma_wait3A_75] : memref<32x80x128xi32, #tpu.memory_space<hbm>> -> memref<1x40x128xi32, #tpu.memory_space<hbm>>
        %dma_wait3A_77 = tpu.memref_squeeze %dma_wait3A_76 : memref<1x40x128xi32, #tpu.memory_space<hbm>> -> memref<40x128xi32, #tpu.memory_space<hbm>>
        %dma_wait3A_78 = arith.constant 0 : i32
        %dma_wait3A_79 = tpu.memref_slice %arg3[%add3A, %mul3A_30, %dma_wait3A_78] : memref<32x80x128xi32, #tpu.memory_space<hbm>> -> memref<1x40x128xi32, #tpu.memory_space<hbm>>
        %dma_wait3A_80 = tpu.memref_squeeze %dma_wait3A_79 : memref<1x40x128xi32, #tpu.memory_space<hbm>> -> memref<40x128xi32, #tpu.memory_space<hbm>>
        tpu.wait_dma2 semaphore(%run_scoped3A_68 : memref<!tpu.dma_semaphore, #tpu.memory_space<semaphore_mem>>) src(%dma_wait3A_80 : memref<40x128xi32, #tpu.memory_space<hbm>>) dst(%arg7 : memref<40x128xi32, #tpu.memory_space<vmem>>)
        tpu.yield
      }) : () -> ()
      %mul3A_31 = arith.constant 40 : i32
      %mul3A_32 = arith.muli %scan3A_27, %mul3A_31 : i32
      "tpu.region"() ({
        %run_scoped3A_68 = tpu.sem_alloc : memref<!tpu.dma_semaphore, #tpu.memory_space<semaphore_mem>>
        %dma_start3A_69 = arith.constant 0 : i32
        %dma_start3A_70 = tpu.memref_slice %arg4[%add3A, %mul3A_32, %dma_start3A_69] : memref<32x80x128xi32, #tpu.memory_space<hbm>> -> memref<1x40x128xi32, #tpu.memory_space<hbm>>
        %dma_start3A_71 = tpu.memref_squeeze %dma_start3A_70 : memref<1x40x128xi32, #tpu.memory_space<hbm>> -> memref<40x128xi32, #tpu.memory_space<hbm>>
        %dma_start3A_72 = arith.constant 0 : i32
        %dma_start3A_73 = tpu.memref_slice %arg4[%add3A, %mul3A_32, %dma_start3A_72] : memref<32x80x128xi32, #tpu.memory_space<hbm>> -> memref<1x40x128xi32, #tpu.memory_space<hbm>>
        %dma_start3A_74 = tpu.memref_squeeze %dma_start3A_73 : memref<1x40x128xi32, #tpu.memory_space<hbm>> -> memref<40x128xi32, #tpu.memory_space<hbm>>
        tpu.enqueue_dma source(%dma_start3A_74 : memref<40x128xi32, #tpu.memory_space<hbm>>) target(%arg8 : memref<40x128xi32, #tpu.memory_space<vmem>>) target_semaphore(%run_scoped3A_68 : memref<!tpu.dma_semaphore, #tpu.memory_space<semaphore_mem>>)
        %dma_wait3A_75 = arith.constant 0 : i32
        %dma_wait3A_76 = tpu.memref_slice %arg4[%add3A, %mul3A_32, %dma_wait3A_75] : memref<32x80x128xi32, #tpu.memory_space<hbm>> -> memref<1x40x128xi32, #tpu.memory_space<hbm>>
        %dma_wait3A_77 = tpu.memref_squeeze %dma_wait3A_76 : memref<1x40x128xi32, #tpu.memory_space<hbm>> -> memref<40x128xi32, #tpu.memory_space<hbm>>
        %dma_wait3A_78 = arith.constant 0 : i32
        %dma_wait3A_79 = tpu.memref_slice %arg4[%add3A, %mul3A_32, %dma_wait3A_78] : memref<32x80x128xi32, #tpu.memory_space<hbm>> -> memref<1x40x128xi32, #tpu.memory_space<hbm>>
        %dma_wait3A_80 = tpu.memref_squeeze %dma_wait3A_79 : memref<1x40x128xi32, #tpu.memory_space<hbm>> -> memref<40x128xi32, #tpu.memory_space<hbm>>
        tpu.wait_dma2 semaphore(%run_scoped3A_68 : memref<!tpu.dma_semaphore, #tpu.memory_space<semaphore_mem>>) src(%dma_wait3A_80 : memref<40x128xi32, #tpu.memory_space<hbm>>) dst(%arg8 : memref<40x128xi32, #tpu.memory_space<vmem>>)
        tpu.yield
      }) : () -> ()
      %dma_start3A = arith.constant 0 : i32
      %dma_start3A_33 = arith.constant 0 : i32
      %dma_start3A_34 = tpu.memref_slice %arg7[%dma_start3A, %dma_start3A_33] : memref<40x128xi32, #tpu.memory_space<vmem>> -> memref<1x128xi32, #tpu.memory_space<vmem>>
      %dma_start3A_35 = tpu.memref_squeeze %dma_start3A_34 : memref<1x128xi32, #tpu.memory_space<vmem>> -> memref<128xi32, #tpu.memory_space<vmem>>
      %dma_start3A_36 = arith.constant 0 : i32
      %dma_start3A_37 = arith.constant 0 : i32
      %dma_start3A_38 = tpu.memref_slice %arg2[%dma_start3A_36, %dma_start3A_37] : memref<20000x128xf32, #tpu.memory_space<hbm>> -> memref<20000x128xf32, #tpu.memory_space<hbm>>
      tpu.enqueue_indirect_dma source(%dma_start3A_38 : memref<20000x128xf32, #tpu.memory_space<hbm>>) target(%arg9 : memref<128x128xf32, #tpu.memory_space<vmem>>) offsets(%dma_start3A_35 : memref<128xi32, #tpu.memory_space<vmem>>) semaphore(%arg12 : memref<!tpu.dma_semaphore, #tpu.memory_space<semaphore_mem>>)
      %dma_start3A_39 = arith.constant 1 : i32
      %dma_start3A_40 = arith.constant 0 : i32
      %dma_start3A_41 = tpu.memref_slice %arg7[%dma_start3A_39, %dma_start3A_40] : memref<40x128xi32, #tpu.memory_space<vmem>> -> memref<1x128xi32, #tpu.memory_space<vmem>>
      %dma_start3A_42 = tpu.memref_squeeze %dma_start3A_41 : memref<1x128xi32, #tpu.memory_space<vmem>> -> memref<128xi32, #tpu.memory_space<vmem>>
      %dma_start3A_43 = arith.constant 0 : i32
      %dma_start3A_44 = arith.constant 0 : i32
      %dma_start3A_45 = tpu.memref_slice %arg2[%dma_start3A_43, %dma_start3A_44] : memref<20000x128xf32, #tpu.memory_space<hbm>> -> memref<20000x128xf32, #tpu.memory_space<hbm>>
      tpu.enqueue_indirect_dma source(%dma_start3A_45 : memref<20000x128xf32, #tpu.memory_space<hbm>>) target(%arg10 : memref<128x128xf32, #tpu.memory_space<vmem>>) offsets(%dma_start3A_42 : memref<128xi32, #tpu.memory_space<vmem>>) semaphore(%arg13 : memref<!tpu.dma_semaphore, #tpu.memory_space<semaphore_mem>>)
      %scan3A_46 = arith.constant 0 : i32
      %scan3A_47 = arith.constant 0 : i32
      %scan3A_48 = arith.constant 19 : i32
      %scan3A_49 = arith.addi %scan3A_47, %scan3A_48 : i32
      %scan3A_50 = arith.constant 1 : i32
      %scan3A_51 = scf.for %scan3A_68 = %scan3A_47 to %scan3A_49 step %scan3A_50 iter_args(%scan3A_69 = %scan3A_46) -> (i32)  : i32 {
        %mul3A_70 = arith.constant 2 : i32
        %mul3A_71 = arith.muli %mul3A_70, %scan3A_68 : i32
        %dma_wait3A_72 = arith.constant 0 : i32
        %dma_wait3A_73 = tpu.memref_slice %arg7[%mul3A_71, %dma_wait3A_72] : memref<40x128xi32, #tpu.memory_space<vmem>> -> memref<1x128xi32, #tpu.memory_space<vmem>>
        %dma_wait3A_74 = tpu.memref_squeeze %dma_wait3A_73 : memref<1x128xi32, #tpu.memory_space<vmem>> -> memref<128xi32, #tpu.memory_space<vmem>>
        %dma_wait3A_75 = arith.constant 0 : i32
        %dma_wait3A_76 = arith.constant 0 : i32
        %dma_wait3A_77 = tpu.memref_slice %arg2[%dma_wait3A_75, %dma_wait3A_76] : memref<20000x128xf32, #tpu.memory_space<hbm>> -> memref<20000x128xf32, #tpu.memory_space<hbm>>
        tpu.wait_indirect_dma semaphore(%arg12 : memref<!tpu.dma_semaphore, #tpu.memory_space<semaphore_mem>>) src(%dma_wait3A_77 : memref<20000x128xf32, #tpu.memory_space<hbm>>) dst(%arg9 : memref<128x128xf32, #tpu.memory_space<vmem>>)
        "tpu.region"() ({
          %run_scoped3A_105 = tpu.sem_alloc : memref<!tpu.dma_semaphore, #tpu.memory_space<semaphore_mem>>
          %dma_start3A_106 = arith.constant 0 : i32
          %dma_start3A_107 = tpu.memref_slice %arg8[%mul3A_71, %dma_start3A_106] : memref<40x128xi32, #tpu.memory_space<vmem>> -> memref<1x128xi32, #tpu.memory_space<vmem>>
          %dma_start3A_108 = tpu.memref_squeeze %dma_start3A_107 : memref<1x128xi32, #tpu.memory_space<vmem>> -> memref<128xi32, #tpu.memory_space<vmem>>
          %dma_start3A_109 = arith.constant 0 : i32
          %dma_start3A_110 = arith.constant 0 : i32
          %dma_start3A_111 = tpu.memref_slice %arg11[%dma_start3A_109, %dma_start3A_110] : memref<10112x128xf32, #tpu.memory_space<vmem_shared>> -> memref<10112x128xf32, #tpu.memory_space<vmem_shared>>
          tpu.enqueue_indirect_dma source(%arg9 : memref<128x128xf32, #tpu.memory_space<vmem>>) target(%dma_start3A_111 : memref<10112x128xf32, #tpu.memory_space<vmem_shared>>) offsets(%dma_start3A_108 : memref<128xi32, #tpu.memory_space<vmem>>) semaphore(%run_scoped3A_105 : memref<!tpu.dma_semaphore, #tpu.memory_space<semaphore_mem>>) {add = true}
          %dma_wait3A_112 = arith.constant 0 : i32
          %dma_wait3A_113 = tpu.memref_slice %arg8[%mul3A_71, %dma_wait3A_112] : memref<40x128xi32, #tpu.memory_space<vmem>> -> memref<1x128xi32, #tpu.memory_space<vmem>>
          %dma_wait3A_114 = tpu.memref_squeeze %dma_wait3A_113 : memref<1x128xi32, #tpu.memory_space<vmem>> -> memref<128xi32, #tpu.memory_space<vmem>>
          %dma_wait3A_115 = arith.constant 0 : i32
          %dma_wait3A_116 = arith.constant 0 : i32
          %dma_wait3A_117 = tpu.memref_slice %arg11[%dma_wait3A_115, %dma_wait3A_116] : memref<10112x128xf32, #tpu.memory_space<vmem_shared>> -> memref<10112x128xf32, #tpu.memory_space<vmem_shared>>
          tpu.wait_indirect_dma semaphore(%run_scoped3A_105 : memref<!tpu.dma_semaphore, #tpu.memory_space<semaphore_mem>>) src(%arg9 : memref<128x128xf32, #tpu.memory_space<vmem>>) dst(%dma_wait3A_117 : memref<10112x128xf32, #tpu.memory_space<vmem_shared>>)
          tpu.yield
        }) : () -> ()
        %add3A_78 = arith.constant 2 : i32
        %add3A_79 = arith.addi %mul3A_71, %add3A_78 : i32
        %dma_start3A_80 = arith.constant 0 : i32
        %dma_start3A_81 = tpu.memref_slice %arg7[%add3A_79, %dma_start3A_80] : memref<40x128xi32, #tpu.memory_space<vmem>> -> memref<1x128xi32, #tpu.memory_space<vmem>>
        %dma_start3A_82 = tpu.memref_squeeze %dma_start3A_81 : memref<1x128xi32, #tpu.memory_space<vmem>> -> memref<128xi32, #tpu.memory_space<vmem>>
        %dma_start3A_83 = arith.constant 0 : i32
        %dma_start3A_84 = arith.constant 0 : i32
        %dma_start3A_85 = tpu.memref_slice %arg2[%dma_start3A_83, %dma_start3A_84] : memref<20000x128xf32, #tpu.memory_space<hbm>> -> memref<20000x128xf32, #tpu.memory_space<hbm>>
        tpu.enqueue_indirect_dma source(%dma_start3A_85 : memref<20000x128xf32, #tpu.memory_space<hbm>>) target(%arg9 : memref<128x128xf32, #tpu.memory_space<vmem>>) offsets(%dma_start3A_82 : memref<128xi32, #tpu.memory_space<vmem>>) semaphore(%arg12 : memref<!tpu.dma_semaphore, #tpu.memory_space<semaphore_mem>>)
        %mul3A_86 = arith.constant 2 : i32
        %mul3A_87 = arith.muli %mul3A_86, %scan3A_68 : i32
        %add3A_88 = arith.constant 1 : i32
        %add3A_89 = arith.addi %mul3A_87, %add3A_88 : i32
        %dma_wait3A_90 = arith.constant 0 : i32
        %dma_wait3A_91 = tpu.memref_slice %arg7[%add3A_89, %dma_wait3A_90] : memref<40x128xi32, #tpu.memory_space<vmem>> -> memref<1x128xi32, #tpu.memory_space<vmem>>
        %dma_wait3A_92 = tpu.memref_squeeze %dma_wait3A_91 : memref<1x128xi32, #tpu.memory_space<vmem>> -> memref<128xi32, #tpu.memory_space<vmem>>
        %dma_wait3A_93 = arith.constant 0 : i32
        %dma_wait3A_94 = arith.constant 0 : i32
        %dma_wait3A_95 = tpu.memref_slice %arg2[%dma_wait3A_93, %dma_wait3A_94] : memref<20000x128xf32, #tpu.memory_space<hbm>> -> memref<20000x128xf32, #tpu.memory_space<hbm>>
        tpu.wait_indirect_dma semaphore(%arg13 : memref<!tpu.dma_semaphore, #tpu.memory_space<semaphore_mem>>) src(%dma_wait3A_95 : memref<20000x128xf32, #tpu.memory_space<hbm>>) dst(%arg10 : memref<128x128xf32, #tpu.memory_space<vmem>>)
        "tpu.region"() ({
          %run_scoped3A_105 = tpu.sem_alloc : memref<!tpu.dma_semaphore, #tpu.memory_space<semaphore_mem>>
          %dma_start3A_106 = arith.constant 0 : i32
          %dma_start3A_107 = tpu.memref_slice %arg8[%add3A_89, %dma_start3A_106] : memref<40x128xi32, #tpu.memory_space<vmem>> -> memref<1x128xi32, #tpu.memory_space<vmem>>
          %dma_start3A_108 = tpu.memref_squeeze %dma_start3A_107 : memref<1x128xi32, #tpu.memory_space<vmem>> -> memref<128xi32, #tpu.memory_space<vmem>>
          %dma_start3A_109 = arith.constant 0 : i32
          %dma_start3A_110 = arith.constant 0 : i32
          %dma_start3A_111 = tpu.memref_slice %arg11[%dma_start3A_109, %dma_start3A_110] : memref<10112x128xf32, #tpu.memory_space<vmem_shared>> -> memref<10112x128xf32, #tpu.memory_space<vmem_shared>>
          tpu.enqueue_indirect_dma source(%arg10 : memref<128x128xf32, #tpu.memory_space<vmem>>) target(%dma_start3A_111 : memref<10112x128xf32, #tpu.memory_space<vmem_shared>>) offsets(%dma_start3A_108 : memref<128xi32, #tpu.memory_space<vmem>>) semaphore(%run_scoped3A_105 : memref<!tpu.dma_semaphore, #tpu.memory_space<semaphore_mem>>) {add = true}
          %dma_wait3A_112 = arith.constant 0 : i32
          %dma_wait3A_113 = tpu.memref_slice %arg8[%add3A_89, %dma_wait3A_112] : memref<40x128xi32, #tpu.memory_space<vmem>> -> memref<1x128xi32, #tpu.memory_space<vmem>>
          %dma_wait3A_114 = tpu.memref_squeeze %dma_wait3A_113 : memref<1x128xi32, #tpu.memory_space<vmem>> -> memref<128xi32, #tpu.memory_space<vmem>>
          %dma_wait3A_115 = arith.constant 0 : i32
          %dma_wait3A_116 = arith.constant 0 : i32
          %dma_wait3A_117 = tpu.memref_slice %arg11[%dma_wait3A_115, %dma_wait3A_116] : memref<10112x128xf32, #tpu.memory_space<vmem_shared>> -> memref<10112x128xf32, #tpu.memory_space<vmem_shared>>
          tpu.wait_indirect_dma semaphore(%run_scoped3A_105 : memref<!tpu.dma_semaphore, #tpu.memory_space<semaphore_mem>>) src(%arg10 : memref<128x128xf32, #tpu.memory_space<vmem>>) dst(%dma_wait3A_117 : memref<10112x128xf32, #tpu.memory_space<vmem_shared>>)
          tpu.yield
        }) : () -> ()
        %add3A_96 = arith.constant 2 : i32
        %add3A_97 = arith.addi %add3A_89, %add3A_96 : i32
        %dma_start3A_98 = arith.constant 0 : i32
        %dma_start3A_99 = tpu.memref_slice %arg7[%add3A_97, %dma_start3A_98] : memref<40x128xi32, #tpu.memory_space<vmem>> -> memref<1x128xi32, #tpu.memory_space<vmem>>
        %dma_start3A_100 = tpu.memref_squeeze %dma_start3A_99 : memref<1x128xi32, #tpu.memory_space<vmem>> -> memref<128xi32, #tpu.memory_space<vmem>>
        %dma_start3A_101 = arith.constant 0 : i32
        %dma_start3A_102 = arith.constant 0 : i32
        %dma_start3A_103 = tpu.memref_slice %arg2[%dma_start3A_101, %dma_start3A_102] : memref<20000x128xf32, #tpu.memory_space<hbm>> -> memref<20000x128xf32, #tpu.memory_space<hbm>>
        tpu.enqueue_indirect_dma source(%dma_start3A_103 : memref<20000x128xf32, #tpu.memory_space<hbm>>) target(%arg10 : memref<128x128xf32, #tpu.memory_space<vmem>>) offsets(%dma_start3A_100 : memref<128xi32, #tpu.memory_space<vmem>>) semaphore(%arg13 : memref<!tpu.dma_semaphore, #tpu.memory_space<semaphore_mem>>)
        %scan3A_104 = arith.constant 0 : i32
        scf.yield %scan3A_104 : i32
      }
      %scan3A_52 = arith.constant 19 : i32
      %dma_wait3A = arith.constant 38 : i32
      %dma_wait3A_53 = arith.constant 0 : i32
      %dma_wait3A_54 = tpu.memref_slice %arg7[%dma_wait3A, %dma_wait3A_53] : memref<40x128xi32, #tpu.memory_space<vmem>> -> memref<1x128xi32, #tpu.memory_space<vmem>>
      %dma_wait3A_55 = tpu.memref_squeeze %dma_wait3A_54 : memref<1x128xi32, #tpu.memory_space<vmem>> -> memref<128xi32, #tpu.memory_space<vmem>>
      %dma_wait3A_56 = arith.constant 0 : i32
      %dma_wait3A_57 = arith.constant 0 : i32
      %dma_wait3A_58 = tpu.memref_slice %arg2[%dma_wait3A_56, %dma_wait3A_57] : memref<20000x128xf32, #tpu.memory_space<hbm>> -> memref<20000x128xf32, #tpu.memory_space<hbm>>
      tpu.wait_indirect_dma semaphore(%arg12 : memref<!tpu.dma_semaphore, #tpu.memory_space<semaphore_mem>>) src(%dma_wait3A_58 : memref<20000x128xf32, #tpu.memory_space<hbm>>) dst(%arg9 : memref<128x128xf32, #tpu.memory_space<vmem>>)
      %run_scoped3A = arith.constant 38 : i32
      "tpu.region"() ({
        %run_scoped3A_68 = tpu.sem_alloc : memref<!tpu.dma_semaphore, #tpu.memory_space<semaphore_mem>>
        %dma_start3A_69 = arith.constant 0 : i32
        %dma_start3A_70 = tpu.memref_slice %arg8[%run_scoped3A, %dma_start3A_69] : memref<40x128xi32, #tpu.memory_space<vmem>> -> memref<1x128xi32, #tpu.memory_space<vmem>>
        %dma_start3A_71 = tpu.memref_squeeze %dma_start3A_70 : memref<1x128xi32, #tpu.memory_space<vmem>> -> memref<128xi32, #tpu.memory_space<vmem>>
        %dma_start3A_72 = arith.constant 0 : i32
        %dma_start3A_73 = arith.constant 0 : i32
        %dma_start3A_74 = tpu.memref_slice %arg11[%dma_start3A_72, %dma_start3A_73] : memref<10112x128xf32, #tpu.memory_space<vmem_shared>> -> memref<10112x128xf32, #tpu.memory_space<vmem_shared>>
        tpu.enqueue_indirect_dma source(%arg9 : memref<128x128xf32, #tpu.memory_space<vmem>>) target(%dma_start3A_74 : memref<10112x128xf32, #tpu.memory_space<vmem_shared>>) offsets(%dma_start3A_71 : memref<128xi32, #tpu.memory_space<vmem>>) semaphore(%run_scoped3A_68 : memref<!tpu.dma_semaphore, #tpu.memory_space<semaphore_mem>>) {add = true}
        %dma_wait3A_75 = arith.constant 0 : i32
        %dma_wait3A_76 = tpu.memref_slice %arg8[%run_scoped3A, %dma_wait3A_75] : memref<40x128xi32, #tpu.memory_space<vmem>> -> memref<1x128xi32, #tpu.memory_space<vmem>>
        %dma_wait3A_77 = tpu.memref_squeeze %dma_wait3A_76 : memref<1x128xi32, #tpu.memory_space<vmem>> -> memref<128xi32, #tpu.memory_space<vmem>>
        %dma_wait3A_78 = arith.constant 0 : i32
        %dma_wait3A_79 = arith.constant 0 : i32
        %dma_wait3A_80 = tpu.memref_slice %arg11[%dma_wait3A_78, %dma_wait3A_79] : memref<10112x128xf32, #tpu.memory_space<vmem_shared>> -> memref<10112x128xf32, #tpu.memory_space<vmem_shared>>
        tpu.wait_indirect_dma semaphore(%run_scoped3A_68 : memref<!tpu.dma_semaphore, #tpu.memory_space<semaphore_mem>>) src(%arg9 : memref<128x128xf32, #tpu.memory_space<vmem>>) dst(%dma_wait3A_80 : memref<10112x128xf32, #tpu.memory_space<vmem_shared>>)
        tpu.yield
      }) : () -> ()
      %dma_wait3A_59 = arith.constant 39 : i32
      %dma_wait3A_60 = arith.constant 0 : i32
      %dma_wait3A_61 = tpu.memref_slice %arg7[%dma_wait3A_59, %dma_wait3A_60] : memref<40x128xi32, #tpu.memory_space<vmem>> -> memref<1x128xi32, #tpu.memory_space<vmem>>
      %dma_wait3A_62 = tpu.memref_squeeze %dma_wait3A_61 : memref<1x128xi32, #tpu.memory_space<vmem>> -> memref<128xi32, #tpu.memory_space<vmem>>
      %dma_wait3A_63 = arith.constant 0 : i32
      %dma_wait3A_64 = arith.constant 0 : i32
      %dma_wait3A_65 = tpu.memref_slice %arg2[%dma_wait3A_63, %dma_wait3A_64] : memref<20000x128xf32, #tpu.memory_space<hbm>> -> memref<20000x128xf32, #tpu.memory_space<hbm>>
      tpu.wait_indirect_dma semaphore(%arg13 : memref<!tpu.dma_semaphore, #tpu.memory_space<semaphore_mem>>) src(%dma_wait3A_65 : memref<20000x128xf32, #tpu.memory_space<hbm>>) dst(%arg10 : memref<128x128xf32, #tpu.memory_space<vmem>>)
      %run_scoped3A_66 = arith.constant 39 : i32
      "tpu.region"() ({
        %run_scoped3A_68 = tpu.sem_alloc : memref<!tpu.dma_semaphore, #tpu.memory_space<semaphore_mem>>
        %dma_start3A_69 = arith.constant 0 : i32
        %dma_start3A_70 = tpu.memref_slice %arg8[%run_scoped3A_66, %dma_start3A_69] : memref<40x128xi32, #tpu.memory_space<vmem>> -> memref<1x128xi32, #tpu.memory_space<vmem>>
        %dma_start3A_71 = tpu.memref_squeeze %dma_start3A_70 : memref<1x128xi32, #tpu.memory_space<vmem>> -> memref<128xi32, #tpu.memory_space<vmem>>
        %dma_start3A_72 = arith.constant 0 : i32
        %dma_start3A_73 = arith.constant 0 : i32
        %dma_start3A_74 = tpu.memref_slice %arg11[%dma_start3A_72, %dma_start3A_73] : memref<10112x128xf32, #tpu.memory_space<vmem_shared>> -> memref<10112x128xf32, #tpu.memory_space<vmem_shared>>
        tpu.enqueue_indirect_dma source(%arg10 : memref<128x128xf32, #tpu.memory_space<vmem>>) target(%dma_start3A_74 : memref<10112x128xf32, #tpu.memory_space<vmem_shared>>) offsets(%dma_start3A_71 : memref<128xi32, #tpu.memory_space<vmem>>) semaphore(%run_scoped3A_68 : memref<!tpu.dma_semaphore, #tpu.memory_space<semaphore_mem>>) {add = true}
        %dma_wait3A_75 = arith.constant 0 : i32
        %dma_wait3A_76 = tpu.memref_slice %arg8[%run_scoped3A_66, %dma_wait3A_75] : memref<40x128xi32, #tpu.memory_space<vmem>> -> memref<1x128xi32, #tpu.memory_space<vmem>>
        %dma_wait3A_77 = tpu.memref_squeeze %dma_wait3A_76 : memref<1x128xi32, #tpu.memory_space<vmem>> -> memref<128xi32, #tpu.memory_space<vmem>>
        %dma_wait3A_78 = arith.constant 0 : i32
        %dma_wait3A_79 = arith.constant 0 : i32
        %dma_wait3A_80 = tpu.memref_slice %arg11[%dma_wait3A_78, %dma_wait3A_79] : memref<10112x128xf32, #tpu.memory_space<vmem_shared>> -> memref<10112x128xf32, #tpu.memory_space<vmem_shared>>
        tpu.wait_indirect_dma semaphore(%run_scoped3A_68 : memref<!tpu.dma_semaphore, #tpu.memory_space<semaphore_mem>>) src(%arg10 : memref<128x128xf32, #tpu.memory_space<vmem>>) dst(%dma_wait3A_80 : memref<10112x128xf32, #tpu.memory_space<vmem_shared>>)
        tpu.yield
      }) : () -> ()
      %scan3A_67 = arith.constant 0 : i32
      scf.yield %scan3A_67 : i32
    }
    %scan3A_18 = arith.constant 2 : i32
    %barrier3A_19 = arith.constant 0 : index
    tpu.barrier barrier_id(%barrier3A_19)
    %mul3A_20 = arith.constant 632 : i32
    %mul3A_21 = arith.muli %arg1, %mul3A_20 : i32
    %mul3A_22 = arith.constant 10112 : i32
    %mul3A_23 = arith.muli %arg0, %mul3A_22 : i32
    %mul3A_24 = arith.constant 632 : i32
    %mul3A_25 = arith.muli %arg1, %mul3A_24 : i32
    %add3A_26 = arith.addi %mul3A_23, %mul3A_25 : i32
    "tpu.region"() ({
      %run_scoped3A = tpu.sem_alloc : memref<!tpu.dma_semaphore, #tpu.memory_space<semaphore_mem>>
      %dma_start3A = arith.constant 0 : i32
      %dma_start3A_27 = tpu.memref_slice %arg6[%add3A_26, %dma_start3A] : memref<20224x128xf32, #tpu.memory_space<hbm>> -> memref<632x128xf32, #tpu.memory_space<hbm>>
      %dma_start3A_28 = arith.constant 0 : i32
      %dma_start3A_29 = tpu.memref_slice %arg11[%mul3A_21, %dma_start3A_28] : memref<10112x128xf32, #tpu.memory_space<vmem_shared>> -> memref<632x128xf32, #tpu.memory_space<vmem_shared>>
      tpu.enqueue_dma source(%dma_start3A_29 : memref<632x128xf32, #tpu.memory_space<vmem_shared>>) target(%dma_start3A_27 : memref<632x128xf32, #tpu.memory_space<hbm>>) target_semaphore(%run_scoped3A : memref<!tpu.dma_semaphore, #tpu.memory_space<semaphore_mem>>)
      %dma_wait3A = arith.constant 0 : i32
      %dma_wait3A_30 = tpu.memref_slice %arg6[%add3A_26, %dma_wait3A] : memref<20224x128xf32, #tpu.memory_space<hbm>> -> memref<632x128xf32, #tpu.memory_space<hbm>>
      %dma_wait3A_31 = arith.constant 0 : i32
      %dma_wait3A_32 = tpu.memref_slice %arg11[%mul3A_21, %dma_wait3A_31] : memref<10112x128xf32, #tpu.memory_space<vmem_shared>> -> memref<632x128xf32, #tpu.memory_space<vmem_shared>>
      tpu.wait_dma2 semaphore(%run_scoped3A : memref<!tpu.dma_semaphore, #tpu.memory_space<semaphore_mem>>) src(%dma_wait3A_32 : memref<632x128xf32, #tpu.memory_space<vmem_shared>>) dst(%dma_wait3A_30 : memref<632x128xf32, #tpu.memory_space<hbm>>)
      tpu.yield
    }) : () -> ()
    return
  }
}

#map = affine_map<(d0, d1) -> (0, 0, 0)>
#map1 = affine_map<(d0, d1) -> (0, 0)>
module attributes {stable_mosaic.version = 14 : i64} {
  func.func @_deg_body(%arg0: i32, %arg1: i32, %arg2: memref<32x40x128xi32, #tpu.memory_space<hbm>>, %arg3: memref<128x128xf32, #tpu.memory_space<hbm>>, %arg4: memref<128x128xf32, #tpu.memory_space<hbm>>, %arg5: memref<20224x128xf32, #tpu.memory_space<hbm>>, %arg6: memref<40x128xi32, #tpu.memory_space<vmem>>, %arg7: memref<128x128xf32, #tpu.memory_space<vmem>>, %arg8: memref<10112x128xf32, #tpu.memory_space<vmem_shared>>, %arg9: memref<!tpu.dma_semaphore, #tpu.memory_space<semaphore_mem>>) attributes {dimension_semantics = [#tpu.dimension_semantics<core_parallel>, #tpu.dimension_semantics<subcore_parallel>], iteration_bounds = array<i64: 2, 16>, scalar_prefetch = 0 : i64, scratch_operands = 4 : i64, tpu.core_type = #tpu.core_type<sc_vector_subcore>, window_params = [{transform_indices = #map}, {transform_indices = #map1}, {transform_indices = #map1}, {transform_indices = #map1}]} {
    %mul3A = arith.constant 16 : i32
    %mul3A_0 = arith.muli %arg0, %mul3A : i32
    %add3A = arith.addi %mul3A_0, %arg1 : i32
    "tpu.region"() ({
      %run_scoped3A = tpu.sem_alloc : memref<!tpu.dma_semaphore, #tpu.memory_space<semaphore_mem>>
      %dma_start3A = arith.constant 0 : i32
      %dma_start3A_27 = arith.constant 0 : i32
      %dma_start3A_28 = tpu.memref_slice %arg2[%add3A, %dma_start3A, %dma_start3A_27] : memref<32x40x128xi32, #tpu.memory_space<hbm>> -> memref<1x40x128xi32, #tpu.memory_space<hbm>>
      %dma_start3A_29 = tpu.memref_squeeze %dma_start3A_28 : memref<1x40x128xi32, #tpu.memory_space<hbm>> -> memref<40x128xi32, #tpu.memory_space<hbm>>
      %dma_start3A_30 = arith.constant 0 : i32
      %dma_start3A_31 = arith.constant 0 : i32
      %dma_start3A_32 = tpu.memref_slice %arg2[%add3A, %dma_start3A_30, %dma_start3A_31] : memref<32x40x128xi32, #tpu.memory_space<hbm>> -> memref<1x40x128xi32, #tpu.memory_space<hbm>>
      %dma_start3A_33 = tpu.memref_squeeze %dma_start3A_32 : memref<1x40x128xi32, #tpu.memory_space<hbm>> -> memref<40x128xi32, #tpu.memory_space<hbm>>
      tpu.enqueue_dma source(%dma_start3A_33 : memref<40x128xi32, #tpu.memory_space<hbm>>) target(%arg6 : memref<40x128xi32, #tpu.memory_space<vmem>>) target_semaphore(%run_scoped3A : memref<!tpu.dma_semaphore, #tpu.memory_space<semaphore_mem>>)
      %dma_wait3A = arith.constant 0 : i32
      %dma_wait3A_34 = arith.constant 0 : i32
      %dma_wait3A_35 = tpu.memref_slice %arg2[%add3A, %dma_wait3A, %dma_wait3A_34] : memref<32x40x128xi32, #tpu.memory_space<hbm>> -> memref<1x40x128xi32, #tpu.memory_space<hbm>>
      %dma_wait3A_36 = tpu.memref_squeeze %dma_wait3A_35 : memref<1x40x128xi32, #tpu.memory_space<hbm>> -> memref<40x128xi32, #tpu.memory_space<hbm>>
      %dma_wait3A_37 = arith.constant 0 : i32
      %dma_wait3A_38 = arith.constant 0 : i32
      %dma_wait3A_39 = tpu.memref_slice %arg2[%add3A, %dma_wait3A_37, %dma_wait3A_38] : memref<32x40x128xi32, #tpu.memory_space<hbm>> -> memref<1x40x128xi32, #tpu.memory_space<hbm>>
      %dma_wait3A_40 = tpu.memref_squeeze %dma_wait3A_39 : memref<1x40x128xi32, #tpu.memory_space<hbm>> -> memref<40x128xi32, #tpu.memory_space<hbm>>
      tpu.wait_dma2 semaphore(%run_scoped3A : memref<!tpu.dma_semaphore, #tpu.memory_space<semaphore_mem>>) src(%dma_wait3A_40 : memref<40x128xi32, #tpu.memory_space<hbm>>) dst(%arg6 : memref<40x128xi32, #tpu.memory_space<vmem>>)
      tpu.yield
    }) : () -> ()
    "tpu.region"() ({
      %run_scoped3A = tpu.sem_alloc : memref<!tpu.dma_semaphore, #tpu.memory_space<semaphore_mem>>
      tpu.enqueue_dma source(%arg3 : memref<128x128xf32, #tpu.memory_space<hbm>>) target(%arg7 : memref<128x128xf32, #tpu.memory_space<vmem>>) target_semaphore(%run_scoped3A : memref<!tpu.dma_semaphore, #tpu.memory_space<semaphore_mem>>)
      tpu.wait_dma2 semaphore(%run_scoped3A : memref<!tpu.dma_semaphore, #tpu.memory_space<semaphore_mem>>) src(%arg3 : memref<128x128xf32, #tpu.memory_space<hbm>>) dst(%arg7 : memref<128x128xf32, #tpu.memory_space<vmem>>)
      tpu.yield
    }) : () -> ()
    %mul3A_1 = arith.constant 632 : i32
    %mul3A_2 = arith.muli %arg1, %mul3A_1 : i32
    %add3A_3 = arith.constant 0 : i32
    %add3A_4 = arith.addi %mul3A_2, %add3A_3 : i32
    "tpu.region"() ({
      %run_scoped3A = tpu.sem_alloc : memref<!tpu.dma_semaphore, #tpu.memory_space<semaphore_mem>>
      %dma_start3A = arith.constant 0 : i32
      %dma_start3A_27 = tpu.memref_slice %arg8[%add3A_4, %dma_start3A] : memref<10112x128xf32, #tpu.memory_space<vmem_shared>> -> memref<128x128xf32, #tpu.memory_space<vmem_shared>>
      tpu.enqueue_dma source(%arg4 : memref<128x128xf32, #tpu.memory_space<hbm>>) target(%dma_start3A_27 : memref<128x128xf32, #tpu.memory_space<vmem_shared>>) target_semaphore(%run_scoped3A : memref<!tpu.dma_semaphore, #tpu.memory_space<semaphore_mem>>)
      %dma_wait3A = arith.constant 0 : i32
      %dma_wait3A_28 = tpu.memref_slice %arg8[%add3A_4, %dma_wait3A] : memref<10112x128xf32, #tpu.memory_space<vmem_shared>> -> memref<128x128xf32, #tpu.memory_space<vmem_shared>>
      tpu.wait_dma2 semaphore(%run_scoped3A : memref<!tpu.dma_semaphore, #tpu.memory_space<semaphore_mem>>) src(%arg4 : memref<128x128xf32, #tpu.memory_space<hbm>>) dst(%dma_wait3A_28 : memref<128x128xf32, #tpu.memory_space<vmem_shared>>)
      tpu.yield
    }) : () -> ()
    %add3A_5 = arith.constant 128 : i32
    %add3A_6 = arith.addi %mul3A_2, %add3A_5 : i32
    "tpu.region"() ({
      %run_scoped3A = tpu.sem_alloc : memref<!tpu.dma_semaphore, #tpu.memory_space<semaphore_mem>>
      %dma_start3A = arith.constant 0 : i32
      %dma_start3A_27 = tpu.memref_slice %arg8[%add3A_6, %dma_start3A] : memref<10112x128xf32, #tpu.memory_space<vmem_shared>> -> memref<128x128xf32, #tpu.memory_space<vmem_shared>>
      tpu.enqueue_dma source(%arg4 : memref<128x128xf32, #tpu.memory_space<hbm>>) target(%dma_start3A_27 : memref<128x128xf32, #tpu.memory_space<vmem_shared>>) target_semaphore(%run_scoped3A : memref<!tpu.dma_semaphore, #tpu.memory_space<semaphore_mem>>)
      %dma_wait3A = arith.constant 0 : i32
      %dma_wait3A_28 = tpu.memref_slice %arg8[%add3A_6, %dma_wait3A] : memref<10112x128xf32, #tpu.memory_space<vmem_shared>> -> memref<128x128xf32, #tpu.memory_space<vmem_shared>>
      tpu.wait_dma2 semaphore(%run_scoped3A : memref<!tpu.dma_semaphore, #tpu.memory_space<semaphore_mem>>) src(%arg4 : memref<128x128xf32, #tpu.memory_space<hbm>>) dst(%dma_wait3A_28 : memref<128x128xf32, #tpu.memory_space<vmem_shared>>)
      tpu.yield
    }) : () -> ()
    %add3A_7 = arith.constant 256 : i32
    %add3A_8 = arith.addi %mul3A_2, %add3A_7 : i32
    "tpu.region"() ({
      %run_scoped3A = tpu.sem_alloc : memref<!tpu.dma_semaphore, #tpu.memory_space<semaphore_mem>>
      %dma_start3A = arith.constant 0 : i32
      %dma_start3A_27 = tpu.memref_slice %arg8[%add3A_8, %dma_start3A] : memref<10112x128xf32, #tpu.memory_space<vmem_shared>> -> memref<128x128xf32, #tpu.memory_space<vmem_shared>>
      tpu.enqueue_dma source(%arg4 : memref<128x128xf32, #tpu.memory_space<hbm>>) target(%dma_start3A_27 : memref<128x128xf32, #tpu.memory_space<vmem_shared>>) target_semaphore(%run_scoped3A : memref<!tpu.dma_semaphore, #tpu.memory_space<semaphore_mem>>)
      %dma_wait3A = arith.constant 0 : i32
      %dma_wait3A_28 = tpu.memref_slice %arg8[%add3A_8, %dma_wait3A] : memref<10112x128xf32, #tpu.memory_space<vmem_shared>> -> memref<128x128xf32, #tpu.memory_space<vmem_shared>>
      tpu.wait_dma2 semaphore(%run_scoped3A : memref<!tpu.dma_semaphore, #tpu.memory_space<semaphore_mem>>) src(%arg4 : memref<128x128xf32, #tpu.memory_space<hbm>>) dst(%dma_wait3A_28 : memref<128x128xf32, #tpu.memory_space<vmem_shared>>)
      tpu.yield
    }) : () -> ()
    %add3A_9 = arith.constant 384 : i32
    %add3A_10 = arith.addi %mul3A_2, %add3A_9 : i32
    "tpu.region"() ({
      %run_scoped3A = tpu.sem_alloc : memref<!tpu.dma_semaphore, #tpu.memory_space<semaphore_mem>>
      %dma_start3A = arith.constant 0 : i32
      %dma_start3A_27 = tpu.memref_slice %arg8[%add3A_10, %dma_start3A] : memref<10112x128xf32, #tpu.memory_space<vmem_shared>> -> memref<128x128xf32, #tpu.memory_space<vmem_shared>>
      tpu.enqueue_dma source(%arg4 : memref<128x128xf32, #tpu.memory_space<hbm>>) target(%dma_start3A_27 : memref<128x128xf32, #tpu.memory_space<vmem_shared>>) target_semaphore(%run_scoped3A : memref<!tpu.dma_semaphore, #tpu.memory_space<semaphore_mem>>)
      %dma_wait3A = arith.constant 0 : i32
      %dma_wait3A_28 = tpu.memref_slice %arg8[%add3A_10, %dma_wait3A] : memref<10112x128xf32, #tpu.memory_space<vmem_shared>> -> memref<128x128xf32, #tpu.memory_space<vmem_shared>>
      tpu.wait_dma2 semaphore(%run_scoped3A : memref<!tpu.dma_semaphore, #tpu.memory_space<semaphore_mem>>) src(%arg4 : memref<128x128xf32, #tpu.memory_space<hbm>>) dst(%dma_wait3A_28 : memref<128x128xf32, #tpu.memory_space<vmem_shared>>)
      tpu.yield
    }) : () -> ()
    %add3A_11 = arith.constant 512 : i32
    %add3A_12 = arith.addi %mul3A_2, %add3A_11 : i32
    "tpu.region"() ({
      %run_scoped3A = tpu.sem_alloc : memref<!tpu.dma_semaphore, #tpu.memory_space<semaphore_mem>>
      %dma_start3A = arith.constant 0 : i32
      %dma_start3A_27 = tpu.memref_slice %arg8[%add3A_12, %dma_start3A] : memref<10112x128xf32, #tpu.memory_space<vmem_shared>> -> memref<120x128xf32, #tpu.memory_space<vmem_shared>>
      %dma_start3A_28 = arith.constant 0 : i32
      %dma_start3A_29 = arith.constant 0 : i32
      %dma_start3A_30 = tpu.memref_slice %arg4[%dma_start3A_28, %dma_start3A_29] : memref<128x128xf32, #tpu.memory_space<hbm>> -> memref<120x128xf32, #tpu.memory_space<hbm>>
      tpu.enqueue_dma source(%dma_start3A_30 : memref<120x128xf32, #tpu.memory_space<hbm>>) target(%dma_start3A_27 : memref<120x128xf32, #tpu.memory_space<vmem_shared>>) target_semaphore(%run_scoped3A : memref<!tpu.dma_semaphore, #tpu.memory_space<semaphore_mem>>)
      %dma_wait3A = arith.constant 0 : i32
      %dma_wait3A_31 = tpu.memref_slice %arg8[%add3A_12, %dma_wait3A] : memref<10112x128xf32, #tpu.memory_space<vmem_shared>> -> memref<120x128xf32, #tpu.memory_space<vmem_shared>>
      %dma_wait3A_32 = arith.constant 0 : i32
      %dma_wait3A_33 = arith.constant 0 : i32
      %dma_wait3A_34 = tpu.memref_slice %arg4[%dma_wait3A_32, %dma_wait3A_33] : memref<128x128xf32, #tpu.memory_space<hbm>> -> memref<120x128xf32, #tpu.memory_space<hbm>>
      tpu.wait_dma2 semaphore(%run_scoped3A : memref<!tpu.dma_semaphore, #tpu.memory_space<semaphore_mem>>) src(%dma_wait3A_34 : memref<120x128xf32, #tpu.memory_space<hbm>>) dst(%dma_wait3A_31 : memref<120x128xf32, #tpu.memory_space<vmem_shared>>)
      tpu.yield
    }) : () -> ()
    %barrier3A = arith.constant 0 : index
    tpu.barrier barrier_id(%barrier3A)
    %scan3A = arith.constant 0 : i32
    %scan3A_13 = arith.constant 0 : i32
    %scan3A_14 = arith.constant 40 : i32
    %scan3A_15 = arith.addi %scan3A_13, %scan3A_14 : i32
    %scan3A_16 = arith.constant 1 : i32
    %scan3A_17 = scf.for %scan3A_27 = %scan3A_13 to %scan3A_15 step %scan3A_16 iter_args(%scan3A_28 = %scan3A) -> (i32)  : i32 {
      "tpu.region"() ({
        %run_scoped3A = tpu.sem_alloc : memref<!tpu.dma_semaphore, #tpu.memory_space<semaphore_mem>>
        %dma_start3A = arith.constant 0 : i32
        %dma_start3A_30 = tpu.memref_slice %arg6[%scan3A_27, %dma_start3A] : memref<40x128xi32, #tpu.memory_space<vmem>> -> memref<1x128xi32, #tpu.memory_space<vmem>>
        %dma_start3A_31 = tpu.memref_squeeze %dma_start3A_30 : memref<1x128xi32, #tpu.memory_space<vmem>> -> memref<128xi32, #tpu.memory_space<vmem>>
        %dma_start3A_32 = arith.constant 0 : i32
        %dma_start3A_33 = arith.constant 0 : i32
        %dma_start3A_34 = tpu.memref_slice %arg8[%dma_start3A_32, %dma_start3A_33] : memref<10112x128xf32, #tpu.memory_space<vmem_shared>> -> memref<10112x128xf32, #tpu.memory_space<vmem_shared>>
        tpu.enqueue_indirect_dma source(%arg7 : memref<128x128xf32, #tpu.memory_space<vmem>>) target(%dma_start3A_34 : memref<10112x128xf32, #tpu.memory_space<vmem_shared>>) offsets(%dma_start3A_31 : memref<128xi32, #tpu.memory_space<vmem>>) semaphore(%run_scoped3A : memref<!tpu.dma_semaphore, #tpu.memory_space<semaphore_mem>>) {add = true}
        %dma_wait3A = arith.constant 0 : i32
        %dma_wait3A_35 = tpu.memref_slice %arg6[%scan3A_27, %dma_wait3A] : memref<40x128xi32, #tpu.memory_space<vmem>> -> memref<1x128xi32, #tpu.memory_space<vmem>>
        %dma_wait3A_36 = tpu.memref_squeeze %dma_wait3A_35 : memref<1x128xi32, #tpu.memory_space<vmem>> -> memref<128xi32, #tpu.memory_space<vmem>>
        %dma_wait3A_37 = arith.constant 0 : i32
        %dma_wait3A_38 = arith.constant 0 : i32
        %dma_wait3A_39 = tpu.memref_slice %arg8[%dma_wait3A_37, %dma_wait3A_38] : memref<10112x128xf32, #tpu.memory_space<vmem_shared>> -> memref<10112x128xf32, #tpu.memory_space<vmem_shared>>
        tpu.wait_indirect_dma semaphore(%run_scoped3A : memref<!tpu.dma_semaphore, #tpu.memory_space<semaphore_mem>>) src(%arg7 : memref<128x128xf32, #tpu.memory_space<vmem>>) dst(%dma_wait3A_39 : memref<10112x128xf32, #tpu.memory_space<vmem_shared>>)
        tpu.yield
      }) : () -> ()
      %scan3A_29 = arith.constant 0 : i32
      scf.yield %scan3A_29 : i32
    }
    %scan3A_18 = arith.constant 40 : i32
    %barrier3A_19 = arith.constant 0 : index
    tpu.barrier barrier_id(%barrier3A_19)
    %mul3A_20 = arith.constant 632 : i32
    %mul3A_21 = arith.muli %arg1, %mul3A_20 : i32
    %mul3A_22 = arith.constant 10112 : i32
    %mul3A_23 = arith.muli %arg0, %mul3A_22 : i32
    %mul3A_24 = arith.constant 632 : i32
    %mul3A_25 = arith.muli %arg1, %mul3A_24 : i32
    %add3A_26 = arith.addi %mul3A_23, %mul3A_25 : i32
    "tpu.region"() ({
      %run_scoped3A = tpu.sem_alloc : memref<!tpu.dma_semaphore, #tpu.memory_space<semaphore_mem>>
      %dma_start3A = arith.constant 0 : i32
      %dma_start3A_27 = tpu.memref_slice %arg5[%add3A_26, %dma_start3A] : memref<20224x128xf32, #tpu.memory_space<hbm>> -> memref<632x128xf32, #tpu.memory_space<hbm>>
      %dma_start3A_28 = arith.constant 0 : i32
      %dma_start3A_29 = tpu.memref_slice %arg8[%mul3A_21, %dma_start3A_28] : memref<10112x128xf32, #tpu.memory_space<vmem_shared>> -> memref<632x128xf32, #tpu.memory_space<vmem_shared>>
      tpu.enqueue_dma source(%dma_start3A_29 : memref<632x128xf32, #tpu.memory_space<vmem_shared>>) target(%dma_start3A_27 : memref<632x128xf32, #tpu.memory_space<hbm>>) target_semaphore(%run_scoped3A : memref<!tpu.dma_semaphore, #tpu.memory_space<semaphore_mem>>)
      %dma_wait3A = arith.constant 0 : i32
      %dma_wait3A_30 = tpu.memref_slice %arg5[%add3A_26, %dma_wait3A] : memref<20224x128xf32, #tpu.memory_space<hbm>> -> memref<632x128xf32, #tpu.memory_space<hbm>>
      %dma_wait3A_31 = arith.constant 0 : i32
      %dma_wait3A_32 = tpu.memref_slice %arg8[%mul3A_21, %dma_wait3A_31] : memref<10112x128xf32, #tpu.memory_space<vmem_shared>> -> memref<632x128xf32, #tpu.memory_space<vmem_shared>>
      tpu.wait_dma2 semaphore(%run_scoped3A : memref<!tpu.dma_semaphore, #tpu.memory_space<semaphore_mem>>) src(%dma_wait3A_32 : memref<632x128xf32, #tpu.memory_space<vmem_shared>>) dst(%dma_wait3A_30 : memref<632x128xf32, #tpu.memory_space<hbm>>)
      tpu.yield
    }) : () -> ()
    return
  }
}

#map = affine_map<(d0, d1) -> (0, 0)>
#map1 = affine_map<(d0, d1) -> (0, 0, 0)>
module attributes {stable_mosaic.version = 14 : i64} {
  func.func @_scatter_body(%arg0: i32, %arg1: i32, %arg2: memref<10000x128xf32, #tpu.memory_space<hbm>>, %arg3: memref<32x40x128xi32, #tpu.memory_space<hbm>>, %arg4: memref<32x40x128xi32, #tpu.memory_space<hbm>>, %arg5: memref<128x128xf32, #tpu.memory_space<hbm>>, %arg6: memref<20224x128xf32, #tpu.memory_space<hbm>>, %arg7: memref<40x128xi32, #tpu.memory_space<vmem>>, %arg8: memref<40x128xi32, #tpu.memory_space<vmem>>, %arg9: memref<128x128xf32, #tpu.memory_space<vmem>>, %arg10: memref<128x128xf32, #tpu.memory_space<vmem>>, %arg11: memref<10112x128xf32, #tpu.memory_space<vmem_shared>>, %arg12: memref<!tpu.dma_semaphore, #tpu.memory_space<semaphore_mem>>, %arg13: memref<!tpu.dma_semaphore, #tpu.memory_space<semaphore_mem>>) attributes {dimension_semantics = [#tpu.dimension_semantics<core_parallel>, #tpu.dimension_semantics<subcore_parallel>], iteration_bounds = array<i64: 2, 16>, scalar_prefetch = 0 : i64, scratch_operands = 7 : i64, tpu.core_type = #tpu.core_type<sc_vector_subcore>, window_params = [{transform_indices = #map}, {transform_indices = #map1}, {transform_indices = #map1}, {transform_indices = #map}, {transform_indices = #map}]} {
    %mul3A = arith.constant 16 : i32
    %mul3A_0 = arith.muli %arg0, %mul3A : i32
    %add3A = arith.addi %mul3A_0, %arg1 : i32
    %mul3A_1 = arith.constant 632 : i32
    %mul3A_2 = arith.muli %arg1, %mul3A_1 : i32
    %add3A_3 = arith.constant 0 : i32
    %add3A_4 = arith.addi %mul3A_2, %add3A_3 : i32
    "tpu.region"() ({
      %run_scoped3A_62 = tpu.sem_alloc : memref<!tpu.dma_semaphore, #tpu.memory_space<semaphore_mem>>
      %dma_start3A_63 = arith.constant 0 : i32
      %dma_start3A_64 = tpu.memref_slice %arg11[%add3A_4, %dma_start3A_63] : memref<10112x128xf32, #tpu.memory_space<vmem_shared>> -> memref<128x128xf32, #tpu.memory_space<vmem_shared>>
      tpu.enqueue_dma source(%arg5 : memref<128x128xf32, #tpu.memory_space<hbm>>) target(%dma_start3A_64 : memref<128x128xf32, #tpu.memory_space<vmem_shared>>) target_semaphore(%run_scoped3A_62 : memref<!tpu.dma_semaphore, #tpu.memory_space<semaphore_mem>>)
      %dma_wait3A_65 = arith.constant 0 : i32
      %dma_wait3A_66 = tpu.memref_slice %arg11[%add3A_4, %dma_wait3A_65] : memref<10112x128xf32, #tpu.memory_space<vmem_shared>> -> memref<128x128xf32, #tpu.memory_space<vmem_shared>>
      tpu.wait_dma2 semaphore(%run_scoped3A_62 : memref<!tpu.dma_semaphore, #tpu.memory_space<semaphore_mem>>) src(%arg5 : memref<128x128xf32, #tpu.memory_space<hbm>>) dst(%dma_wait3A_66 : memref<128x128xf32, #tpu.memory_space<vmem_shared>>)
      tpu.yield
    }) : () -> ()
    %add3A_5 = arith.constant 128 : i32
    %add3A_6 = arith.addi %mul3A_2, %add3A_5 : i32
    "tpu.region"() ({
      %run_scoped3A_62 = tpu.sem_alloc : memref<!tpu.dma_semaphore, #tpu.memory_space<semaphore_mem>>
      %dma_start3A_63 = arith.constant 0 : i32
      %dma_start3A_64 = tpu.memref_slice %arg11[%add3A_6, %dma_start3A_63] : memref<10112x128xf32, #tpu.memory_space<vmem_shared>> -> memref<128x128xf32, #tpu.memory_space<vmem_shared>>
      tpu.enqueue_dma source(%arg5 : memref<128x128xf32, #tpu.memory_space<hbm>>) target(%dma_start3A_64 : memref<128x128xf32, #tpu.memory_space<vmem_shared>>) target_semaphore(%run_scoped3A_62 : memref<!tpu.dma_semaphore, #tpu.memory_space<semaphore_mem>>)
      %dma_wait3A_65 = arith.constant 0 : i32
      %dma_wait3A_66 = tpu.memref_slice %arg11[%add3A_6, %dma_wait3A_65] : memref<10112x128xf32, #tpu.memory_space<vmem_shared>> -> memref<128x128xf32, #tpu.memory_space<vmem_shared>>
      tpu.wait_dma2 semaphore(%run_scoped3A_62 : memref<!tpu.dma_semaphore, #tpu.memory_space<semaphore_mem>>) src(%arg5 : memref<128x128xf32, #tpu.memory_space<hbm>>) dst(%dma_wait3A_66 : memref<128x128xf32, #tpu.memory_space<vmem_shared>>)
      tpu.yield
    }) : () -> ()
    %add3A_7 = arith.constant 256 : i32
    %add3A_8 = arith.addi %mul3A_2, %add3A_7 : i32
    "tpu.region"() ({
      %run_scoped3A_62 = tpu.sem_alloc : memref<!tpu.dma_semaphore, #tpu.memory_space<semaphore_mem>>
      %dma_start3A_63 = arith.constant 0 : i32
      %dma_start3A_64 = tpu.memref_slice %arg11[%add3A_8, %dma_start3A_63] : memref<10112x128xf32, #tpu.memory_space<vmem_shared>> -> memref<128x128xf32, #tpu.memory_space<vmem_shared>>
      tpu.enqueue_dma source(%arg5 : memref<128x128xf32, #tpu.memory_space<hbm>>) target(%dma_start3A_64 : memref<128x128xf32, #tpu.memory_space<vmem_shared>>) target_semaphore(%run_scoped3A_62 : memref<!tpu.dma_semaphore, #tpu.memory_space<semaphore_mem>>)
      %dma_wait3A_65 = arith.constant 0 : i32
      %dma_wait3A_66 = tpu.memref_slice %arg11[%add3A_8, %dma_wait3A_65] : memref<10112x128xf32, #tpu.memory_space<vmem_shared>> -> memref<128x128xf32, #tpu.memory_space<vmem_shared>>
      tpu.wait_dma2 semaphore(%run_scoped3A_62 : memref<!tpu.dma_semaphore, #tpu.memory_space<semaphore_mem>>) src(%arg5 : memref<128x128xf32, #tpu.memory_space<hbm>>) dst(%dma_wait3A_66 : memref<128x128xf32, #tpu.memory_space<vmem_shared>>)
      tpu.yield
    }) : () -> ()
    %add3A_9 = arith.constant 384 : i32
    %add3A_10 = arith.addi %mul3A_2, %add3A_9 : i32
    "tpu.region"() ({
      %run_scoped3A_62 = tpu.sem_alloc : memref<!tpu.dma_semaphore, #tpu.memory_space<semaphore_mem>>
      %dma_start3A_63 = arith.constant 0 : i32
      %dma_start3A_64 = tpu.memref_slice %arg11[%add3A_10, %dma_start3A_63] : memref<10112x128xf32, #tpu.memory_space<vmem_shared>> -> memref<128x128xf32, #tpu.memory_space<vmem_shared>>
      tpu.enqueue_dma source(%arg5 : memref<128x128xf32, #tpu.memory_space<hbm>>) target(%dma_start3A_64 : memref<128x128xf32, #tpu.memory_space<vmem_shared>>) target_semaphore(%run_scoped3A_62 : memref<!tpu.dma_semaphore, #tpu.memory_space<semaphore_mem>>)
      %dma_wait3A_65 = arith.constant 0 : i32
      %dma_wait3A_66 = tpu.memref_slice %arg11[%add3A_10, %dma_wait3A_65] : memref<10112x128xf32, #tpu.memory_space<vmem_shared>> -> memref<128x128xf32, #tpu.memory_space<vmem_shared>>
      tpu.wait_dma2 semaphore(%run_scoped3A_62 : memref<!tpu.dma_semaphore, #tpu.memory_space<semaphore_mem>>) src(%arg5 : memref<128x128xf32, #tpu.memory_space<hbm>>) dst(%dma_wait3A_66 : memref<128x128xf32, #tpu.memory_space<vmem_shared>>)
      tpu.yield
    }) : () -> ()
    %add3A_11 = arith.constant 512 : i32
    %add3A_12 = arith.addi %mul3A_2, %add3A_11 : i32
    "tpu.region"() ({
      %run_scoped3A_62 = tpu.sem_alloc : memref<!tpu.dma_semaphore, #tpu.memory_space<semaphore_mem>>
      %dma_start3A_63 = arith.constant 0 : i32
      %dma_start3A_64 = tpu.memref_slice %arg11[%add3A_12, %dma_start3A_63] : memref<10112x128xf32, #tpu.memory_space<vmem_shared>> -> memref<120x128xf32, #tpu.memory_space<vmem_shared>>
      %dma_start3A_65 = arith.constant 0 : i32
      %dma_start3A_66 = arith.constant 0 : i32
      %dma_start3A_67 = tpu.memref_slice %arg5[%dma_start3A_65, %dma_start3A_66] : memref<128x128xf32, #tpu.memory_space<hbm>> -> memref<120x128xf32, #tpu.memory_space<hbm>>
      tpu.enqueue_dma source(%dma_start3A_67 : memref<120x128xf32, #tpu.memory_space<hbm>>) target(%dma_start3A_64 : memref<120x128xf32, #tpu.memory_space<vmem_shared>>) target_semaphore(%run_scoped3A_62 : memref<!tpu.dma_semaphore, #tpu.memory_space<semaphore_mem>>)
      %dma_wait3A_68 = arith.constant 0 : i32
      %dma_wait3A_69 = tpu.memref_slice %arg11[%add3A_12, %dma_wait3A_68] : memref<10112x128xf32, #tpu.memory_space<vmem_shared>> -> memref<120x128xf32, #tpu.memory_space<vmem_shared>>
      %dma_wait3A_70 = arith.constant 0 : i32
      %dma_wait3A_71 = arith.constant 0 : i32
      %dma_wait3A_72 = tpu.memref_slice %arg5[%dma_wait3A_70, %dma_wait3A_71] : memref<128x128xf32, #tpu.memory_space<hbm>> -> memref<120x128xf32, #tpu.memory_space<hbm>>
      tpu.wait_dma2 semaphore(%run_scoped3A_62 : memref<!tpu.dma_semaphore, #tpu.memory_space<semaphore_mem>>) src(%dma_wait3A_72 : memref<120x128xf32, #tpu.memory_space<hbm>>) dst(%dma_wait3A_69 : memref<120x128xf32, #tpu.memory_space<vmem_shared>>)
      tpu.yield
    }) : () -> ()
    %barrier3A = arith.constant 0 : index
    tpu.barrier barrier_id(%barrier3A)
    %scan3A = arith.constant 0 : i32
    %scan3A_13 = arith.constant 0 : i32
    %mul3A_14 = arith.constant 40 : i32
    %mul3A_15 = arith.muli %scan3A_13, %mul3A_14 : i32
    "tpu.region"() ({
      %run_scoped3A_62 = tpu.sem_alloc : memref<!tpu.dma_semaphore, #tpu.memory_space<semaphore_mem>>
      %dma_start3A_63 = arith.constant 0 : i32
      %dma_start3A_64 = tpu.memref_slice %arg3[%add3A, %mul3A_15, %dma_start3A_63] : memref<32x40x128xi32, #tpu.memory_space<hbm>> -> memref<1x40x128xi32, #tpu.memory_space<hbm>>
      %dma_start3A_65 = tpu.memref_squeeze %dma_start3A_64 : memref<1x40x128xi32, #tpu.memory_space<hbm>> -> memref<40x128xi32, #tpu.memory_space<hbm>>
      %dma_start3A_66 = arith.constant 0 : i32
      %dma_start3A_67 = tpu.memref_slice %arg3[%add3A, %mul3A_15, %dma_start3A_66] : memref<32x40x128xi32, #tpu.memory_space<hbm>> -> memref<1x40x128xi32, #tpu.memory_space<hbm>>
      %dma_start3A_68 = tpu.memref_squeeze %dma_start3A_67 : memref<1x40x128xi32, #tpu.memory_space<hbm>> -> memref<40x128xi32, #tpu.memory_space<hbm>>
      tpu.enqueue_dma source(%dma_start3A_68 : memref<40x128xi32, #tpu.memory_space<hbm>>) target(%arg7 : memref<40x128xi32, #tpu.memory_space<vmem>>) target_semaphore(%run_scoped3A_62 : memref<!tpu.dma_semaphore, #tpu.memory_space<semaphore_mem>>)
      %dma_wait3A_69 = arith.constant 0 : i32
      %dma_wait3A_70 = tpu.memref_slice %arg3[%add3A, %mul3A_15, %dma_wait3A_69] : memref<32x40x128xi32, #tpu.memory_space<hbm>> -> memref<1x40x128xi32, #tpu.memory_space<hbm>>
      %dma_wait3A_71 = tpu.memref_squeeze %dma_wait3A_70 : memref<1x40x128xi32, #tpu.memory_space<hbm>> -> memref<40x128xi32, #tpu.memory_space<hbm>>
      %dma_wait3A_72 = arith.constant 0 : i32
      %dma_wait3A_73 = tpu.memref_slice %arg3[%add3A, %mul3A_15, %dma_wait3A_72] : memref<32x40x128xi32, #tpu.memory_space<hbm>> -> memref<1x40x128xi32, #tpu.memory_space<hbm>>
      %dma_wait3A_74 = tpu.memref_squeeze %dma_wait3A_73 : memref<1x40x128xi32, #tpu.memory_space<hbm>> -> memref<40x128xi32, #tpu.memory_space<hbm>>
      tpu.wait_dma2 semaphore(%run_scoped3A_62 : memref<!tpu.dma_semaphore, #tpu.memory_space<semaphore_mem>>) src(%dma_wait3A_74 : memref<40x128xi32, #tpu.memory_space<hbm>>) dst(%arg7 : memref<40x128xi32, #tpu.memory_space<vmem>>)
      tpu.yield
    }) : () -> ()
    %mul3A_16 = arith.constant 40 : i32
    %mul3A_17 = arith.muli %scan3A_13, %mul3A_16 : i32
    "tpu.region"() ({
      %run_scoped3A_62 = tpu.sem_alloc : memref<!tpu.dma_semaphore, #tpu.memory_space<semaphore_mem>>
      %dma_start3A_63 = arith.constant 0 : i32
      %dma_start3A_64 = tpu.memref_slice %arg4[%add3A, %mul3A_17, %dma_start3A_63] : memref<32x40x128xi32, #tpu.memory_space<hbm>> -> memref<1x40x128xi32, #tpu.memory_space<hbm>>
      %dma_start3A_65 = tpu.memref_squeeze %dma_start3A_64 : memref<1x40x128xi32, #tpu.memory_space<hbm>> -> memref<40x128xi32, #tpu.memory_space<hbm>>
      %dma_start3A_66 = arith.constant 0 : i32
      %dma_start3A_67 = tpu.memref_slice %arg4[%add3A, %mul3A_17, %dma_start3A_66] : memref<32x40x128xi32, #tpu.memory_space<hbm>> -> memref<1x40x128xi32, #tpu.memory_space<hbm>>
      %dma_start3A_68 = tpu.memref_squeeze %dma_start3A_67 : memref<1x40x128xi32, #tpu.memory_space<hbm>> -> memref<40x128xi32, #tpu.memory_space<hbm>>
      tpu.enqueue_dma source(%dma_start3A_68 : memref<40x128xi32, #tpu.memory_space<hbm>>) target(%arg8 : memref<40x128xi32, #tpu.memory_space<vmem>>) target_semaphore(%run_scoped3A_62 : memref<!tpu.dma_semaphore, #tpu.memory_space<semaphore_mem>>)
      %dma_wait3A_69 = arith.constant 0 : i32
      %dma_wait3A_70 = tpu.memref_slice %arg4[%add3A, %mul3A_17, %dma_wait3A_69] : memref<32x40x128xi32, #tpu.memory_space<hbm>> -> memref<1x40x128xi32, #tpu.memory_space<hbm>>
      %dma_wait3A_71 = tpu.memref_squeeze %dma_wait3A_70 : memref<1x40x128xi32, #tpu.memory_space<hbm>> -> memref<40x128xi32, #tpu.memory_space<hbm>>
      %dma_wait3A_72 = arith.constant 0 : i32
      %dma_wait3A_73 = tpu.memref_slice %arg4[%add3A, %mul3A_17, %dma_wait3A_72] : memref<32x40x128xi32, #tpu.memory_space<hbm>> -> memref<1x40x128xi32, #tpu.memory_space<hbm>>
      %dma_wait3A_74 = tpu.memref_squeeze %dma_wait3A_73 : memref<1x40x128xi32, #tpu.memory_space<hbm>> -> memref<40x128xi32, #tpu.memory_space<hbm>>
      tpu.wait_dma2 semaphore(%run_scoped3A_62 : memref<!tpu.dma_semaphore, #tpu.memory_space<semaphore_mem>>) src(%dma_wait3A_74 : memref<40x128xi32, #tpu.memory_space<hbm>>) dst(%arg8 : memref<40x128xi32, #tpu.memory_space<vmem>>)
      tpu.yield
    }) : () -> ()
    %dma_start3A = arith.constant 0 : i32
    %dma_start3A_18 = arith.constant 0 : i32
    %dma_start3A_19 = tpu.memref_slice %arg7[%dma_start3A, %dma_start3A_18] : memref<40x128xi32, #tpu.memory_space<vmem>> -> memref<1x128xi32, #tpu.memory_space<vmem>>
    %dma_start3A_20 = tpu.memref_squeeze %dma_start3A_19 : memref<1x128xi32, #tpu.memory_space<vmem>> -> memref<128xi32, #tpu.memory_space<vmem>>
    %dma_start3A_21 = arith.constant 0 : i32
    %dma_start3A_22 = arith.constant 0 : i32
    %dma_start3A_23 = tpu.memref_slice %arg2[%dma_start3A_21, %dma_start3A_22] : memref<10000x128xf32, #tpu.memory_space<hbm>> -> memref<10000x128xf32, #tpu.memory_space<hbm>>
    tpu.enqueue_indirect_dma source(%dma_start3A_23 : memref<10000x128xf32, #tpu.memory_space<hbm>>) target(%arg9 : memref<128x128xf32, #tpu.memory_space<vmem>>) offsets(%dma_start3A_20 : memref<128xi32, #tpu.memory_space<vmem>>) semaphore(%arg12 : memref<!tpu.dma_semaphore, #tpu.memory_space<semaphore_mem>>)
    %dma_start3A_24 = arith.constant 1 : i32
    %dma_start3A_25 = arith.constant 0 : i32
    %dma_start3A_26 = tpu.memref_slice %arg7[%dma_start3A_24, %dma_start3A_25] : memref<40x128xi32, #tpu.memory_space<vmem>> -> memref<1x128xi32, #tpu.memory_space<vmem>>
    %dma_start3A_27 = tpu.memref_squeeze %dma_start3A_26 : memref<1x128xi32, #tpu.memory_space<vmem>> -> memref<128xi32, #tpu.memory_space<vmem>>
    %dma_start3A_28 = arith.constant 0 : i32
    %dma_start3A_29 = arith.constant 0 : i32
    %dma_start3A_30 = tpu.memref_slice %arg2[%dma_start3A_28, %dma_start3A_29] : memref<10000x128xf32, #tpu.memory_space<hbm>> -> memref<10000x128xf32, #tpu.memory_space<hbm>>
    tpu.enqueue_indirect_dma source(%dma_start3A_30 : memref<10000x128xf32, #tpu.memory_space<hbm>>) target(%arg10 : memref<128x128xf32, #tpu.memory_space<vmem>>) offsets(%dma_start3A_27 : memref<128xi32, #tpu.memory_space<vmem>>) semaphore(%arg13 : memref<!tpu.dma_semaphore, #tpu.memory_space<semaphore_mem>>)
    %scan3A_31 = arith.constant 0 : i32
    %scan3A_32 = arith.constant 0 : i32
    %scan3A_33 = arith.constant 19 : i32
    %scan3A_34 = arith.addi %scan3A_32, %scan3A_33 : i32
    %scan3A_35 = arith.constant 1 : i32
    %scan3A_36 = scf.for %scan3A_62 = %scan3A_32 to %scan3A_34 step %scan3A_35 iter_args(%scan3A_63 = %scan3A_31) -> (i32)  : i32 {
      %mul3A_64 = arith.constant 2 : i32
      %mul3A_65 = arith.muli %mul3A_64, %scan3A_62 : i32
      %dma_wait3A_66 = arith.constant 0 : i32
      %dma_wait3A_67 = tpu.memref_slice %arg7[%mul3A_65, %dma_wait3A_66] : memref<40x128xi32, #tpu.memory_space<vmem>> -> memref<1x128xi32, #tpu.memory_space<vmem>>
      %dma_wait3A_68 = tpu.memref_squeeze %dma_wait3A_67 : memref<1x128xi32, #tpu.memory_space<vmem>> -> memref<128xi32, #tpu.memory_space<vmem>>
      %dma_wait3A_69 = arith.constant 0 : i32
      %dma_wait3A_70 = arith.constant 0 : i32
      %dma_wait3A_71 = tpu.memref_slice %arg2[%dma_wait3A_69, %dma_wait3A_70] : memref<10000x128xf32, #tpu.memory_space<hbm>> -> memref<10000x128xf32, #tpu.memory_space<hbm>>
      tpu.wait_indirect_dma semaphore(%arg12 : memref<!tpu.dma_semaphore, #tpu.memory_space<semaphore_mem>>) src(%dma_wait3A_71 : memref<10000x128xf32, #tpu.memory_space<hbm>>) dst(%arg9 : memref<128x128xf32, #tpu.memory_space<vmem>>)
      "tpu.region"() ({
        %run_scoped3A_99 = tpu.sem_alloc : memref<!tpu.dma_semaphore, #tpu.memory_space<semaphore_mem>>
        %dma_start3A_100 = arith.constant 0 : i32
        %dma_start3A_101 = tpu.memref_slice %arg8[%mul3A_65, %dma_start3A_100] : memref<40x128xi32, #tpu.memory_space<vmem>> -> memref<1x128xi32, #tpu.memory_space<vmem>>
        %dma_start3A_102 = tpu.memref_squeeze %dma_start3A_101 : memref<1x128xi32, #tpu.memory_space<vmem>> -> memref<128xi32, #tpu.memory_space<vmem>>
        %dma_start3A_103 = arith.constant 0 : i32
        %dma_start3A_104 = arith.constant 0 : i32
        %dma_start3A_105 = tpu.memref_slice %arg11[%dma_start3A_103, %dma_start3A_104] : memref<10112x128xf32, #tpu.memory_space<vmem_shared>> -> memref<10112x128xf32, #tpu.memory_space<vmem_shared>>
        tpu.enqueue_indirect_dma source(%arg9 : memref<128x128xf32, #tpu.memory_space<vmem>>) target(%dma_start3A_105 : memref<10112x128xf32, #tpu.memory_space<vmem_shared>>) offsets(%dma_start3A_102 : memref<128xi32, #tpu.memory_space<vmem>>) semaphore(%run_scoped3A_99 : memref<!tpu.dma_semaphore, #tpu.memory_space<semaphore_mem>>) {add = true}
        %dma_wait3A_106 = arith.constant 0 : i32
        %dma_wait3A_107 = tpu.memref_slice %arg8[%mul3A_65, %dma_wait3A_106] : memref<40x128xi32, #tpu.memory_space<vmem>> -> memref<1x128xi32, #tpu.memory_space<vmem>>
        %dma_wait3A_108 = tpu.memref_squeeze %dma_wait3A_107 : memref<1x128xi32, #tpu.memory_space<vmem>> -> memref<128xi32, #tpu.memory_space<vmem>>
        %dma_wait3A_109 = arith.constant 0 : i32
        %dma_wait3A_110 = arith.constant 0 : i32
        %dma_wait3A_111 = tpu.memref_slice %arg11[%dma_wait3A_109, %dma_wait3A_110] : memref<10112x128xf32, #tpu.memory_space<vmem_shared>> -> memref<10112x128xf32, #tpu.memory_space<vmem_shared>>
        tpu.wait_indirect_dma semaphore(%run_scoped3A_99 : memref<!tpu.dma_semaphore, #tpu.memory_space<semaphore_mem>>) src(%arg9 : memref<128x128xf32, #tpu.memory_space<vmem>>) dst(%dma_wait3A_111 : memref<10112x128xf32, #tpu.memory_space<vmem_shared>>)
        tpu.yield
      }) : () -> ()
      %add3A_72 = arith.constant 2 : i32
      %add3A_73 = arith.addi %mul3A_65, %add3A_72 : i32
      %dma_start3A_74 = arith.constant 0 : i32
      %dma_start3A_75 = tpu.memref_slice %arg7[%add3A_73, %dma_start3A_74] : memref<40x128xi32, #tpu.memory_space<vmem>> -> memref<1x128xi32, #tpu.memory_space<vmem>>
      %dma_start3A_76 = tpu.memref_squeeze %dma_start3A_75 : memref<1x128xi32, #tpu.memory_space<vmem>> -> memref<128xi32, #tpu.memory_space<vmem>>
      %dma_start3A_77 = arith.constant 0 : i32
      %dma_start3A_78 = arith.constant 0 : i32
      %dma_start3A_79 = tpu.memref_slice %arg2[%dma_start3A_77, %dma_start3A_78] : memref<10000x128xf32, #tpu.memory_space<hbm>> -> memref<10000x128xf32, #tpu.memory_space<hbm>>
      tpu.enqueue_indirect_dma source(%dma_start3A_79 : memref<10000x128xf32, #tpu.memory_space<hbm>>) target(%arg9 : memref<128x128xf32, #tpu.memory_space<vmem>>) offsets(%dma_start3A_76 : memref<128xi32, #tpu.memory_space<vmem>>) semaphore(%arg12 : memref<!tpu.dma_semaphore, #tpu.memory_space<semaphore_mem>>)
      %mul3A_80 = arith.constant 2 : i32
      %mul3A_81 = arith.muli %mul3A_80, %scan3A_62 : i32
      %add3A_82 = arith.constant 1 : i32
      %add3A_83 = arith.addi %mul3A_81, %add3A_82 : i32
      %dma_wait3A_84 = arith.constant 0 : i32
      %dma_wait3A_85 = tpu.memref_slice %arg7[%add3A_83, %dma_wait3A_84] : memref<40x128xi32, #tpu.memory_space<vmem>> -> memref<1x128xi32, #tpu.memory_space<vmem>>
      %dma_wait3A_86 = tpu.memref_squeeze %dma_wait3A_85 : memref<1x128xi32, #tpu.memory_space<vmem>> -> memref<128xi32, #tpu.memory_space<vmem>>
      %dma_wait3A_87 = arith.constant 0 : i32
      %dma_wait3A_88 = arith.constant 0 : i32
      %dma_wait3A_89 = tpu.memref_slice %arg2[%dma_wait3A_87, %dma_wait3A_88] : memref<10000x128xf32, #tpu.memory_space<hbm>> -> memref<10000x128xf32, #tpu.memory_space<hbm>>
      tpu.wait_indirect_dma semaphore(%arg13 : memref<!tpu.dma_semaphore, #tpu.memory_space<semaphore_mem>>) src(%dma_wait3A_89 : memref<10000x128xf32, #tpu.memory_space<hbm>>) dst(%arg10 : memref<128x128xf32, #tpu.memory_space<vmem>>)
      "tpu.region"() ({
        %run_scoped3A_99 = tpu.sem_alloc : memref<!tpu.dma_semaphore, #tpu.memory_space<semaphore_mem>>
        %dma_start3A_100 = arith.constant 0 : i32
        %dma_start3A_101 = tpu.memref_slice %arg8[%add3A_83, %dma_start3A_100] : memref<40x128xi32, #tpu.memory_space<vmem>> -> memref<1x128xi32, #tpu.memory_space<vmem>>
        %dma_start3A_102 = tpu.memref_squeeze %dma_start3A_101 : memref<1x128xi32, #tpu.memory_space<vmem>> -> memref<128xi32, #tpu.memory_space<vmem>>
        %dma_start3A_103 = arith.constant 0 : i32
        %dma_start3A_104 = arith.constant 0 : i32
        %dma_start3A_105 = tpu.memref_slice %arg11[%dma_start3A_103, %dma_start3A_104] : memref<10112x128xf32, #tpu.memory_space<vmem_shared>> -> memref<10112x128xf32, #tpu.memory_space<vmem_shared>>
        tpu.enqueue_indirect_dma source(%arg10 : memref<128x128xf32, #tpu.memory_space<vmem>>) target(%dma_start3A_105 : memref<10112x128xf32, #tpu.memory_space<vmem_shared>>) offsets(%dma_start3A_102 : memref<128xi32, #tpu.memory_space<vmem>>) semaphore(%run_scoped3A_99 : memref<!tpu.dma_semaphore, #tpu.memory_space<semaphore_mem>>) {add = true}
        %dma_wait3A_106 = arith.constant 0 : i32
        %dma_wait3A_107 = tpu.memref_slice %arg8[%add3A_83, %dma_wait3A_106] : memref<40x128xi32, #tpu.memory_space<vmem>> -> memref<1x128xi32, #tpu.memory_space<vmem>>
        %dma_wait3A_108 = tpu.memref_squeeze %dma_wait3A_107 : memref<1x128xi32, #tpu.memory_space<vmem>> -> memref<128xi32, #tpu.memory_space<vmem>>
        %dma_wait3A_109 = arith.constant 0 : i32
        %dma_wait3A_110 = arith.constant 0 : i32
        %dma_wait3A_111 = tpu.memref_slice %arg11[%dma_wait3A_109, %dma_wait3A_110] : memref<10112x128xf32, #tpu.memory_space<vmem_shared>> -> memref<10112x128xf32, #tpu.memory_space<vmem_shared>>
        tpu.wait_indirect_dma semaphore(%run_scoped3A_99 : memref<!tpu.dma_semaphore, #tpu.memory_space<semaphore_mem>>) src(%arg10 : memref<128x128xf32, #tpu.memory_space<vmem>>) dst(%dma_wait3A_111 : memref<10112x128xf32, #tpu.memory_space<vmem_shared>>)
        tpu.yield
      }) : () -> ()
      %add3A_90 = arith.constant 2 : i32
      %add3A_91 = arith.addi %add3A_83, %add3A_90 : i32
      %dma_start3A_92 = arith.constant 0 : i32
      %dma_start3A_93 = tpu.memref_slice %arg7[%add3A_91, %dma_start3A_92] : memref<40x128xi32, #tpu.memory_space<vmem>> -> memref<1x128xi32, #tpu.memory_space<vmem>>
      %dma_start3A_94 = tpu.memref_squeeze %dma_start3A_93 : memref<1x128xi32, #tpu.memory_space<vmem>> -> memref<128xi32, #tpu.memory_space<vmem>>
      %dma_start3A_95 = arith.constant 0 : i32
      %dma_start3A_96 = arith.constant 0 : i32
      %dma_start3A_97 = tpu.memref_slice %arg2[%dma_start3A_95, %dma_start3A_96] : memref<10000x128xf32, #tpu.memory_space<hbm>> -> memref<10000x128xf32, #tpu.memory_space<hbm>>
      tpu.enqueue_indirect_dma source(%dma_start3A_97 : memref<10000x128xf32, #tpu.memory_space<hbm>>) target(%arg10 : memref<128x128xf32, #tpu.memory_space<vmem>>) offsets(%dma_start3A_94 : memref<128xi32, #tpu.memory_space<vmem>>) semaphore(%arg13 : memref<!tpu.dma_semaphore, #tpu.memory_space<semaphore_mem>>)
      %scan3A_98 = arith.constant 0 : i32
      scf.yield %scan3A_98 : i32
    }
    %scan3A_37 = arith.constant 19 : i32
    %dma_wait3A = arith.constant 38 : i32
    %dma_wait3A_38 = arith.constant 0 : i32
    %dma_wait3A_39 = tpu.memref_slice %arg7[%dma_wait3A, %dma_wait3A_38] : memref<40x128xi32, #tpu.memory_space<vmem>> -> memref<1x128xi32, #tpu.memory_space<vmem>>
    %dma_wait3A_40 = tpu.memref_squeeze %dma_wait3A_39 : memref<1x128xi32, #tpu.memory_space<vmem>> -> memref<128xi32, #tpu.memory_space<vmem>>
    %dma_wait3A_41 = arith.constant 0 : i32
    %dma_wait3A_42 = arith.constant 0 : i32
    %dma_wait3A_43 = tpu.memref_slice %arg2[%dma_wait3A_41, %dma_wait3A_42] : memref<10000x128xf32, #tpu.memory_space<hbm>> -> memref<10000x128xf32, #tpu.memory_space<hbm>>
    tpu.wait_indirect_dma semaphore(%arg12 : memref<!tpu.dma_semaphore, #tpu.memory_space<semaphore_mem>>) src(%dma_wait3A_43 : memref<10000x128xf32, #tpu.memory_space<hbm>>) dst(%arg9 : memref<128x128xf32, #tpu.memory_space<vmem>>)
    %run_scoped3A = arith.constant 38 : i32
    "tpu.region"() ({
      %run_scoped3A_62 = tpu.sem_alloc : memref<!tpu.dma_semaphore, #tpu.memory_space<semaphore_mem>>
      %dma_start3A_63 = arith.constant 0 : i32
      %dma_start3A_64 = tpu.memref_slice %arg8[%run_scoped3A, %dma_start3A_63] : memref<40x128xi32, #tpu.memory_space<vmem>> -> memref<1x128xi32, #tpu.memory_space<vmem>>
      %dma_start3A_65 = tpu.memref_squeeze %dma_start3A_64 : memref<1x128xi32, #tpu.memory_space<vmem>> -> memref<128xi32, #tpu.memory_space<vmem>>
      %dma_start3A_66 = arith.constant 0 : i32
      %dma_start3A_67 = arith.constant 0 : i32
      %dma_start3A_68 = tpu.memref_slice %arg11[%dma_start3A_66, %dma_start3A_67] : memref<10112x128xf32, #tpu.memory_space<vmem_shared>> -> memref<10112x128xf32, #tpu.memory_space<vmem_shared>>
      tpu.enqueue_indirect_dma source(%arg9 : memref<128x128xf32, #tpu.memory_space<vmem>>) target(%dma_start3A_68 : memref<10112x128xf32, #tpu.memory_space<vmem_shared>>) offsets(%dma_start3A_65 : memref<128xi32, #tpu.memory_space<vmem>>) semaphore(%run_scoped3A_62 : memref<!tpu.dma_semaphore, #tpu.memory_space<semaphore_mem>>) {add = true}
      %dma_wait3A_69 = arith.constant 0 : i32
      %dma_wait3A_70 = tpu.memref_slice %arg8[%run_scoped3A, %dma_wait3A_69] : memref<40x128xi32, #tpu.memory_space<vmem>> -> memref<1x128xi32, #tpu.memory_space<vmem>>
      %dma_wait3A_71 = tpu.memref_squeeze %dma_wait3A_70 : memref<1x128xi32, #tpu.memory_space<vmem>> -> memref<128xi32, #tpu.memory_space<vmem>>
      %dma_wait3A_72 = arith.constant 0 : i32
      %dma_wait3A_73 = arith.constant 0 : i32
      %dma_wait3A_74 = tpu.memref_slice %arg11[%dma_wait3A_72, %dma_wait3A_73] : memref<10112x128xf32, #tpu.memory_space<vmem_shared>> -> memref<10112x128xf32, #tpu.memory_space<vmem_shared>>
      tpu.wait_indirect_dma semaphore(%run_scoped3A_62 : memref<!tpu.dma_semaphore, #tpu.memory_space<semaphore_mem>>) src(%arg9 : memref<128x128xf32, #tpu.memory_space<vmem>>) dst(%dma_wait3A_74 : memref<10112x128xf32, #tpu.memory_space<vmem_shared>>)
      tpu.yield
    }) : () -> ()
    %dma_wait3A_44 = arith.constant 39 : i32
    %dma_wait3A_45 = arith.constant 0 : i32
    %dma_wait3A_46 = tpu.memref_slice %arg7[%dma_wait3A_44, %dma_wait3A_45] : memref<40x128xi32, #tpu.memory_space<vmem>> -> memref<1x128xi32, #tpu.memory_space<vmem>>
    %dma_wait3A_47 = tpu.memref_squeeze %dma_wait3A_46 : memref<1x128xi32, #tpu.memory_space<vmem>> -> memref<128xi32, #tpu.memory_space<vmem>>
    %dma_wait3A_48 = arith.constant 0 : i32
    %dma_wait3A_49 = arith.constant 0 : i32
    %dma_wait3A_50 = tpu.memref_slice %arg2[%dma_wait3A_48, %dma_wait3A_49] : memref<10000x128xf32, #tpu.memory_space<hbm>> -> memref<10000x128xf32, #tpu.memory_space<hbm>>
    tpu.wait_indirect_dma semaphore(%arg13 : memref<!tpu.dma_semaphore, #tpu.memory_space<semaphore_mem>>) src(%dma_wait3A_50 : memref<10000x128xf32, #tpu.memory_space<hbm>>) dst(%arg10 : memref<128x128xf32, #tpu.memory_space<vmem>>)
    %run_scoped3A_51 = arith.constant 39 : i32
    "tpu.region"() ({
      %run_scoped3A_62 = tpu.sem_alloc : memref<!tpu.dma_semaphore, #tpu.memory_space<semaphore_mem>>
      %dma_start3A_63 = arith.constant 0 : i32
      %dma_start3A_64 = tpu.memref_slice %arg8[%run_scoped3A_51, %dma_start3A_63] : memref<40x128xi32, #tpu.memory_space<vmem>> -> memref<1x128xi32, #tpu.memory_space<vmem>>
      %dma_start3A_65 = tpu.memref_squeeze %dma_start3A_64 : memref<1x128xi32, #tpu.memory_space<vmem>> -> memref<128xi32, #tpu.memory_space<vmem>>
      %dma_start3A_66 = arith.constant 0 : i32
      %dma_start3A_67 = arith.constant 0 : i32
      %dma_start3A_68 = tpu.memref_slice %arg11[%dma_start3A_66, %dma_start3A_67] : memref<10112x128xf32, #tpu.memory_space<vmem_shared>> -> memref<10112x128xf32, #tpu.memory_space<vmem_shared>>
      tpu.enqueue_indirect_dma source(%arg10 : memref<128x128xf32, #tpu.memory_space<vmem>>) target(%dma_start3A_68 : memref<10112x128xf32, #tpu.memory_space<vmem_shared>>) offsets(%dma_start3A_65 : memref<128xi32, #tpu.memory_space<vmem>>) semaphore(%run_scoped3A_62 : memref<!tpu.dma_semaphore, #tpu.memory_space<semaphore_mem>>) {add = true}
      %dma_wait3A_69 = arith.constant 0 : i32
      %dma_wait3A_70 = tpu.memref_slice %arg8[%run_scoped3A_51, %dma_wait3A_69] : memref<40x128xi32, #tpu.memory_space<vmem>> -> memref<1x128xi32, #tpu.memory_space<vmem>>
      %dma_wait3A_71 = tpu.memref_squeeze %dma_wait3A_70 : memref<1x128xi32, #tpu.memory_space<vmem>> -> memref<128xi32, #tpu.memory_space<vmem>>
      %dma_wait3A_72 = arith.constant 0 : i32
      %dma_wait3A_73 = arith.constant 0 : i32
      %dma_wait3A_74 = tpu.memref_slice %arg11[%dma_wait3A_72, %dma_wait3A_73] : memref<10112x128xf32, #tpu.memory_space<vmem_shared>> -> memref<10112x128xf32, #tpu.memory_space<vmem_shared>>
      tpu.wait_indirect_dma semaphore(%run_scoped3A_62 : memref<!tpu.dma_semaphore, #tpu.memory_space<semaphore_mem>>) src(%arg10 : memref<128x128xf32, #tpu.memory_space<vmem>>) dst(%dma_wait3A_74 : memref<10112x128xf32, #tpu.memory_space<vmem_shared>>)
      tpu.yield
    }) : () -> ()
    %scan3A_52 = arith.constant 0 : i32
    %scan3A_53 = arith.constant 1 : i32
    %barrier3A_54 = arith.constant 0 : index
    tpu.barrier barrier_id(%barrier3A_54)
    %mul3A_55 = arith.constant 632 : i32
    %mul3A_56 = arith.muli %arg1, %mul3A_55 : i32
    %mul3A_57 = arith.constant 10112 : i32
    %mul3A_58 = arith.muli %arg0, %mul3A_57 : i32
    %mul3A_59 = arith.constant 632 : i32
    %mul3A_60 = arith.muli %arg1, %mul3A_59 : i32
    %add3A_61 = arith.addi %mul3A_58, %mul3A_60 : i32
    "tpu.region"() ({
      %run_scoped3A_62 = tpu.sem_alloc : memref<!tpu.dma_semaphore, #tpu.memory_space<semaphore_mem>>
      %dma_start3A_63 = arith.constant 0 : i32
      %dma_start3A_64 = tpu.memref_slice %arg6[%add3A_61, %dma_start3A_63] : memref<20224x128xf32, #tpu.memory_space<hbm>> -> memref<632x128xf32, #tpu.memory_space<hbm>>
      %dma_start3A_65 = arith.constant 0 : i32
      %dma_start3A_66 = tpu.memref_slice %arg11[%mul3A_56, %dma_start3A_65] : memref<10112x128xf32, #tpu.memory_space<vmem_shared>> -> memref<632x128xf32, #tpu.memory_space<vmem_shared>>
      tpu.enqueue_dma source(%dma_start3A_66 : memref<632x128xf32, #tpu.memory_space<vmem_shared>>) target(%dma_start3A_64 : memref<632x128xf32, #tpu.memory_space<hbm>>) target_semaphore(%run_scoped3A_62 : memref<!tpu.dma_semaphore, #tpu.memory_space<semaphore_mem>>)
      %dma_wait3A_67 = arith.constant 0 : i32
      %dma_wait3A_68 = tpu.memref_slice %arg6[%add3A_61, %dma_wait3A_67] : memref<20224x128xf32, #tpu.memory_space<hbm>> -> memref<632x128xf32, #tpu.memory_space<hbm>>
      %dma_wait3A_69 = arith.constant 0 : i32
      %dma_wait3A_70 = tpu.memref_slice %arg11[%mul3A_56, %dma_wait3A_69] : memref<10112x128xf32, #tpu.memory_space<vmem_shared>> -> memref<632x128xf32, #tpu.memory_space<vmem_shared>>
      tpu.wait_dma2 semaphore(%run_scoped3A_62 : memref<!tpu.dma_semaphore, #tpu.memory_space<semaphore_mem>>) src(%dma_wait3A_70 : memref<632x128xf32, #tpu.memory_space<vmem_shared>>) dst(%dma_wait3A_68 : memref<632x128xf32, #tpu.memory_space<hbm>>)
      tpu.yield
    }) : () -> ()
    return
  }
}

#map = affine_map<(d0, d1) -> (0, 0)>
#map1 = affine_map<(d0, d1) -> (0, 0, 0)>
module attributes {stable_mosaic.version = 14 : i64} {
  func.func @_scatter_body(%arg0: i32, %arg1: i32, %arg2: memref<20000x128xf32, #tpu.memory_space<hbm>>, %arg3: memref<32x80x128xi32, #tpu.memory_space<hbm>>, %arg4: memref<32x80x128xi32, #tpu.memory_space<hbm>>, %arg5: memref<128x128xf32, #tpu.memory_space<hbm>>, %arg6: memref<20224x128xf32, #tpu.memory_space<hbm>>, %arg7: memref<40x128xi32, #tpu.memory_space<vmem>>, %arg8: memref<40x128xi32, #tpu.memory_space<vmem>>, %arg9: memref<128x128xf32, #tpu.memory_space<vmem>>, %arg10: memref<128x128xf32, #tpu.memory_space<vmem>>, %arg11: memref<10112x128xf32, #tpu.memory_space<vmem_shared>>, %arg12: memref<!tpu.dma_semaphore, #tpu.memory_space<semaphore_mem>>, %arg13: memref<!tpu.dma_semaphore, #tpu.memory_space<semaphore_mem>>) attributes {dimension_semantics = [#tpu.dimension_semantics<core_parallel>, #tpu.dimension_semantics<subcore_parallel>], iteration_bounds = array<i64: 2, 16>, scalar_prefetch = 0 : i64, scratch_operands = 7 : i64, tpu.core_type = #tpu.core_type<sc_vector_subcore>, window_params = [{transform_indices = #map}, {transform_indices = #map1}, {transform_indices = #map1}, {transform_indices = #map}, {transform_indices = #map}]} {
    %mul3A = arith.constant 16 : i32
    %mul3A_0 = arith.muli %arg0, %mul3A : i32
    %add3A = arith.addi %mul3A_0, %arg1 : i32
    %mul3A_1 = arith.constant 632 : i32
    %mul3A_2 = arith.muli %arg1, %mul3A_1 : i32
    %add3A_3 = arith.constant 0 : i32
    %add3A_4 = arith.addi %mul3A_2, %add3A_3 : i32
    "tpu.region"() ({
      %run_scoped3A = tpu.sem_alloc : memref<!tpu.dma_semaphore, #tpu.memory_space<semaphore_mem>>
      %dma_start3A = arith.constant 0 : i32
      %dma_start3A_27 = tpu.memref_slice %arg11[%add3A_4, %dma_start3A] : memref<10112x128xf32, #tpu.memory_space<vmem_shared>> -> memref<128x128xf32, #tpu.memory_space<vmem_shared>>
      tpu.enqueue_dma source(%arg5 : memref<128x128xf32, #tpu.memory_space<hbm>>) target(%dma_start3A_27 : memref<128x128xf32, #tpu.memory_space<vmem_shared>>) target_semaphore(%run_scoped3A : memref<!tpu.dma_semaphore, #tpu.memory_space<semaphore_mem>>)
      %dma_wait3A = arith.constant 0 : i32
      %dma_wait3A_28 = tpu.memref_slice %arg11[%add3A_4, %dma_wait3A] : memref<10112x128xf32, #tpu.memory_space<vmem_shared>> -> memref<128x128xf32, #tpu.memory_space<vmem_shared>>
      tpu.wait_dma2 semaphore(%run_scoped3A : memref<!tpu.dma_semaphore, #tpu.memory_space<semaphore_mem>>) src(%arg5 : memref<128x128xf32, #tpu.memory_space<hbm>>) dst(%dma_wait3A_28 : memref<128x128xf32, #tpu.memory_space<vmem_shared>>)
      tpu.yield
    }) : () -> ()
    %add3A_5 = arith.constant 128 : i32
    %add3A_6 = arith.addi %mul3A_2, %add3A_5 : i32
    "tpu.region"() ({
      %run_scoped3A = tpu.sem_alloc : memref<!tpu.dma_semaphore, #tpu.memory_space<semaphore_mem>>
      %dma_start3A = arith.constant 0 : i32
      %dma_start3A_27 = tpu.memref_slice %arg11[%add3A_6, %dma_start3A] : memref<10112x128xf32, #tpu.memory_space<vmem_shared>> -> memref<128x128xf32, #tpu.memory_space<vmem_shared>>
      tpu.enqueue_dma source(%arg5 : memref<128x128xf32, #tpu.memory_space<hbm>>) target(%dma_start3A_27 : memref<128x128xf32, #tpu.memory_space<vmem_shared>>) target_semaphore(%run_scoped3A : memref<!tpu.dma_semaphore, #tpu.memory_space<semaphore_mem>>)
      %dma_wait3A = arith.constant 0 : i32
      %dma_wait3A_28 = tpu.memref_slice %arg11[%add3A_6, %dma_wait3A] : memref<10112x128xf32, #tpu.memory_space<vmem_shared>> -> memref<128x128xf32, #tpu.memory_space<vmem_shared>>
      tpu.wait_dma2 semaphore(%run_scoped3A : memref<!tpu.dma_semaphore, #tpu.memory_space<semaphore_mem>>) src(%arg5 : memref<128x128xf32, #tpu.memory_space<hbm>>) dst(%dma_wait3A_28 : memref<128x128xf32, #tpu.memory_space<vmem_shared>>)
      tpu.yield
    }) : () -> ()
    %add3A_7 = arith.constant 256 : i32
    %add3A_8 = arith.addi %mul3A_2, %add3A_7 : i32
    "tpu.region"() ({
      %run_scoped3A = tpu.sem_alloc : memref<!tpu.dma_semaphore, #tpu.memory_space<semaphore_mem>>
      %dma_start3A = arith.constant 0 : i32
      %dma_start3A_27 = tpu.memref_slice %arg11[%add3A_8, %dma_start3A] : memref<10112x128xf32, #tpu.memory_space<vmem_shared>> -> memref<128x128xf32, #tpu.memory_space<vmem_shared>>
      tpu.enqueue_dma source(%arg5 : memref<128x128xf32, #tpu.memory_space<hbm>>) target(%dma_start3A_27 : memref<128x128xf32, #tpu.memory_space<vmem_shared>>) target_semaphore(%run_scoped3A : memref<!tpu.dma_semaphore, #tpu.memory_space<semaphore_mem>>)
      %dma_wait3A = arith.constant 0 : i32
      %dma_wait3A_28 = tpu.memref_slice %arg11[%add3A_8, %dma_wait3A] : memref<10112x128xf32, #tpu.memory_space<vmem_shared>> -> memref<128x128xf32, #tpu.memory_space<vmem_shared>>
      tpu.wait_dma2 semaphore(%run_scoped3A : memref<!tpu.dma_semaphore, #tpu.memory_space<semaphore_mem>>) src(%arg5 : memref<128x128xf32, #tpu.memory_space<hbm>>) dst(%dma_wait3A_28 : memref<128x128xf32, #tpu.memory_space<vmem_shared>>)
      tpu.yield
    }) : () -> ()
    %add3A_9 = arith.constant 384 : i32
    %add3A_10 = arith.addi %mul3A_2, %add3A_9 : i32
    "tpu.region"() ({
      %run_scoped3A = tpu.sem_alloc : memref<!tpu.dma_semaphore, #tpu.memory_space<semaphore_mem>>
      %dma_start3A = arith.constant 0 : i32
      %dma_start3A_27 = tpu.memref_slice %arg11[%add3A_10, %dma_start3A] : memref<10112x128xf32, #tpu.memory_space<vmem_shared>> -> memref<128x128xf32, #tpu.memory_space<vmem_shared>>
      tpu.enqueue_dma source(%arg5 : memref<128x128xf32, #tpu.memory_space<hbm>>) target(%dma_start3A_27 : memref<128x128xf32, #tpu.memory_space<vmem_shared>>) target_semaphore(%run_scoped3A : memref<!tpu.dma_semaphore, #tpu.memory_space<semaphore_mem>>)
      %dma_wait3A = arith.constant 0 : i32
      %dma_wait3A_28 = tpu.memref_slice %arg11[%add3A_10, %dma_wait3A] : memref<10112x128xf32, #tpu.memory_space<vmem_shared>> -> memref<128x128xf32, #tpu.memory_space<vmem_shared>>
      tpu.wait_dma2 semaphore(%run_scoped3A : memref<!tpu.dma_semaphore, #tpu.memory_space<semaphore_mem>>) src(%arg5 : memref<128x128xf32, #tpu.memory_space<hbm>>) dst(%dma_wait3A_28 : memref<128x128xf32, #tpu.memory_space<vmem_shared>>)
      tpu.yield
    }) : () -> ()
    %add3A_11 = arith.constant 512 : i32
    %add3A_12 = arith.addi %mul3A_2, %add3A_11 : i32
    "tpu.region"() ({
      %run_scoped3A = tpu.sem_alloc : memref<!tpu.dma_semaphore, #tpu.memory_space<semaphore_mem>>
      %dma_start3A = arith.constant 0 : i32
      %dma_start3A_27 = tpu.memref_slice %arg11[%add3A_12, %dma_start3A] : memref<10112x128xf32, #tpu.memory_space<vmem_shared>> -> memref<120x128xf32, #tpu.memory_space<vmem_shared>>
      %dma_start3A_28 = arith.constant 0 : i32
      %dma_start3A_29 = arith.constant 0 : i32
      %dma_start3A_30 = tpu.memref_slice %arg5[%dma_start3A_28, %dma_start3A_29] : memref<128x128xf32, #tpu.memory_space<hbm>> -> memref<120x128xf32, #tpu.memory_space<hbm>>
      tpu.enqueue_dma source(%dma_start3A_30 : memref<120x128xf32, #tpu.memory_space<hbm>>) target(%dma_start3A_27 : memref<120x128xf32, #tpu.memory_space<vmem_shared>>) target_semaphore(%run_scoped3A : memref<!tpu.dma_semaphore, #tpu.memory_space<semaphore_mem>>)
      %dma_wait3A = arith.constant 0 : i32
      %dma_wait3A_31 = tpu.memref_slice %arg11[%add3A_12, %dma_wait3A] : memref<10112x128xf32, #tpu.memory_space<vmem_shared>> -> memref<120x128xf32, #tpu.memory_space<vmem_shared>>
      %dma_wait3A_32 = arith.constant 0 : i32
      %dma_wait3A_33 = arith.constant 0 : i32
      %dma_wait3A_34 = tpu.memref_slice %arg5[%dma_wait3A_32, %dma_wait3A_33] : memref<128x128xf32, #tpu.memory_space<hbm>> -> memref<120x128xf32, #tpu.memory_space<hbm>>
      tpu.wait_dma2 semaphore(%run_scoped3A : memref<!tpu.dma_semaphore, #tpu.memory_space<semaphore_mem>>) src(%dma_wait3A_34 : memref<120x128xf32, #tpu.memory_space<hbm>>) dst(%dma_wait3A_31 : memref<120x128xf32, #tpu.memory_space<vmem_shared>>)
      tpu.yield
    }) : () -> ()
    %barrier3A = arith.constant 0 : index
    tpu.barrier barrier_id(%barrier3A)
    %scan3A = arith.constant 0 : i32
    %scan3A_13 = arith.constant 0 : i32
    %scan3A_14 = arith.constant 2 : i32
    %scan3A_15 = arith.addi %scan3A_13, %scan3A_14 : i32
    %scan3A_16 = arith.constant 1 : i32
    %scan3A_17 = scf.for %scan3A_27 = %scan3A_13 to %scan3A_15 step %scan3A_16 iter_args(%scan3A_28 = %scan3A) -> (i32)  : i32 {
      %mul3A_29 = arith.constant 40 : i32
      %mul3A_30 = arith.muli %scan3A_27, %mul3A_29 : i32
      "tpu.region"() ({
        %run_scoped3A_68 = tpu.sem_alloc : memref<!tpu.dma_semaphore, #tpu.memory_space<semaphore_mem>>
        %dma_start3A_69 = arith.constant 0 : i32
        %dma_start3A_70 = tpu.memref_slice %arg3[%add3A, %mul3A_30, %dma_start3A_69] : memref<32x80x128xi32, #tpu.memory_space<hbm>> -> memref<1x40x128xi32, #tpu.memory_space<hbm>>
        %dma_start3A_71 = tpu.memref_squeeze %dma_start3A_70 : memref<1x40x128xi32, #tpu.memory_space<hbm>> -> memref<40x128xi32, #tpu.memory_space<hbm>>
        %dma_start3A_72 = arith.constant 0 : i32
        %dma_start3A_73 = tpu.memref_slice %arg3[%add3A, %mul3A_30, %dma_start3A_72] : memref<32x80x128xi32, #tpu.memory_space<hbm>> -> memref<1x40x128xi32, #tpu.memory_space<hbm>>
        %dma_start3A_74 = tpu.memref_squeeze %dma_start3A_73 : memref<1x40x128xi32, #tpu.memory_space<hbm>> -> memref<40x128xi32, #tpu.memory_space<hbm>>
        tpu.enqueue_dma source(%dma_start3A_74 : memref<40x128xi32, #tpu.memory_space<hbm>>) target(%arg7 : memref<40x128xi32, #tpu.memory_space<vmem>>) target_semaphore(%run_scoped3A_68 : memref<!tpu.dma_semaphore, #tpu.memory_space<semaphore_mem>>)
        %dma_wait3A_75 = arith.constant 0 : i32
        %dma_wait3A_76 = tpu.memref_slice %arg3[%add3A, %mul3A_30, %dma_wait3A_75] : memref<32x80x128xi32, #tpu.memory_space<hbm>> -> memref<1x40x128xi32, #tpu.memory_space<hbm>>
        %dma_wait3A_77 = tpu.memref_squeeze %dma_wait3A_76 : memref<1x40x128xi32, #tpu.memory_space<hbm>> -> memref<40x128xi32, #tpu.memory_space<hbm>>
        %dma_wait3A_78 = arith.constant 0 : i32
        %dma_wait3A_79 = tpu.memref_slice %arg3[%add3A, %mul3A_30, %dma_wait3A_78] : memref<32x80x128xi32, #tpu.memory_space<hbm>> -> memref<1x40x128xi32, #tpu.memory_space<hbm>>
        %dma_wait3A_80 = tpu.memref_squeeze %dma_wait3A_79 : memref<1x40x128xi32, #tpu.memory_space<hbm>> -> memref<40x128xi32, #tpu.memory_space<hbm>>
        tpu.wait_dma2 semaphore(%run_scoped3A_68 : memref<!tpu.dma_semaphore, #tpu.memory_space<semaphore_mem>>) src(%dma_wait3A_80 : memref<40x128xi32, #tpu.memory_space<hbm>>) dst(%arg7 : memref<40x128xi32, #tpu.memory_space<vmem>>)
        tpu.yield
      }) : () -> ()
      %mul3A_31 = arith.constant 40 : i32
      %mul3A_32 = arith.muli %scan3A_27, %mul3A_31 : i32
      "tpu.region"() ({
        %run_scoped3A_68 = tpu.sem_alloc : memref<!tpu.dma_semaphore, #tpu.memory_space<semaphore_mem>>
        %dma_start3A_69 = arith.constant 0 : i32
        %dma_start3A_70 = tpu.memref_slice %arg4[%add3A, %mul3A_32, %dma_start3A_69] : memref<32x80x128xi32, #tpu.memory_space<hbm>> -> memref<1x40x128xi32, #tpu.memory_space<hbm>>
        %dma_start3A_71 = tpu.memref_squeeze %dma_start3A_70 : memref<1x40x128xi32, #tpu.memory_space<hbm>> -> memref<40x128xi32, #tpu.memory_space<hbm>>
        %dma_start3A_72 = arith.constant 0 : i32
        %dma_start3A_73 = tpu.memref_slice %arg4[%add3A, %mul3A_32, %dma_start3A_72] : memref<32x80x128xi32, #tpu.memory_space<hbm>> -> memref<1x40x128xi32, #tpu.memory_space<hbm>>
        %dma_start3A_74 = tpu.memref_squeeze %dma_start3A_73 : memref<1x40x128xi32, #tpu.memory_space<hbm>> -> memref<40x128xi32, #tpu.memory_space<hbm>>
        tpu.enqueue_dma source(%dma_start3A_74 : memref<40x128xi32, #tpu.memory_space<hbm>>) target(%arg8 : memref<40x128xi32, #tpu.memory_space<vmem>>) target_semaphore(%run_scoped3A_68 : memref<!tpu.dma_semaphore, #tpu.memory_space<semaphore_mem>>)
        %dma_wait3A_75 = arith.constant 0 : i32
        %dma_wait3A_76 = tpu.memref_slice %arg4[%add3A, %mul3A_32, %dma_wait3A_75] : memref<32x80x128xi32, #tpu.memory_space<hbm>> -> memref<1x40x128xi32, #tpu.memory_space<hbm>>
        %dma_wait3A_77 = tpu.memref_squeeze %dma_wait3A_76 : memref<1x40x128xi32, #tpu.memory_space<hbm>> -> memref<40x128xi32, #tpu.memory_space<hbm>>
        %dma_wait3A_78 = arith.constant 0 : i32
        %dma_wait3A_79 = tpu.memref_slice %arg4[%add3A, %mul3A_32, %dma_wait3A_78] : memref<32x80x128xi32, #tpu.memory_space<hbm>> -> memref<1x40x128xi32, #tpu.memory_space<hbm>>
        %dma_wait3A_80 = tpu.memref_squeeze %dma_wait3A_79 : memref<1x40x128xi32, #tpu.memory_space<hbm>> -> memref<40x128xi32, #tpu.memory_space<hbm>>
        tpu.wait_dma2 semaphore(%run_scoped3A_68 : memref<!tpu.dma_semaphore, #tpu.memory_space<semaphore_mem>>) src(%dma_wait3A_80 : memref<40x128xi32, #tpu.memory_space<hbm>>) dst(%arg8 : memref<40x128xi32, #tpu.memory_space<vmem>>)
        tpu.yield
      }) : () -> ()
      %dma_start3A = arith.constant 0 : i32
      %dma_start3A_33 = arith.constant 0 : i32
      %dma_start3A_34 = tpu.memref_slice %arg7[%dma_start3A, %dma_start3A_33] : memref<40x128xi32, #tpu.memory_space<vmem>> -> memref<1x128xi32, #tpu.memory_space<vmem>>
      %dma_start3A_35 = tpu.memref_squeeze %dma_start3A_34 : memref<1x128xi32, #tpu.memory_space<vmem>> -> memref<128xi32, #tpu.memory_space<vmem>>
      %dma_start3A_36 = arith.constant 0 : i32
      %dma_start3A_37 = arith.constant 0 : i32
      %dma_start3A_38 = tpu.memref_slice %arg2[%dma_start3A_36, %dma_start3A_37] : memref<20000x128xf32, #tpu.memory_space<hbm>> -> memref<20000x128xf32, #tpu.memory_space<hbm>>
      tpu.enqueue_indirect_dma source(%dma_start3A_38 : memref<20000x128xf32, #tpu.memory_space<hbm>>) target(%arg9 : memref<128x128xf32, #tpu.memory_space<vmem>>) offsets(%dma_start3A_35 : memref<128xi32, #tpu.memory_space<vmem>>) semaphore(%arg12 : memref<!tpu.dma_semaphore, #tpu.memory_space<semaphore_mem>>)
      %dma_start3A_39 = arith.constant 1 : i32
      %dma_start3A_40 = arith.constant 0 : i32
      %dma_start3A_41 = tpu.memref_slice %arg7[%dma_start3A_39, %dma_start3A_40] : memref<40x128xi32, #tpu.memory_space<vmem>> -> memref<1x128xi32, #tpu.memory_space<vmem>>
      %dma_start3A_42 = tpu.memref_squeeze %dma_start3A_41 : memref<1x128xi32, #tpu.memory_space<vmem>> -> memref<128xi32, #tpu.memory_space<vmem>>
      %dma_start3A_43 = arith.constant 0 : i32
      %dma_start3A_44 = arith.constant 0 : i32
      %dma_start3A_45 = tpu.memref_slice %arg2[%dma_start3A_43, %dma_start3A_44] : memref<20000x128xf32, #tpu.memory_space<hbm>> -> memref<20000x128xf32, #tpu.memory_space<hbm>>
      tpu.enqueue_indirect_dma source(%dma_start3A_45 : memref<20000x128xf32, #tpu.memory_space<hbm>>) target(%arg10 : memref<128x128xf32, #tpu.memory_space<vmem>>) offsets(%dma_start3A_42 : memref<128xi32, #tpu.memory_space<vmem>>) semaphore(%arg13 : memref<!tpu.dma_semaphore, #tpu.memory_space<semaphore_mem>>)
      %scan3A_46 = arith.constant 0 : i32
      %scan3A_47 = arith.constant 0 : i32
      %scan3A_48 = arith.constant 19 : i32
      %scan3A_49 = arith.addi %scan3A_47, %scan3A_48 : i32
      %scan3A_50 = arith.constant 1 : i32
      %scan3A_51 = scf.for %scan3A_68 = %scan3A_47 to %scan3A_49 step %scan3A_50 iter_args(%scan3A_69 = %scan3A_46) -> (i32)  : i32 {
        %mul3A_70 = arith.constant 2 : i32
        %mul3A_71 = arith.muli %mul3A_70, %scan3A_68 : i32
        %dma_wait3A_72 = arith.constant 0 : i32
        %dma_wait3A_73 = tpu.memref_slice %arg7[%mul3A_71, %dma_wait3A_72] : memref<40x128xi32, #tpu.memory_space<vmem>> -> memref<1x128xi32, #tpu.memory_space<vmem>>
        %dma_wait3A_74 = tpu.memref_squeeze %dma_wait3A_73 : memref<1x128xi32, #tpu.memory_space<vmem>> -> memref<128xi32, #tpu.memory_space<vmem>>
        %dma_wait3A_75 = arith.constant 0 : i32
        %dma_wait3A_76 = arith.constant 0 : i32
        %dma_wait3A_77 = tpu.memref_slice %arg2[%dma_wait3A_75, %dma_wait3A_76] : memref<20000x128xf32, #tpu.memory_space<hbm>> -> memref<20000x128xf32, #tpu.memory_space<hbm>>
        tpu.wait_indirect_dma semaphore(%arg12 : memref<!tpu.dma_semaphore, #tpu.memory_space<semaphore_mem>>) src(%dma_wait3A_77 : memref<20000x128xf32, #tpu.memory_space<hbm>>) dst(%arg9 : memref<128x128xf32, #tpu.memory_space<vmem>>)
        "tpu.region"() ({
          %run_scoped3A_105 = tpu.sem_alloc : memref<!tpu.dma_semaphore, #tpu.memory_space<semaphore_mem>>
          %dma_start3A_106 = arith.constant 0 : i32
          %dma_start3A_107 = tpu.memref_slice %arg8[%mul3A_71, %dma_start3A_106] : memref<40x128xi32, #tpu.memory_space<vmem>> -> memref<1x128xi32, #tpu.memory_space<vmem>>
          %dma_start3A_108 = tpu.memref_squeeze %dma_start3A_107 : memref<1x128xi32, #tpu.memory_space<vmem>> -> memref<128xi32, #tpu.memory_space<vmem>>
          %dma_start3A_109 = arith.constant 0 : i32
          %dma_start3A_110 = arith.constant 0 : i32
          %dma_start3A_111 = tpu.memref_slice %arg11[%dma_start3A_109, %dma_start3A_110] : memref<10112x128xf32, #tpu.memory_space<vmem_shared>> -> memref<10112x128xf32, #tpu.memory_space<vmem_shared>>
          tpu.enqueue_indirect_dma source(%arg9 : memref<128x128xf32, #tpu.memory_space<vmem>>) target(%dma_start3A_111 : memref<10112x128xf32, #tpu.memory_space<vmem_shared>>) offsets(%dma_start3A_108 : memref<128xi32, #tpu.memory_space<vmem>>) semaphore(%run_scoped3A_105 : memref<!tpu.dma_semaphore, #tpu.memory_space<semaphore_mem>>) {add = true}
          %dma_wait3A_112 = arith.constant 0 : i32
          %dma_wait3A_113 = tpu.memref_slice %arg8[%mul3A_71, %dma_wait3A_112] : memref<40x128xi32, #tpu.memory_space<vmem>> -> memref<1x128xi32, #tpu.memory_space<vmem>>
          %dma_wait3A_114 = tpu.memref_squeeze %dma_wait3A_113 : memref<1x128xi32, #tpu.memory_space<vmem>> -> memref<128xi32, #tpu.memory_space<vmem>>
          %dma_wait3A_115 = arith.constant 0 : i32
          %dma_wait3A_116 = arith.constant 0 : i32
          %dma_wait3A_117 = tpu.memref_slice %arg11[%dma_wait3A_115, %dma_wait3A_116] : memref<10112x128xf32, #tpu.memory_space<vmem_shared>> -> memref<10112x128xf32, #tpu.memory_space<vmem_shared>>
          tpu.wait_indirect_dma semaphore(%run_scoped3A_105 : memref<!tpu.dma_semaphore, #tpu.memory_space<semaphore_mem>>) src(%arg9 : memref<128x128xf32, #tpu.memory_space<vmem>>) dst(%dma_wait3A_117 : memref<10112x128xf32, #tpu.memory_space<vmem_shared>>)
          tpu.yield
        }) : () -> ()
        %add3A_78 = arith.constant 2 : i32
        %add3A_79 = arith.addi %mul3A_71, %add3A_78 : i32
        %dma_start3A_80 = arith.constant 0 : i32
        %dma_start3A_81 = tpu.memref_slice %arg7[%add3A_79, %dma_start3A_80] : memref<40x128xi32, #tpu.memory_space<vmem>> -> memref<1x128xi32, #tpu.memory_space<vmem>>
        %dma_start3A_82 = tpu.memref_squeeze %dma_start3A_81 : memref<1x128xi32, #tpu.memory_space<vmem>> -> memref<128xi32, #tpu.memory_space<vmem>>
        %dma_start3A_83 = arith.constant 0 : i32
        %dma_start3A_84 = arith.constant 0 : i32
        %dma_start3A_85 = tpu.memref_slice %arg2[%dma_start3A_83, %dma_start3A_84] : memref<20000x128xf32, #tpu.memory_space<hbm>> -> memref<20000x128xf32, #tpu.memory_space<hbm>>
        tpu.enqueue_indirect_dma source(%dma_start3A_85 : memref<20000x128xf32, #tpu.memory_space<hbm>>) target(%arg9 : memref<128x128xf32, #tpu.memory_space<vmem>>) offsets(%dma_start3A_82 : memref<128xi32, #tpu.memory_space<vmem>>) semaphore(%arg12 : memref<!tpu.dma_semaphore, #tpu.memory_space<semaphore_mem>>)
        %mul3A_86 = arith.constant 2 : i32
        %mul3A_87 = arith.muli %mul3A_86, %scan3A_68 : i32
        %add3A_88 = arith.constant 1 : i32
        %add3A_89 = arith.addi %mul3A_87, %add3A_88 : i32
        %dma_wait3A_90 = arith.constant 0 : i32
        %dma_wait3A_91 = tpu.memref_slice %arg7[%add3A_89, %dma_wait3A_90] : memref<40x128xi32, #tpu.memory_space<vmem>> -> memref<1x128xi32, #tpu.memory_space<vmem>>
        %dma_wait3A_92 = tpu.memref_squeeze %dma_wait3A_91 : memref<1x128xi32, #tpu.memory_space<vmem>> -> memref<128xi32, #tpu.memory_space<vmem>>
        %dma_wait3A_93 = arith.constant 0 : i32
        %dma_wait3A_94 = arith.constant 0 : i32
        %dma_wait3A_95 = tpu.memref_slice %arg2[%dma_wait3A_93, %dma_wait3A_94] : memref<20000x128xf32, #tpu.memory_space<hbm>> -> memref<20000x128xf32, #tpu.memory_space<hbm>>
        tpu.wait_indirect_dma semaphore(%arg13 : memref<!tpu.dma_semaphore, #tpu.memory_space<semaphore_mem>>) src(%dma_wait3A_95 : memref<20000x128xf32, #tpu.memory_space<hbm>>) dst(%arg10 : memref<128x128xf32, #tpu.memory_space<vmem>>)
        "tpu.region"() ({
          %run_scoped3A_105 = tpu.sem_alloc : memref<!tpu.dma_semaphore, #tpu.memory_space<semaphore_mem>>
          %dma_start3A_106 = arith.constant 0 : i32
          %dma_start3A_107 = tpu.memref_slice %arg8[%add3A_89, %dma_start3A_106] : memref<40x128xi32, #tpu.memory_space<vmem>> -> memref<1x128xi32, #tpu.memory_space<vmem>>
          %dma_start3A_108 = tpu.memref_squeeze %dma_start3A_107 : memref<1x128xi32, #tpu.memory_space<vmem>> -> memref<128xi32, #tpu.memory_space<vmem>>
          %dma_start3A_109 = arith.constant 0 : i32
          %dma_start3A_110 = arith.constant 0 : i32
          %dma_start3A_111 = tpu.memref_slice %arg11[%dma_start3A_109, %dma_start3A_110] : memref<10112x128xf32, #tpu.memory_space<vmem_shared>> -> memref<10112x128xf32, #tpu.memory_space<vmem_shared>>
          tpu.enqueue_indirect_dma source(%arg10 : memref<128x128xf32, #tpu.memory_space<vmem>>) target(%dma_start3A_111 : memref<10112x128xf32, #tpu.memory_space<vmem_shared>>) offsets(%dma_start3A_108 : memref<128xi32, #tpu.memory_space<vmem>>) semaphore(%run_scoped3A_105 : memref<!tpu.dma_semaphore, #tpu.memory_space<semaphore_mem>>) {add = true}
          %dma_wait3A_112 = arith.constant 0 : i32
          %dma_wait3A_113 = tpu.memref_slice %arg8[%add3A_89, %dma_wait3A_112] : memref<40x128xi32, #tpu.memory_space<vmem>> -> memref<1x128xi32, #tpu.memory_space<vmem>>
          %dma_wait3A_114 = tpu.memref_squeeze %dma_wait3A_113 : memref<1x128xi32, #tpu.memory_space<vmem>> -> memref<128xi32, #tpu.memory_space<vmem>>
          %dma_wait3A_115 = arith.constant 0 : i32
          %dma_wait3A_116 = arith.constant 0 : i32
          %dma_wait3A_117 = tpu.memref_slice %arg11[%dma_wait3A_115, %dma_wait3A_116] : memref<10112x128xf32, #tpu.memory_space<vmem_shared>> -> memref<10112x128xf32, #tpu.memory_space<vmem_shared>>
          tpu.wait_indirect_dma semaphore(%run_scoped3A_105 : memref<!tpu.dma_semaphore, #tpu.memory_space<semaphore_mem>>) src(%arg10 : memref<128x128xf32, #tpu.memory_space<vmem>>) dst(%dma_wait3A_117 : memref<10112x128xf32, #tpu.memory_space<vmem_shared>>)
          tpu.yield
        }) : () -> ()
        %add3A_96 = arith.constant 2 : i32
        %add3A_97 = arith.addi %add3A_89, %add3A_96 : i32
        %dma_start3A_98 = arith.constant 0 : i32
        %dma_start3A_99 = tpu.memref_slice %arg7[%add3A_97, %dma_start3A_98] : memref<40x128xi32, #tpu.memory_space<vmem>> -> memref<1x128xi32, #tpu.memory_space<vmem>>
        %dma_start3A_100 = tpu.memref_squeeze %dma_start3A_99 : memref<1x128xi32, #tpu.memory_space<vmem>> -> memref<128xi32, #tpu.memory_space<vmem>>
        %dma_start3A_101 = arith.constant 0 : i32
        %dma_start3A_102 = arith.constant 0 : i32
        %dma_start3A_103 = tpu.memref_slice %arg2[%dma_start3A_101, %dma_start3A_102] : memref<20000x128xf32, #tpu.memory_space<hbm>> -> memref<20000x128xf32, #tpu.memory_space<hbm>>
        tpu.enqueue_indirect_dma source(%dma_start3A_103 : memref<20000x128xf32, #tpu.memory_space<hbm>>) target(%arg10 : memref<128x128xf32, #tpu.memory_space<vmem>>) offsets(%dma_start3A_100 : memref<128xi32, #tpu.memory_space<vmem>>) semaphore(%arg13 : memref<!tpu.dma_semaphore, #tpu.memory_space<semaphore_mem>>)
        %scan3A_104 = arith.constant 0 : i32
        scf.yield %scan3A_104 : i32
      }
      %scan3A_52 = arith.constant 19 : i32
      %dma_wait3A = arith.constant 38 : i32
      %dma_wait3A_53 = arith.constant 0 : i32
      %dma_wait3A_54 = tpu.memref_slice %arg7[%dma_wait3A, %dma_wait3A_53] : memref<40x128xi32, #tpu.memory_space<vmem>> -> memref<1x128xi32, #tpu.memory_space<vmem>>
      %dma_wait3A_55 = tpu.memref_squeeze %dma_wait3A_54 : memref<1x128xi32, #tpu.memory_space<vmem>> -> memref<128xi32, #tpu.memory_space<vmem>>
      %dma_wait3A_56 = arith.constant 0 : i32
      %dma_wait3A_57 = arith.constant 0 : i32
      %dma_wait3A_58 = tpu.memref_slice %arg2[%dma_wait3A_56, %dma_wait3A_57] : memref<20000x128xf32, #tpu.memory_space<hbm>> -> memref<20000x128xf32, #tpu.memory_space<hbm>>
      tpu.wait_indirect_dma semaphore(%arg12 : memref<!tpu.dma_semaphore, #tpu.memory_space<semaphore_mem>>) src(%dma_wait3A_58 : memref<20000x128xf32, #tpu.memory_space<hbm>>) dst(%arg9 : memref<128x128xf32, #tpu.memory_space<vmem>>)
      %run_scoped3A = arith.constant 38 : i32
      "tpu.region"() ({
        %run_scoped3A_68 = tpu.sem_alloc : memref<!tpu.dma_semaphore, #tpu.memory_space<semaphore_mem>>
        %dma_start3A_69 = arith.constant 0 : i32
        %dma_start3A_70 = tpu.memref_slice %arg8[%run_scoped3A, %dma_start3A_69] : memref<40x128xi32, #tpu.memory_space<vmem>> -> memref<1x128xi32, #tpu.memory_space<vmem>>
        %dma_start3A_71 = tpu.memref_squeeze %dma_start3A_70 : memref<1x128xi32, #tpu.memory_space<vmem>> -> memref<128xi32, #tpu.memory_space<vmem>>
        %dma_start3A_72 = arith.constant 0 : i32
        %dma_start3A_73 = arith.constant 0 : i32
        %dma_start3A_74 = tpu.memref_slice %arg11[%dma_start3A_72, %dma_start3A_73] : memref<10112x128xf32, #tpu.memory_space<vmem_shared>> -> memref<10112x128xf32, #tpu.memory_space<vmem_shared>>
        tpu.enqueue_indirect_dma source(%arg9 : memref<128x128xf32, #tpu.memory_space<vmem>>) target(%dma_start3A_74 : memref<10112x128xf32, #tpu.memory_space<vmem_shared>>) offsets(%dma_start3A_71 : memref<128xi32, #tpu.memory_space<vmem>>) semaphore(%run_scoped3A_68 : memref<!tpu.dma_semaphore, #tpu.memory_space<semaphore_mem>>) {add = true}
        %dma_wait3A_75 = arith.constant 0 : i32
        %dma_wait3A_76 = tpu.memref_slice %arg8[%run_scoped3A, %dma_wait3A_75] : memref<40x128xi32, #tpu.memory_space<vmem>> -> memref<1x128xi32, #tpu.memory_space<vmem>>
        %dma_wait3A_77 = tpu.memref_squeeze %dma_wait3A_76 : memref<1x128xi32, #tpu.memory_space<vmem>> -> memref<128xi32, #tpu.memory_space<vmem>>
        %dma_wait3A_78 = arith.constant 0 : i32
        %dma_wait3A_79 = arith.constant 0 : i32
        %dma_wait3A_80 = tpu.memref_slice %arg11[%dma_wait3A_78, %dma_wait3A_79] : memref<10112x128xf32, #tpu.memory_space<vmem_shared>> -> memref<10112x128xf32, #tpu.memory_space<vmem_shared>>
        tpu.wait_indirect_dma semaphore(%run_scoped3A_68 : memref<!tpu.dma_semaphore, #tpu.memory_space<semaphore_mem>>) src(%arg9 : memref<128x128xf32, #tpu.memory_space<vmem>>) dst(%dma_wait3A_80 : memref<10112x128xf32, #tpu.memory_space<vmem_shared>>)
        tpu.yield
      }) : () -> ()
      %dma_wait3A_59 = arith.constant 39 : i32
      %dma_wait3A_60 = arith.constant 0 : i32
      %dma_wait3A_61 = tpu.memref_slice %arg7[%dma_wait3A_59, %dma_wait3A_60] : memref<40x128xi32, #tpu.memory_space<vmem>> -> memref<1x128xi32, #tpu.memory_space<vmem>>
      %dma_wait3A_62 = tpu.memref_squeeze %dma_wait3A_61 : memref<1x128xi32, #tpu.memory_space<vmem>> -> memref<128xi32, #tpu.memory_space<vmem>>
      %dma_wait3A_63 = arith.constant 0 : i32
      %dma_wait3A_64 = arith.constant 0 : i32
      %dma_wait3A_65 = tpu.memref_slice %arg2[%dma_wait3A_63, %dma_wait3A_64] : memref<20000x128xf32, #tpu.memory_space<hbm>> -> memref<20000x128xf32, #tpu.memory_space<hbm>>
      tpu.wait_indirect_dma semaphore(%arg13 : memref<!tpu.dma_semaphore, #tpu.memory_space<semaphore_mem>>) src(%dma_wait3A_65 : memref<20000x128xf32, #tpu.memory_space<hbm>>) dst(%arg10 : memref<128x128xf32, #tpu.memory_space<vmem>>)
      %run_scoped3A_66 = arith.constant 39 : i32
      "tpu.region"() ({
        %run_scoped3A_68 = tpu.sem_alloc : memref<!tpu.dma_semaphore, #tpu.memory_space<semaphore_mem>>
        %dma_start3A_69 = arith.constant 0 : i32
        %dma_start3A_70 = tpu.memref_slice %arg8[%run_scoped3A_66, %dma_start3A_69] : memref<40x128xi32, #tpu.memory_space<vmem>> -> memref<1x128xi32, #tpu.memory_space<vmem>>
        %dma_start3A_71 = tpu.memref_squeeze %dma_start3A_70 : memref<1x128xi32, #tpu.memory_space<vmem>> -> memref<128xi32, #tpu.memory_space<vmem>>
        %dma_start3A_72 = arith.constant 0 : i32
        %dma_start3A_73 = arith.constant 0 : i32
        %dma_start3A_74 = tpu.memref_slice %arg11[%dma_start3A_72, %dma_start3A_73] : memref<10112x128xf32, #tpu.memory_space<vmem_shared>> -> memref<10112x128xf32, #tpu.memory_space<vmem_shared>>
        tpu.enqueue_indirect_dma source(%arg10 : memref<128x128xf32, #tpu.memory_space<vmem>>) target(%dma_start3A_74 : memref<10112x128xf32, #tpu.memory_space<vmem_shared>>) offsets(%dma_start3A_71 : memref<128xi32, #tpu.memory_space<vmem>>) semaphore(%run_scoped3A_68 : memref<!tpu.dma_semaphore, #tpu.memory_space<semaphore_mem>>) {add = true}
        %dma_wait3A_75 = arith.constant 0 : i32
        %dma_wait3A_76 = tpu.memref_slice %arg8[%run_scoped3A_66, %dma_wait3A_75] : memref<40x128xi32, #tpu.memory_space<vmem>> -> memref<1x128xi32, #tpu.memory_space<vmem>>
        %dma_wait3A_77 = tpu.memref_squeeze %dma_wait3A_76 : memref<1x128xi32, #tpu.memory_space<vmem>> -> memref<128xi32, #tpu.memory_space<vmem>>
        %dma_wait3A_78 = arith.constant 0 : i32
        %dma_wait3A_79 = arith.constant 0 : i32
        %dma_wait3A_80 = tpu.memref_slice %arg11[%dma_wait3A_78, %dma_wait3A_79] : memref<10112x128xf32, #tpu.memory_space<vmem_shared>> -> memref<10112x128xf32, #tpu.memory_space<vmem_shared>>
        tpu.wait_indirect_dma semaphore(%run_scoped3A_68 : memref<!tpu.dma_semaphore, #tpu.memory_space<semaphore_mem>>) src(%arg10 : memref<128x128xf32, #tpu.memory_space<vmem>>) dst(%dma_wait3A_80 : memref<10112x128xf32, #tpu.memory_space<vmem_shared>>)
        tpu.yield
      }) : () -> ()
      %scan3A_67 = arith.constant 0 : i32
      scf.yield %scan3A_67 : i32
    }
    %scan3A_18 = arith.constant 2 : i32
    %barrier3A_19 = arith.constant 0 : index
    tpu.barrier barrier_id(%barrier3A_19)
    %mul3A_20 = arith.constant 632 : i32
    %mul3A_21 = arith.muli %arg1, %mul3A_20 : i32
    %mul3A_22 = arith.constant 10112 : i32
    %mul3A_23 = arith.muli %arg0, %mul3A_22 : i32
    %mul3A_24 = arith.constant 632 : i32
    %mul3A_25 = arith.muli %arg1, %mul3A_24 : i32
    %add3A_26 = arith.addi %mul3A_23, %mul3A_25 : i32
    "tpu.region"() ({
      %run_scoped3A = tpu.sem_alloc : memref<!tpu.dma_semaphore, #tpu.memory_space<semaphore_mem>>
      %dma_start3A = arith.constant 0 : i32
      %dma_start3A_27 = tpu.memref_slice %arg6[%add3A_26, %dma_start3A] : memref<20224x128xf32, #tpu.memory_space<hbm>> -> memref<632x128xf32, #tpu.memory_space<hbm>>
      %dma_start3A_28 = arith.constant 0 : i32
      %dma_start3A_29 = tpu.memref_slice %arg11[%mul3A_21, %dma_start3A_28] : memref<10112x128xf32, #tpu.memory_space<vmem_shared>> -> memref<632x128xf32, #tpu.memory_space<vmem_shared>>
      tpu.enqueue_dma source(%dma_start3A_29 : memref<632x128xf32, #tpu.memory_space<vmem_shared>>) target(%dma_start3A_27 : memref<632x128xf32, #tpu.memory_space<hbm>>) target_semaphore(%run_scoped3A : memref<!tpu.dma_semaphore, #tpu.memory_space<semaphore_mem>>)
      %dma_wait3A = arith.constant 0 : i32
      %dma_wait3A_30 = tpu.memref_slice %arg6[%add3A_26, %dma_wait3A] : memref<20224x128xf32, #tpu.memory_space<hbm>> -> memref<632x128xf32, #tpu.memory_space<hbm>>
      %dma_wait3A_31 = arith.constant 0 : i32
      %dma_wait3A_32 = tpu.memref_slice %arg11[%mul3A_21, %dma_wait3A_31] : memref<10112x128xf32, #tpu.memory_space<vmem_shared>> -> memref<632x128xf32, #tpu.memory_space<vmem_shared>>
      tpu.wait_dma2 semaphore(%run_scoped3A : memref<!tpu.dma_semaphore, #tpu.memory_space<semaphore_mem>>) src(%dma_wait3A_32 : memref<632x128xf32, #tpu.memory_space<vmem_shared>>) dst(%dma_wait3A_30 : memref<632x128xf32, #tpu.memory_space<hbm>>)
      tpu.yield
    }) : () -> ()
    return
  }
}

module attributes {stable_mosaic.version = 14 : i64} {
  func.func @_t0_body(%arg0: i32, %arg1: memref<2000x256xf32, #tpu.memory_space<vmem>>, %arg2: memref<256x256xf32, #tpu.memory_space<vmem>>, %arg3: memref<2x2000x16xf32, #tpu.memory_space<vmem>>, %arg4: memref<2x2000x128xf32, #tpu.memory_space<vmem>>) attributes {dimension_semantics = [#tpu.dimension_semantics<arbitrary>], iteration_bounds = array<i64: 5>, scalar_prefetch = 0 : i64, scratch_operands = 0 : i64, tpu.core_type = #tpu.core_type<tc>, window_params = [{transform_indices = @transform_0, window_bounds = array<i64: 2000, 256>}, {pipeline_mode = #tpu.pipeline_mode<synchronous>, transform_indices = @transform_1, window_bounds = array<i64: 256, 256>}, {transform_indices = @transform_2, window_bounds = array<i64: 2, 2000, 16>}, {transform_indices = @transform_3, window_bounds = array<i64: 2, 2000, 128>}]} {
    %get3A = arith.constant 0 : index
    %get3A_0 = arith.constant 0 : index
    %get3A_1 = arith.constant 0 : index
    %get3A_2 = vector.load %arg3[%get3A, %get3A_0, %get3A_1] : memref<2x2000x16xf32, #tpu.memory_space<vmem>>, vector<1x2000x1xf32>
    %get3A_3 = vector.shape_cast %get3A_2 : vector<1x2000x1xf32> to vector<2000x1xf32>
    %get3A_4 = arith.constant 1 : index
    %get3A_5 = arith.constant 0 : index
    %get3A_6 = arith.constant 0 : index
    %get3A_7 = vector.load %arg3[%get3A_4, %get3A_5, %get3A_6] : memref<2x2000x16xf32, #tpu.memory_space<vmem>>, vector<1x2000x1xf32>
    %get3A_8 = vector.shape_cast %get3A_7 : vector<1x2000x1xf32> to vector<2000x1xf32>
    %add3A = arith.addf %get3A_3, %get3A_8 : vector<2000x1xf32>
    %add3A_9 = arith.constant 1.000000e+00 : f32
    %add3A_10 = vector.broadcast %add3A_9 : f32 to vector<2000x1xf32>
    %add3A_11 = arith.addf %add3A, %add3A_10 : vector<2000x1xf32>
    %rsqrt3A = math.rsqrt %add3A_11 : vector<2000x1xf32>
    %get3A_12 = arith.constant 0 : index
    %get3A_13 = arith.constant 0 : index
    %get3A_14 = vector.load %arg1[%get3A_12, %get3A_13] : memref<2000x256xf32, #tpu.memory_space<vmem>>, vector<2000x256xf32>
    %get3A_15 = arith.constant 0 : index
    %get3A_16 = arith.constant 0 : index
    %get3A_17 = vector.load %arg2[%get3A_15, %get3A_16] : memref<256x256xf32, #tpu.memory_space<vmem>>, vector<256x256xf32>
    %dot_general3A = arith.constant dense<0.000000e+00> : vector<2000x256xf32>
    %dot_general3A_18 = tpu.matmul %get3A_14, %get3A_17, %dot_general3A {dimension_numbers = #tpu.dot_dimension_numbers<[1], [0], [0], [1], [0, 0, 1, 1], [], []>, transpose_lhs_hint = false} : vector<2000x256xf32>, vector<256x256xf32>, vector<2000x256xf32> -> vector<2000x256xf32>
    %mul3A = vector.broadcast %rsqrt3A : vector<2000x1xf32> to vector<2000x256xf32>
    %mul3A_19 = arith.mulf %mul3A, %dot_general3A_18 : vector<2000x256xf32>
    %slice3A = vector.extract_strided_slice %mul3A_19 {offsets = [0, 0], sizes = [2000, 128], strides = [1, 1]} : vector<2000x256xf32> to vector<2000x128xf32>
    %swap3A = arith.constant 0 : index
    %swap3A_20 = arith.constant 0 : index
    %swap3A_21 = arith.constant 0 : index
    %swap3A_22 = vector.load %arg4[%swap3A, %swap3A_20, %swap3A_21] : memref<2x2000x128xf32, #tpu.memory_space<vmem>>, vector<1x2000x128xf32>
    %swap3A_23 = vector.shape_cast %swap3A_22 : vector<1x2000x128xf32> to vector<2000x128xf32>
    %swap3A_24 = vector.shape_cast %slice3A : vector<2000x128xf32> to vector<1x2000x128xf32>
    tpu.vector_store %arg4[%swap3A, %swap3A_20, %swap3A_21], %swap3A_24 {strides = array<i32>} : memref<2x2000x128xf32, #tpu.memory_space<vmem>>, vector<1x2000x128xf32>,
    %slice3A_25 = vector.extract_strided_slice %mul3A_19 {offsets = [0, 128], sizes = [2000, 128], strides = [1, 1]} : vector<2000x256xf32> to vector<2000x128xf32>
    %swap3A_26 = arith.constant 1 : index
    %swap3A_27 = arith.constant 0 : index
    %swap3A_28 = arith.constant 0 : index
    %swap3A_29 = vector.load %arg4[%swap3A_26, %swap3A_27, %swap3A_28] : memref<2x2000x128xf32, #tpu.memory_space<vmem>>, vector<1x2000x128xf32>
    %swap3A_30 = vector.shape_cast %swap3A_29 : vector<1x2000x128xf32> to vector<2000x128xf32>
    %swap3A_31 = vector.shape_cast %slice3A_25 : vector<2000x128xf32> to vector<1x2000x128xf32>
    tpu.vector_store %arg4[%swap3A_26, %swap3A_27, %swap3A_28], %swap3A_31 {strides = array<i32>} : memref<2x2000x128xf32, #tpu.memory_space<vmem>>, vector<1x2000x128xf32>,
    return
  }
  func.func @transform_0(%arg0: i32) -> (i32, i32) {
    %c0_i32 = arith.constant 0 : i32
    %c0_i32_0 = arith.constant 0 : i32
    return %arg0, %c0_i32 : i32, i32
  }
  func.func @transform_1(%arg0: i32) -> (i32, i32) {
    %c0_i32 = arith.constant 0 : i32
    %c0_i32_0 = arith.constant 0 : i32
    %c0_i32_1 = arith.constant 0 : i32
    return %c0_i32, %c0_i32_0 : i32, i32
  }
  func.func @transform_2(%arg0: i32) -> (i32, i32, i32) {
    %c0_i32 = arith.constant 0 : i32
    %c0_i32_0 = arith.constant 0 : i32
    %c0_i32_1 = arith.constant 0 : i32
    return %c0_i32, %arg0, %c0_i32_0 : i32, i32, i32
  }
  func.func @transform_3(%arg0: i32) -> (i32, i32, i32) {
    %c0_i32 = arith.constant 0 : i32
    %c0_i32_0 = arith.constant 0 : i32
    %c0_i32_1 = arith.constant 0 : i32
    return %c0_i32, %arg0, %c0_i32_0 : i32, i32, i32
  }
}

module attributes {stable_mosaic.version = 14 : i64} {
  func.func @_mid_body(%arg0: i32, %arg1: memref<2x2000x128xf32, #tpu.memory_space<vmem>>, %arg2: memref<2x2000x128xf32, #tpu.memory_space<vmem>>, %arg3: memref<2x2000x16xf32, #tpu.memory_space<vmem>>, %arg4: memref<1x256xf32, #tpu.memory_space<vmem>>, %arg5: memref<256x256xf32, #tpu.memory_space<vmem>>, %arg6: memref<2000x256xf32, #tpu.memory_space<vmem>>, %arg7: memref<2x2000x128xf32, #tpu.memory_space<vmem>>) attributes {dimension_semantics = [#tpu.dimension_semantics<arbitrary>], iteration_bounds = array<i64: 5>, scalar_prefetch = 0 : i64, scratch_operands = 0 : i64, tpu.core_type = #tpu.core_type<tc>, window_params = [{transform_indices = @transform_0, window_bounds = array<i64: 2, 2000, 128>}, {transform_indices = @transform_1, window_bounds = array<i64: 2, 2000, 128>}, {transform_indices = @transform_2, window_bounds = array<i64: 2, 2000, 16>}, {pipeline_mode = #tpu.pipeline_mode<synchronous>, transform_indices = @transform_3, window_bounds = array<i64: 1, 256>}, {pipeline_mode = #tpu.pipeline_mode<synchronous>, transform_indices = @transform_4, window_bounds = array<i64: 256, 256>}, {transform_indices = @transform_5, window_bounds = array<i64: 2000, 256>}, {transform_indices = @transform_6, window_bounds = array<i64: 2, 2000, 128>}]} {
    %get3A = arith.constant 0 : index
    %get3A_0 = arith.constant 0 : index
    %get3A_1 = arith.constant 0 : index
    %get3A_2 = vector.load %arg3[%get3A, %get3A_0, %get3A_1] : memref<2x2000x16xf32, #tpu.memory_space<vmem>>, vector<1x2000x1xf32>
    %get3A_3 = vector.shape_cast %get3A_2 : vector<1x2000x1xf32> to vector<2000x1xf32>
    %get3A_4 = arith.constant 1 : index
    %get3A_5 = arith.constant 0 : index
    %get3A_6 = arith.constant 0 : index
    %get3A_7 = vector.load %arg3[%get3A_4, %get3A_5, %get3A_6] : memref<2x2000x16xf32, #tpu.memory_space<vmem>>, vector<1x2000x1xf32>
    %get3A_8 = vector.shape_cast %get3A_7 : vector<1x2000x1xf32> to vector<2000x1xf32>
    %add3A = arith.addf %get3A_3, %get3A_8 : vector<2000x1xf32>
    %add3A_9 = arith.constant 1.000000e+00 : f32
    %add3A_10 = vector.broadcast %add3A_9 : f32 to vector<2000x1xf32>
    %add3A_11 = arith.addf %add3A, %add3A_10 : vector<2000x1xf32>
    %rsqrt3A = math.rsqrt %add3A_11 : vector<2000x1xf32>
    %get3A_12 = arith.constant 0 : index
    %get3A_13 = arith.constant 0 : index
    %get3A_14 = arith.constant 0 : index
    %get3A_15 = vector.load %arg1[%get3A_12, %get3A_13, %get3A_14] : memref<2x2000x128xf32, #tpu.memory_space<vmem>>, vector<1x2000x128xf32>
    %get3A_16 = vector.shape_cast %get3A_15 : vector<1x2000x128xf32> to vector<2000x128xf32>
    %get3A_17 = arith.constant 0 : index
    %get3A_18 = arith.constant 0 : index
    %get3A_19 = arith.constant 0 : index
    %get3A_20 = vector.load %arg2[%get3A_17, %get3A_18, %get3A_19] : memref<2x2000x128xf32, #tpu.memory_space<vmem>>, vector<1x2000x128xf32>
    %get3A_21 = vector.shape_cast %get3A_20 : vector<1x2000x128xf32> to vector<2000x128xf32>
    %add3A_22 = arith.addf %get3A_16, %get3A_21 : vector<2000x128xf32>
    %get3A_23 = arith.constant 1 : index
    %get3A_24 = arith.constant 0 : index
    %get3A_25 = arith.constant 0 : index
    %get3A_26 = vector.load %arg1[%get3A_23, %get3A_24, %get3A_25] : memref<2x2000x128xf32, #tpu.memory_space<vmem>>, vector<1x2000x128xf32>
    %get3A_27 = vector.shape_cast %get3A_26 : vector<1x2000x128xf32> to vector<2000x128xf32>
    %get3A_28 = arith.constant 1 : index
    %get3A_29 = arith.constant 0 : index
    %get3A_30 = arith.constant 0 : index
    %get3A_31 = vector.load %arg2[%get3A_28, %get3A_29, %get3A_30] : memref<2x2000x128xf32, #tpu.memory_space<vmem>>, vector<1x2000x128xf32>
    %get3A_32 = vector.shape_cast %get3A_31 : vector<1x2000x128xf32> to vector<2000x128xf32>
    %add3A_33 = arith.addf %get3A_27, %get3A_32 : vector<2000x128xf32>
    %concatenate3A = tpu.concatenate %add3A_22, %add3A_33 in 1 : vector<2000x128xf32>, vector<2000x128xf32> -> vector<2000x256xf32>
    %mul3A = vector.broadcast %rsqrt3A : vector<2000x1xf32> to vector<2000x256xf32>
    %mul3A_34 = arith.mulf %mul3A, %concatenate3A : vector<2000x256xf32>
    %get3A_35 = arith.constant 0 : index
    %get3A_36 = arith.constant 0 : index
    %get3A_37 = vector.load %arg4[%get3A_35, %get3A_36] : memref<1x256xf32, #tpu.memory_space<vmem>>, vector<1x256xf32>
    %add3A_38 = vector.broadcast %get3A_37 : vector<1x256xf32> to vector<2000x256xf32>
    %add3A_39 = arith.addf %mul3A_34, %add3A_38 : vector<2000x256xf32>
    %tanh3A = math.tanh %add3A_39 : vector<2000x256xf32>
    %swap3A = arith.constant 0 : index
    %swap3A_40 = arith.constant 0 : index
    %swap3A_41 = vector.load %arg6[%swap3A, %swap3A_40] : memref<2000x256xf32, #tpu.memory_space<vmem>>, vector<2000x256xf32>
    tpu.vector_store %arg6[%swap3A, %swap3A_40], %tanh3A {strides = array<i32>} : memref<2000x256xf32, #tpu.memory_space<vmem>>, vector<2000x256xf32>,
    %get3A_42 = arith.constant 0 : index
    %get3A_43 = arith.constant 0 : index
    %get3A_44 = vector.load %arg5[%get3A_42, %get3A_43] : memref<256x256xf32, #tpu.memory_space<vmem>>, vector<256x256xf32>
    %dot_general3A = arith.constant dense<0.000000e+00> : vector<2000x256xf32>
    %dot_general3A_45 = tpu.matmul %tanh3A, %get3A_44, %dot_general3A {dimension_numbers = #tpu.dot_dimension_numbers<[1], [0], [0], [1], [0, 0, 1, 1], [], []>, transpose_lhs_hint = false} : vector<2000x256xf32>, vector<256x256xf32>, vector<2000x256xf32> -> vector<2000x256xf32>
    %mul3A_46 = vector.broadcast %rsqrt3A : vector<2000x1xf32> to vector<2000x256xf32>
    %mul3A_47 = arith.mulf %mul3A_46, %dot_general3A_45 : vector<2000x256xf32>
    %slice3A = vector.extract_strided_slice %mul3A_47 {offsets = [0, 0], sizes = [2000, 128], strides = [1, 1]} : vector<2000x256xf32> to vector<2000x128xf32>
    %swap3A_48 = arith.constant 0 : index
    %swap3A_49 = arith.constant 0 : index
    %swap3A_50 = arith.constant 0 : index
    %swap3A_51 = vector.load %arg7[%swap3A_48, %swap3A_49, %swap3A_50] : memref<2x2000x128xf32, #tpu.memory_space<vmem>>, vector<1x2000x128xf32>
    %swap3A_52 = vector.shape_cast %swap3A_51 : vector<1x2000x128xf32> to vector<2000x128xf32>
    %swap3A_53 = vector.shape_cast %slice3A : vector<2000x128xf32> to vector<1x2000x128xf32>
    tpu.vector_store %arg7[%swap3A_48, %swap3A_49, %swap3A_50], %swap3A_53 {strides = array<i32>} : memref<2x2000x128xf32, #tpu.memory_space<vmem>>, vector<1x2000x128xf32>,
    %slice3A_54 = vector.extract_strided_slice %mul3A_47 {offsets = [0, 128], sizes = [2000, 128], strides = [1, 1]} : vector<2000x256xf32> to vector<2000x128xf32>
    %swap3A_55 = arith.constant 1 : index
    %swap3A_56 = arith.constant 0 : index
    %swap3A_57 = arith.constant 0 : index
    %swap3A_58 = vector.load %arg7[%swap3A_55, %swap3A_56, %swap3A_57] : memref<2x2000x128xf32, #tpu.memory_space<vmem>>, vector<1x2000x128xf32>
    %swap3A_59 = vector.shape_cast %swap3A_58 : vector<1x2000x128xf32> to vector<2000x128xf32>
    %swap3A_60 = vector.shape_cast %slice3A_54 : vector<2000x128xf32> to vector<1x2000x128xf32>
    tpu.vector_store %arg7[%swap3A_55, %swap3A_56, %swap3A_57], %swap3A_60 {strides = array<i32>} : memref<2x2000x128xf32, #tpu.memory_space<vmem>>, vector<1x2000x128xf32>,
    return
  }
  func.func @transform_0(%arg0: i32) -> (i32, i32, i32) {
    %c0_i32 = arith.constant 0 : i32
    %c0_i32_0 = arith.constant 0 : i32
    %c0_i32_1 = arith.constant 0 : i32
    return %c0_i32, %arg0, %c0_i32_0 : i32, i32, i32
  }
  func.func @transform_1(%arg0: i32) -> (i32, i32, i32) {
    %c0_i32 = arith.constant 0 : i32
    %c0_i32_0 = arith.constant 0 : i32
    %c0_i32_1 = arith.constant 0 : i32
    return %c0_i32, %arg0, %c0_i32_0 : i32, i32, i32
  }
  func.func @transform_2(%arg0: i32) -> (i32, i32, i32) {
    %c0_i32 = arith.constant 0 : i32
    %c0_i32_0 = arith.constant 0 : i32
    %c0_i32_1 = arith.constant 0 : i32
    return %c0_i32, %arg0, %c0_i32_0 : i32, i32, i32
  }
  func.func @transform_3(%arg0: i32) -> (i32, i32) {
    %c0_i32 = arith.constant 0 : i32
    %c0_i32_0 = arith.constant 0 : i32
    %c0_i32_1 = arith.constant 0 : i32
    return %c0_i32, %c0_i32_0 : i32, i32
  }
  func.func @transform_4(%arg0: i32) -> (i32, i32) {
    %c0_i32 = arith.constant 0 : i32
    %c0_i32_0 = arith.constant 0 : i32
    %c0_i32_1 = arith.constant 0 : i32
    return %c0_i32, %c0_i32_0 : i32, i32
  }
  func.func @transform_5(%arg0: i32) -> (i32, i32) {
    %c0_i32 = arith.constant 0 : i32
    %c0_i32_0 = arith.constant 0 : i32
    return %arg0, %c0_i32 : i32, i32
  }
  func.func @transform_6(%arg0: i32) -> (i32, i32, i32) {
    %c0_i32 = arith.constant 0 : i32
    %c0_i32_0 = arith.constant 0 : i32
    %c0_i32_1 = arith.constant 0 : i32
    return %c0_i32, %arg0, %c0_i32_0 : i32, i32, i32
  }
}

module attributes {stable_mosaic.version = 14 : i64} {
  func.func @_mid_body(%arg0: i32, %arg1: memref<2x2000x128xf32, #tpu.memory_space<vmem>>, %arg2: memref<2x2000x128xf32, #tpu.memory_space<vmem>>, %arg3: memref<2x2000x16xf32, #tpu.memory_space<vmem>>, %arg4: memref<1x256xf32, #tpu.memory_space<vmem>>, %arg5: memref<256x128xf32, #tpu.memory_space<vmem>>, %arg6: memref<2000x256xf32, #tpu.memory_space<vmem>>, %arg7: memref<2000x128xf32, #tpu.memory_space<vmem>>) attributes {dimension_semantics = [#tpu.dimension_semantics<arbitrary>], iteration_bounds = array<i64: 5>, scalar_prefetch = 0 : i64, scratch_operands = 0 : i64, tpu.core_type = #tpu.core_type<tc>, window_params = [{transform_indices = @transform_0, window_bounds = array<i64: 2, 2000, 128>}, {transform_indices = @transform_1, window_bounds = array<i64: 2, 2000, 128>}, {transform_indices = @transform_2, window_bounds = array<i64: 2, 2000, 16>}, {pipeline_mode = #tpu.pipeline_mode<synchronous>, transform_indices = @transform_3, window_bounds = array<i64: 1, 256>}, {pipeline_mode = #tpu.pipeline_mode<synchronous>, transform_indices = @transform_4, window_bounds = array<i64: 256, 128>}, {transform_indices = @transform_5, window_bounds = array<i64: 2000, 256>}, {transform_indices = @transform_6, window_bounds = array<i64: 2000, 128>}]} {
    %get3A = arith.constant 0 : index
    %get3A_0 = arith.constant 0 : index
    %get3A_1 = arith.constant 0 : index
    %get3A_2 = vector.load %arg3[%get3A, %get3A_0, %get3A_1] : memref<2x2000x16xf32, #tpu.memory_space<vmem>>, vector<1x2000x1xf32>
    %get3A_3 = vector.shape_cast %get3A_2 : vector<1x2000x1xf32> to vector<2000x1xf32>
    %get3A_4 = arith.constant 1 : index
    %get3A_5 = arith.constant 0 : index
    %get3A_6 = arith.constant 0 : index
    %get3A_7 = vector.load %arg3[%get3A_4, %get3A_5, %get3A_6] : memref<2x2000x16xf32, #tpu.memory_space<vmem>>, vector<1x2000x1xf32>
    %get3A_8 = vector.shape_cast %get3A_7 : vector<1x2000x1xf32> to vector<2000x1xf32>
    %add3A = arith.addf %get3A_3, %get3A_8 : vector<2000x1xf32>
    %add3A_9 = arith.constant 1.000000e+00 : f32
    %add3A_10 = vector.broadcast %add3A_9 : f32 to vector<2000x1xf32>
    %add3A_11 = arith.addf %add3A, %add3A_10 : vector<2000x1xf32>
    %rsqrt3A = math.rsqrt %add3A_11 : vector<2000x1xf32>
    %get3A_12 = arith.constant 0 : index
    %get3A_13 = arith.constant 0 : index
    %get3A_14 = arith.constant 0 : index
    %get3A_15 = vector.load %arg1[%get3A_12, %get3A_13, %get3A_14] : memref<2x2000x128xf32, #tpu.memory_space<vmem>>, vector<1x2000x128xf32>
    %get3A_16 = vector.shape_cast %get3A_15 : vector<1x2000x128xf32> to vector<2000x128xf32>
    %get3A_17 = arith.constant 0 : index
    %get3A_18 = arith.constant 0 : index
    %get3A_19 = arith.constant 0 : index
    %get3A_20 = vector.load %arg2[%get3A_17, %get3A_18, %get3A_19] : memref<2x2000x128xf32, #tpu.memory_space<vmem>>, vector<1x2000x128xf32>
    %get3A_21 = vector.shape_cast %get3A_20 : vector<1x2000x128xf32> to vector<2000x128xf32>
    %add3A_22 = arith.addf %get3A_16, %get3A_21 : vector<2000x128xf32>
    %get3A_23 = arith.constant 1 : index
    %get3A_24 = arith.constant 0 : index
    %get3A_25 = arith.constant 0 : index
    %get3A_26 = vector.load %arg1[%get3A_23, %get3A_24, %get3A_25] : memref<2x2000x128xf32, #tpu.memory_space<vmem>>, vector<1x2000x128xf32>
    %get3A_27 = vector.shape_cast %get3A_26 : vector<1x2000x128xf32> to vector<2000x128xf32>
    %get3A_28 = arith.constant 1 : index
    %get3A_29 = arith.constant 0 : index
    %get3A_30 = arith.constant 0 : index
    %get3A_31 = vector.load %arg2[%get3A_28, %get3A_29, %get3A_30] : memref<2x2000x128xf32, #tpu.memory_space<vmem>>, vector<1x2000x128xf32>
    %get3A_32 = vector.shape_cast %get3A_31 : vector<1x2000x128xf32> to vector<2000x128xf32>
    %add3A_33 = arith.addf %get3A_27, %get3A_32 : vector<2000x128xf32>
    %concatenate3A = tpu.concatenate %add3A_22, %add3A_33 in 1 : vector<2000x128xf32>, vector<2000x128xf32> -> vector<2000x256xf32>
    %mul3A = vector.broadcast %rsqrt3A : vector<2000x1xf32> to vector<2000x256xf32>
    %mul3A_34 = arith.mulf %mul3A, %concatenate3A : vector<2000x256xf32>
    %get3A_35 = arith.constant 0 : index
    %get3A_36 = arith.constant 0 : index
    %get3A_37 = vector.load %arg4[%get3A_35, %get3A_36] : memref<1x256xf32, #tpu.memory_space<vmem>>, vector<1x256xf32>
    %add3A_38 = vector.broadcast %get3A_37 : vector<1x256xf32> to vector<2000x256xf32>
    %add3A_39 = arith.addf %mul3A_34, %add3A_38 : vector<2000x256xf32>
    %tanh3A = math.tanh %add3A_39 : vector<2000x256xf32>
    %swap3A = arith.constant 0 : index
    %swap3A_40 = arith.constant 0 : index
    %swap3A_41 = vector.load %arg6[%swap3A, %swap3A_40] : memref<2000x256xf32, #tpu.memory_space<vmem>>, vector<2000x256xf32>
    tpu.vector_store %arg6[%swap3A, %swap3A_40], %tanh3A {strides = array<i32>} : memref<2000x256xf32, #tpu.memory_space<vmem>>, vector<2000x256xf32>,
    %get3A_42 = arith.constant 0 : index
    %get3A_43 = arith.constant 0 : index
    %get3A_44 = vector.load %arg5[%get3A_42, %get3A_43] : memref<256x128xf32, #tpu.memory_space<vmem>>, vector<256x128xf32>
    %dot_general3A = arith.constant dense<0.000000e+00> : vector<2000x128xf32>
    %dot_general3A_45 = tpu.matmul %tanh3A, %get3A_44, %dot_general3A {dimension_numbers = #tpu.dot_dimension_numbers<[1], [0], [0], [1], [0, 0, 1, 1], [], []>, transpose_lhs_hint = false} : vector<2000x256xf32>, vector<256x128xf32>, vector<2000x128xf32> -> vector<2000x128xf32>
    %mul3A_46 = vector.broadcast %rsqrt3A : vector<2000x1xf32> to vector<2000x128xf32>
    %mul3A_47 = arith.mulf %mul3A_46, %dot_general3A_45 : vector<2000x128xf32>
    %swap3A_48 = arith.constant 0 : index
    %swap3A_49 = arith.constant 0 : index
    %swap3A_50 = vector.load %arg7[%swap3A_48, %swap3A_49] : memref<2000x128xf32, #tpu.memory_space<vmem>>, vector<2000x128xf32>
    tpu.vector_store %arg7[%swap3A_48, %swap3A_49], %mul3A_47 {strides = array<i32>} : memref<2000x128xf32, #tpu.memory_space<vmem>>, vector<2000x128xf32>,
    return
  }
  func.func @transform_0(%arg0: i32) -> (i32, i32, i32) {
    %c0_i32 = arith.constant 0 : i32
    %c0_i32_0 = arith.constant 0 : i32
    %c0_i32_1 = arith.constant 0 : i32
    return %c0_i32, %arg0, %c0_i32_0 : i32, i32, i32
  }
  func.func @transform_1(%arg0: i32) -> (i32, i32, i32) {
    %c0_i32 = arith.constant 0 : i32
    %c0_i32_0 = arith.constant 0 : i32
    %c0_i32_1 = arith.constant 0 : i32
    return %c0_i32, %arg0, %c0_i32_0 : i32, i32, i32
  }
  func.func @transform_2(%arg0: i32) -> (i32, i32, i32) {
    %c0_i32 = arith.constant 0 : i32
    %c0_i32_0 = arith.constant 0 : i32
    %c0_i32_1 = arith.constant 0 : i32
    return %c0_i32, %arg0, %c0_i32_0 : i32, i32, i32
  }
  func.func @transform_3(%arg0: i32) -> (i32, i32) {
    %c0_i32 = arith.constant 0 : i32
    %c0_i32_0 = arith.constant 0 : i32
    %c0_i32_1 = arith.constant 0 : i32
    return %c0_i32, %c0_i32_0 : i32, i32
  }
  func.func @transform_4(%arg0: i32) -> (i32, i32) {
    %c0_i32 = arith.constant 0 : i32
    %c0_i32_0 = arith.constant 0 : i32
    %c0_i32_1 = arith.constant 0 : i32
    return %c0_i32, %c0_i32_0 : i32, i32
  }
  func.func @transform_5(%arg0: i32) -> (i32, i32) {
    %c0_i32 = arith.constant 0 : i32
    %c0_i32_0 = arith.constant 0 : i32
    return %arg0, %c0_i32 : i32, i32
  }
  func.func @transform_6(%arg0: i32) -> (i32, i32) {
    %c0_i32 = arith.constant 0 : i32
    %c0_i32_0 = arith.constant 0 : i32
    return %arg0, %c0_i32 : i32, i32
  }
}

module attributes {stable_mosaic.version = 14 : i64} {
  func.func @_fin_body(%arg0: i32, %arg1: memref<2x2000x128xf32, #tpu.memory_space<vmem>>, %arg2: memref<2000x128xf32, #tpu.memory_space<vmem>>, %arg3: memref<2x2000x16xf32, #tpu.memory_space<vmem>>, %arg4: memref<1x128xf32, #tpu.memory_space<vmem>>, %arg5: memref<2000x128xf32, #tpu.memory_space<vmem>>) attributes {dimension_semantics = [#tpu.dimension_semantics<arbitrary>], iteration_bounds = array<i64: 5>, scalar_prefetch = 0 : i64, scratch_operands = 0 : i64, tpu.core_type = #tpu.core_type<tc>, window_params = [{transform_indices = @transform_0, window_bounds = array<i64: 2, 2000, 128>}, {transform_indices = @transform_1, window_bounds = array<i64: 2000, 128>}, {transform_indices = @transform_2, window_bounds = array<i64: 2, 2000, 16>}, {pipeline_mode = #tpu.pipeline_mode<synchronous>, transform_indices = @transform_3, window_bounds = array<i64: 1, 128>}, {transform_indices = @transform_4, window_bounds = array<i64: 2000, 128>}]} {
    %get3A = arith.constant 0 : index
    %get3A_0 = arith.constant 0 : index
    %get3A_1 = arith.constant 0 : index
    %get3A_2 = vector.load %arg3[%get3A, %get3A_0, %get3A_1] : memref<2x2000x16xf32, #tpu.memory_space<vmem>>, vector<1x2000x1xf32>
    %get3A_3 = vector.shape_cast %get3A_2 : vector<1x2000x1xf32> to vector<2000x1xf32>
    %get3A_4 = arith.constant 1 : index
    %get3A_5 = arith.constant 0 : index
    %get3A_6 = arith.constant 0 : index
    %get3A_7 = vector.load %arg3[%get3A_4, %get3A_5, %get3A_6] : memref<2x2000x16xf32, #tpu.memory_space<vmem>>, vector<1x2000x1xf32>
    %get3A_8 = vector.shape_cast %get3A_7 : vector<1x2000x1xf32> to vector<2000x1xf32>
    %add3A = arith.addf %get3A_3, %get3A_8 : vector<2000x1xf32>
    %add3A_9 = arith.constant 1.000000e+00 : f32
    %add3A_10 = vector.broadcast %add3A_9 : f32 to vector<2000x1xf32>
    %add3A_11 = arith.addf %add3A, %add3A_10 : vector<2000x1xf32>
    %rsqrt3A = math.rsqrt %add3A_11 : vector<2000x1xf32>
    %get3A_12 = arith.constant 0 : index
    %get3A_13 = arith.constant 0 : index
    %get3A_14 = arith.constant 0 : index
    %get3A_15 = vector.load %arg1[%get3A_12, %get3A_13, %get3A_14] : memref<2x2000x128xf32, #tpu.memory_space<vmem>>, vector<1x2000x128xf32>
    %get3A_16 = vector.shape_cast %get3A_15 : vector<1x2000x128xf32> to vector<2000x128xf32>
    %get3A_17 = arith.constant 1 : index
    %get3A_18 = arith.constant 0 : index
    %get3A_19 = arith.constant 0 : index
    %get3A_20 = vector.load %arg1[%get3A_17, %get3A_18, %get3A_19] : memref<2x2000x128xf32, #tpu.memory_space<vmem>>, vector<1x2000x128xf32>
    %get3A_21 = vector.shape_cast %get3A_20 : vector<1x2000x128xf32> to vector<2000x128xf32>
    %add3A_22 = arith.addf %get3A_16, %get3A_21 : vector<2000x128xf32>
    %get3A_23 = arith.constant 0 : index
    %get3A_24 = arith.constant 0 : index
    %get3A_25 = vector.load %arg2[%get3A_23, %get3A_24] : memref<2000x128xf32, #tpu.memory_space<vmem>>, vector<2000x128xf32>
    %add3A_26 = arith.addf %add3A_22, %get3A_25 : vector<2000x128xf32>
    %mul3A = vector.broadcast %rsqrt3A : vector<2000x1xf32> to vector<2000x128xf32>
    %mul3A_27 = arith.mulf %mul3A, %add3A_26 : vector<2000x128xf32>
    %get3A_28 = arith.constant 0 : index
    %get3A_29 = arith.constant 0 : index
    %get3A_30 = vector.load %arg4[%get3A_28, %get3A_29] : memref<1x128xf32, #tpu.memory_space<vmem>>, vector<1x128xf32>
    %add3A_31 = vector.broadcast %get3A_30 : vector<1x128xf32> to vector<2000x128xf32>
    %add3A_32 = arith.addf %mul3A_27, %add3A_31 : vector<2000x128xf32>
    %tanh3A = math.tanh %add3A_32 : vector<2000x128xf32>
    %swap3A = arith.constant 0 : index
    %swap3A_33 = arith.constant 0 : index
    %swap3A_34 = vector.load %arg5[%swap3A, %swap3A_33] : memref<2000x128xf32, #tpu.memory_space<vmem>>, vector<2000x128xf32>
    tpu.vector_store %arg5[%swap3A, %swap3A_33], %tanh3A {strides = array<i32>} : memref<2000x128xf32, #tpu.memory_space<vmem>>, vector<2000x128xf32>,
    return
  }
  func.func @transform_0(%arg0: i32) -> (i32, i32, i32) {
    %c0_i32 = arith.constant 0 : i32
    %c0_i32_0 = arith.constant 0 : i32
    %c0_i32_1 = arith.constant 0 : i32
    return %c0_i32, %arg0, %c0_i32_0 : i32, i32, i32
  }
  func.func @transform_1(%arg0: i32) -> (i32, i32) {
    %c0_i32 = arith.constant 0 : i32
    %c0_i32_0 = arith.constant 0 : i32
    return %arg0, %c0_i32 : i32, i32
  }
  func.func @transform_2(%arg0: i32) -> (i32, i32, i32) {
    %c0_i32 = arith.constant 0 : i32
    %c0_i32_0 = arith.constant 0 : i32
    %c0_i32_1 = arith.constant 0 : i32
    return %c0_i32, %arg0, %c0_i32_0 : i32, i32, i32
  }
  func.func @transform_3(%arg0: i32) -> (i32, i32) {
    %c0_i32 = arith.constant 0 : i32
    %c0_i32_0 = arith.constant 0 : i32
    %c0_i32_1 = arith.constant 0 : i32
    return %c0_i32, %c0_i32_0 : i32, i32
  }
  func.func @transform_4(%arg0: i32) -> (i32, i32) {
    %c0_i32 = arith.constant 0 : i32
    %c0_i32_0 = arith.constant 0 : i32
    return %arg0, %c0_i32 : i32, i32
  }
}

</mosaic_0001>

<sc_bundles>
// kernel: kernel.10.cloned.1.call-start
scs
__scs_entry_jumppad:
0x0: {  	(pc) =	sbr.rel $0x88, $3  }
0x1: {  	(tag) =	ssettag $0x0;
	lr =	simm.s32 $0x1  }
0x2: {  	[smem:$0x3F99] =	sst lr;
	_ =	strace $0xD0000000  }
0x3: {  	_ = 	snop  }
0x4: {  	_ = 	snop  }
0x5: {  	_ = 	snop  }
0x6: {  	_ = 	snop  }
0x7: {  	_ = 	snop  }
__scs_overlays_trampoline_lowered:
0x8: {  	[smem:$0x3FA8] =	sst s0  }
0x9: {  	[smem:$0x3FA9] =	sst s1  }
0xa: {  	[smem:$0x3FAA] =	sst s2  }
0xb: {  	[smem:$0x3FAB] =	sst s3  }
0xc: {  	[smem:$0x3FAC] =	sst s4  }
0xd: {  	[smem:$0x3FAD] =	sst s5  }
0xe: {  	[smem:$0x3FAE] =	sst s6  }
0xf: {  	[smem:$0x3FAF] =	sst s7  }
0x10: {  	[smem:$0x3FB0] =	sst s8  }
0x11: {  	[smem:$0x3FB1] =	sst s9;
	s0 =	simm.s32 @!p0 $0x0  }
0x12: {  	s1 =	sld [smem:$0x3F97];
	s0 =	simm.s32 @p0 $0x1  }
0x13: {  	[smem:$0x3FB2] =	sst s0;
	s0 =	simm.s32 @!p1 $0x0  }
0x14: {  	s2 =	sld [smem:$0x3F96];
	s0 =	simm.s32 @p1 $0x1  }
0x15: {  	[smem:$0x3FB3] =	sst s0;
	s0 =	simm.s32 @!p2 $0x0  }
0x16: {  	s3 =	sld [smem:$0x3FDB];
	s0 =	simm.s32 @p2 $0x1  }
0x17: {  	s4 =	simm.s32 $0x1BF5;
	[smem:$0x3FB5] =	sst s0  }
0x18: {  	s0 =	sld [smem:$0x3F98];
	_ =	swait.ge [sflag:s4], $0x0  }
0x19: {  	s7 =	sld [smem:$0x3F99]  }
0x1a: {  	s8 =	sadd.s32 $0xFFFFE003, lr  }
0x1b: {  	s9 =	sadd.s32 $0xFFFFFEF7, lr;
	s5 =	simm.s32 $0xFFFFFFFF;
	p2 =	slt.u32 s8, $0xFFFFF086  }
0x1c: {  	p1 =	slt.u32 s9, $0xF7A;
	s5 =	simm.s32 @!p2 $0x0  }
0x1d: {  	s5 =	simm.s32 @p1 $0x1;
	p0 =	seq.s32 s7, s2  }
0x1e: {  	s7 =	smul.u32 @!p0 $0xF7A, s2;
	p2 =	seq.s32 @!p0 s5, $0x0  }
0x1f: {  	s9 =	smul.u32 $0xF7A, s1;
	s8 =	simm.s32 @!p0 $0x1BF5;
	p2 =	por !p2, p0  }
0x20: {  	[sflag:s8] =	ssyncset.s32 @!p0 $0xFFFFF086;
	s6 =	sadd.s32 @!p0 s3, s7;
	s7 =	simm.s32 @!p0 $0x108  }
0x21: {  	s3 =	sadd.s32 s3, s9;
	s6 =	sadd.s32 @!p0 $0x88, s6;
	s7 =	simm.s32 @p2 $0x1082  }
0x22: {  	[simem:s7], [sflag:s8] =	dma.local @!p0 [hbm:s6], $0xF7A  }
0x23: {  	s9 =	sor.u32 $0xD0000000, s2;
	s6 =	simm.s32 $0x108;
	_ =	swait.ge @!p0 [sflag:s8], $0x0  }
0x24: {  	s3 =	sadd.s32 $0x88, s3;
	s6 =	simm.s32 @!p1 $0x1082;
	[sflag:s4] =	ssyncset.s32 $0xFFFFF086  }
0x25: {  	[simem:s6], [sflag:s4] =	dma.local [hbm:s3], $0xF7A  }
0x26: {  	[smem:$0x3F99] =	sst s1;
	(tag) =	ssettag s2;
	_ =	strace s9  }
0x27: {  	s1 =	sld [smem:$0x3FA9]  }
0x28: {  	s2 =	sld [smem:$0x3FAA]  }
0x29: {  	s4 =	sld [smem:$0x3FAC]  }
0x2a: {  	p0 =	seq.s32 s5, $0x0;
	s5 =	sld [smem:$0x3FAD]  }
0x2b: {  	s6 =	sld [smem:$0x3FAE]  }
0x2c: {  	s7 =	sld [smem:$0x3FAF]  }
0x2d: {  	s3 =	simm.s32 $0x108;
	s8 =	sld [smem:$0x3FB0]  }
0x2e: {  	s3 =	simm.s32 @!p0 $0x1082;
	s9 =	sld [smem:$0x3FB1]  }
0x2f: {  	lr =	sadd.s32 s0, s3;
	s0 =	sld [smem:$0x3FA8]  }
0x30: {  	s3 =	sld [smem:$0x3FAB]  }
0x31: {  	[smem:$0x3FB4] =	sst s10  }
0x32: {  	s10 =	sld [smem:$0x3FB2];
	_ =	sdelay $0x3  }
0x33: {  	p0 =	seq.s32 s10, $0x1;
	s10 =	sld [smem:$0x3FB4];
	_ =	sdelay $0x3  }
0x34: {  	[smem:$0x3FB4] =	sst s10  }
0x35: {  	s10 =	sld [smem:$0x3FB3];
	_ =	sdelay $0x3  }
0x36: {  	p1 =	seq.s32 s10, $0x1;
	s10 =	sld [smem:$0x3FB4];
	_ =	sdelay $0x3  }
0x37: {  	[smem:$0x3FB4] =	sst s10  }
0x38: {  	s10 =	sld [smem:$0x3FB5]  }
0x39: {  	_ = 	snop;
	(pc) =	sbr.ind lr, $3  }
0x3a: {  	_ = 	snop  }
0x3b: {  	_ = 	snop  }
0x3c: {  	p2 =	seq.s32 s10, $0x1;
	s10 =	sld [smem:$0x3FB4]  }
0x3d: {  	_ =	shalt  }
0x3e: {  	_ =	shalt  }
0x3f: {  	_ =	shalt  }
0x40: {  	_ =	shalt  }
0x41: {  	_ =	shalt  }
0x42: {  	_ =	shalt  }
0x43: {  	_ =	shalt  }
0x44: {  	_ =	shalt  }
0x45: {  	_ =	shalt  }
0x46: {  	_ =	shalt  }
0x47: {  	_ =	shalt  }
0x48: {  	_ =	shalt  }
0x49: {  	_ =	shalt  }
0x4a: {  	_ =	shalt  }
0x4b: {  	_ =	shalt  }
0x4c: {  	_ =	shalt  }
0x4d: {  	_ =	shalt  }
0x4e: {  	_ =	shalt  }
0x4f: {  	_ =	shalt  }
0x50: {  	_ =	shalt  }
0x51: {  	_ =	shalt  }
0x52: {  	_ =	shalt  }
0x53: {  	_ =	shalt  }
0x54: {  	_ =	shalt  }
0x55: {  	_ =	shalt  }
0x56: {  	_ =	shalt  }
0x57: {  	_ =	shalt  }
0x58: {  	_ =	shalt  }
0x59: {  	_ =	shalt  }
0x5a: {  	_ =	shalt  }
0x5b: {  	_ =	shalt  }
0x5c: {  	_ =	shalt  }
0x5d: {  	_ =	shalt  }
0x5e: {  	_ =	shalt  }
0x5f: {  	_ =	shalt  }
0x60: {  	_ =	shalt  }
0x61: {  	_ =	shalt  }
0x62: {  	_ =	shalt  }
0x63: {  	_ =	shalt  }
0x64: {  	_ =	shalt  }
0x65: {  	_ =	shalt  }
0x66: {  	_ =	shalt  }
0x67: {  	_ =	shalt  }
0x68: {  	_ =	shalt  }
0x69: {  	_ =	shalt  }
0x6a: {  	_ =	shalt  }
0x6b: {  	_ =	shalt  }
0x6c: {  	_ =	shalt  }
0x6d: {  	_ =	shalt  }
0x6e: {  	_ =	shalt  }
0x6f: {  	_ =	shalt  }
0x70: {  	_ =	shalt  }
0x71: {  	_ =	shalt  }
0x72: {  	_ =	shalt  }
0x73: {  	_ =	shalt  }
0x74: {  	_ =	shalt  }
0x75: {  	_ =	shalt  }
0x76: {  	_ =	shalt  }
0x77: {  	_ =	shalt  }
0x78: {  	_ =	shalt  }
0x79: {  	_ =	shalt  }
0x7a: {  	_ =	shalt  }
0x7b: {  	_ =	shalt  }
0x7c: {  	_ =	shalt  }
0x7d: {  	_ =	shalt  }
0x7e: {  	_ =	shalt  }
0x7f: {  	_ =	shalt  }
0x80: {  	_ =	shalt  }
0x81: {  	_ =	shalt  }
0x82: {  	_ =	shalt  }
0x83: {  	_ =	shalt  }
0x84: {  	_ =	shalt  }
0x85: {  	_ =	shalt  }
0x86: {  	_ =	shalt  }
0x87: {  	_ =	shalt  }
.Lfunc_end0:
.L_simem_size_0:
called_computation_lowered:
.L_overlay_start_0:
0x88: {  	s2 =	sld [smem:$0x3FD9]  }
0x89: {  	s3 =	sld [smem:$0x3FFE];
	_ =	sdelay $0x1  }
0x8a: {  	s1 =	srdreg.scid  }
0x8b: {  	s0 =	sand.u32 $0x1, s1  }
0x8c: {  	s14 =	sshll.u32 s0, $0xA;
	s2 =	sadd.s32 s3, s2  }
0x8d: {  	s2 =	sadd.s32 s2, s14  }
0x8e: {  	[smem:$0x3FC0] =	sst s2  }
0x8f: {  	_ = 	snop  }
0x90: {  	s2 =	sld [smem:$0x3FD0];
	_ =	sdelay $0x2  }
0x91: {  	s15 =	simm.s32 $0xA;
	s4 =	simm.s32 $0x10  }
0x92: {  	[smem:s4], [sflag:s15] =	dma.local [hbm:s2], $0x1  }
0x93: {  	_ =	swait.eq [sflag:s15], $0x1  }
0x94: {  	[sflag:s15] =	ssyncset.done $0x0  }
0x95: {  	[sflag:s15] =	ssyncadd.s32 $0xFFFFFFFF  }
0x96: {  	s16 =	sld [smem:$0x12];
	(tm) =	ssettm $0x1  }
0x97: {  	s17 =	sld [smem:$0x3FFB];
	_ =	sdelay $0x3  }
0x98: {  	_ =	strace s17  }
0x99: {  	s3 =	sld [smem:$0x3FFC];
	_ =	sdelay $0x3  }
0x9a: {  	_ =	strace s3  }
0x9b: {  	s3 =	sld [smem:$0x3FFD];
	_ =	sdelay $0x3  }
0x9c: {  	_ =	strace s3  }
0x9d: {  	_ =	strace $0x8FFFFFFF  }
0x9e: {  	s18 =	sld [smem:$0x3FDB];
	_ =	sdelay $0x1  }
0x9f: {  	s19 =	simm.s32 $_scs_section_size  }
0xa0: {  	s5 =	simm.s32 $_size__tile_overlayer_lowered;
	s6 =	simm.s32 $_tile_overlayer_lowered  }
0xa1: {  	s22 =	simm.s32 $0x1BFF;
	s21 =	sshll.u32 s6, $0x1;
	s3 =	sadd.s32 s19, s18  }
0xa2: {  	s7 =	simm.s32 $0x0;
	s20 =	sshll.u32 s5, $0x1;
	s5 =	sadd.s32 s21, s3  }
0xa3: {  	[timem:s7], [sflag:s22] =	dma.local [hbm:s5], s20  }
0xa4: {  	_ =	swait.ge [sflag:s22], s20  }
0xa5: {  	s4 =	ssub.s32 $0x0, s20;
	[sflag:s22] =	ssyncset.done $0x0  }
0xa6: {  	[sflag:s22] =	ssyncadd.s32 s4;
	_ =	sdelay $0x1  }
0xa7: {  	s23 =	simm.s32 $0x1B8B  }
0xa8: {  	_ =	swait.ge [sflag:s23], $0x1  }
0xa9: {  	[sflag:s23] =	ssyncset.done $0x0  }
0xaa: {  	s25 =	simm.s32 $0x1B8E;
	s24 =	sld [smem:$0x3FFE];
	[sflag:s23] =	ssyncadd.s32 $0xFFFFFFFF  }
0xab: {  	s26 =	simm.s32 $execute0_lowered;
	[smem:$0x3FD2] =	sst s25  }
0xac: {  	s5 =	sshll.u32 s26, $0x1;
	_ =	strace $0x80000046;
	[dreg:$0x1] =	wrdreg $0xFFFFFFFF  }
0xad: {  	s28 =	simm.s32 $_size_execute0_lowered;
	s3 =	sadd.s32 s3, s5;
	[dreg:$0x0] =	wrdreg $0x0  }
0xae: {  	s5 =	sshll.u32 s28, $0x1;
	[dreg:$0x2] =	wrdreg s3  }
0xaf: {  	[dreg:$0x3] =	wrdreg s5  }
0xb0: {  	[dreg:$0x4] =	wrdreg $0xC0  }
0xb1: {  	_ =	task [dreg:s7], $0x5FFFF  }
0xb2: {  	[dreg:$0x1] =	wrdreg $0xFFFFFFFF  }
0xb3: {  	[dreg:$0x0] =	wrdreg $0x60  }
0xb4: {  	[dreg:$0x2] =	wrdreg s24  }
0xb5: {  	[dreg:$0x3] =	wrdreg s16  }
0xb6: {  	[dreg:$0x4] =	wrdreg $0x54000  }
0xb7: {  	[dreg:$0x5] =	wrdreg $0x9  }
0xb8: {  	_ =	task.clear_ibuf [dreg:s7], $0x6FFFF;
	_ =	strace $0x90000046  }
0xb9: {  	s29 =	simm.s32 $0x9;
	_ =	strace $0x80000048  }
0xba: {  	_ =	swait.ge [sflag:s29], $0x1  }
0xbb: {  	[sflag:s29] =	ssyncadd.s32 $0xFFFFFFFF  }
0xbc: {  	_ =	strace $0x90000048  }
0xbd: {  	_ =	sfence  }
0xbe: {  	s30 =	sld [smem:$0x0];
	_ =	sdelay $0x2  }
0xbf: {  	s31 =	sshll.u32 s1, $0xD;
	s1 =	sshrl.u32 s1, $0x2  }
0xc0: {  	s3 =	sand.u32 $0x4000, s31;
	s1 =	sadd.s32 s1, s30  }
0xc1: {  	s0 =	sor.u32 s3, s0;
	s1 =	sshll.u32 s1, $0x11  }
0xc2: {  	s0 =	sor.u32 s1, s0  }
0xc3: {  	s0 =	sadd.s32 $0x8F2B, s0  }
0xc4: {  	[sflag:s0] =	ssyncadd.remote.s32 $0x1  }
0xc5: {  	_ =	sfence.sel $0xFFFF  }
0xc6: {  	[dreg:$0x0] =	wrdreg $0xFFFFFFFF;
	(pc) =	sbr.abs _section_cstart, $3  }
0xc7: {  	[dreg:$0x1] =	wrdreg $0xFFFFFFFF  }
0xc8: {  	_ =	task.clear_ibuf [dreg:s7], $0x2FFFF;
	_ =	strace $0x9FFFFFFF  }
0xc9: {  	(tm) =	ssettm $0x7FFFFFFF  }
tec
execute0_lowered:
.L_overlay_start_1:
0x0: {  	(tag) =	ssettag $0x1  }
0x1: {  	s7 =	rddreg [dreg:$0x0]  }
0x2: {  	s2 =	rddreg [dreg:$0x1]  }
0x3: {  	s0 =	srdreg.scid;
	s3 =	rddreg [dreg:$0x2]  }
0x4: {  	s4 =	simm.s32 $0x0;
	s6 =	sand.u32 $0x1, s0;
	s0 =	stileid.u32  }
0x5: {  	s17 =	simm.s32 $0x80;
	s18 =	simm.s32 $0x0;
	s8 =	smul.u32 $0x2780, s0  }
0x6: {  	[smem:$0x7FF] =	sst s4;
	s1 =	sshll.u32 s6, $0x4;
	s9 =	smul.u32 $0x27800, s6  }
0x7: {  	s10 =	smul.u32 $0x4F000, s0;
	s6 =	ssub.s32 $0x2, s6;
	s1 =	sor.u32 s0, s1  }
0x8: {  	s31 =	sshll.u32 s0, $0x6;
	s29 =	sshrl.u32 s6, $0x1;
	s5 =	smul.u32 $0x280, s1  }
0x9: {  	s1 =	rddreg [dreg:$0x3];
	_ =	strace $0x80000047;
	s8 =	sadd.s32 s8, s9  }
0xa: {  	s10 =	sshrl.u32 s10, $0x2;
	s30 =	ssub.s32 s6, s29;
	s9 =	simm.s32 $0x1  }
0xb: {  	s12 =	sadd.s32 s10, s3;
	s10 =	simm.s32 $0x1400;
	s11 =	sadd.s32 s5, s7  }
0xc: {  	s5 =	sadd.s32 $0xF200, s7;
	s7 =	sadd.s32 s8, s7;
	s13 =	sadd.s32 $0x4000, s12  }
0xd: {  	s14 =	sadd.s32 $0x8000, s12;
	s15 =	sadd.s32 $0xC000, s12;
	s16 =	sadd.s32 $0x10000, s12  }
0xe: {  	s8 =	smax.u32 s30, $0x1;
	s12 =	sshrl.u32 s12, $0x3;
	s6 =	sadd.s32 $0x5200, s11  }
0xf: {  	s7 =	sadd.s32 $0xFA00, s7;
	s11 =	sor.u32 $0x1C01, s31;
	s13 =	sshrl.u32 s13, $0x3  }
0x10: {  	s14 =	sshrl.u32 s14, $0x3;
	s15 =	sshrl.u32 s15, $0x3;
	s16 =	sshrl.u32 s16, $0x3  }
.LBB2_1:
0x11: {  	[tilespmem:s4], [sflag:$0x1] =	stream.linear.gather [hbm4b:s6+s4], $0x1400, $0x38;
	[tilespmem:$0x19000] =	vst v63  }
0x12: {  	_ =	swait.ge [sflag:s9], $0x1400  }
0x13: {  	[sflag:s9] =	ssyncset.done $0x0  }
0x14: {  	[sflag:s9] =	ssyncadd.s32 $0xFFFFEC00  }
0x15: {  	[tilespmem:s10], [sflag:$0x1] =	stream.linear.gather [hbm4b:s2+s4], $0x4000, $0x38;
	[tilespmem:$0x19000] =	vst v63  }
0x16: {  	_ =	swait.ge [sflag:s9], $0x4000  }
0x17: {  	[sflag:s9] =	ssyncset.done $0x0  }
0x18: {  	[sflag:s9] =	ssyncadd.s32 $0xFFFFC000  }
0x19: {  	[spmem:s12], [sflag:s11] =	dma.local [hbm:s5], $0x800  }
0x1a: {  	_ =	swait.ge [sflag:s9], $0x800  }
0x1b: {  	[sflag:s9] =	ssyncset.done $0x0  }
0x1c: {  	[sflag:s9] =	ssyncadd.s32 $0xFFFFF800  }
0x1d: {  	[spmem:s13], [sflag:s11] =	dma.local [hbm:s5], $0x800  }
0x1e: {  	_ =	swait.ge [sflag:s9], $0x800  }
0x1f: {  	[sflag:s9] =	ssyncset.done $0x0  }
0x20: {  	[sflag:s9] =	ssyncadd.s32 $0xFFFFF800  }
0x21: {  	[spmem:s14], [sflag:s11] =	dma.local [hbm:s5], $0x800  }
0x22: {  	_ =	swait.ge [sflag:s9], $0x800  }
0x23: {  	[sflag:s9] =	ssyncset.done $0x0  }
0x24: {  	[sflag:s9] =	ssyncadd.s32 $0xFFFFF800  }
0x25: {  	[spmem:s15], [sflag:s11] =	dma.local [hbm:s5], $0x800  }
0x26: {  	_ =	swait.ge [sflag:s9], $0x800  }
0x27: {  	[sflag:s9] =	ssyncset.done $0x0  }
0x28: {  	[sflag:s9] =	ssyncadd.s32 $0xFFFFF800  }
0x29: {  	[spmem:s16], [sflag:s11] =	dma.local [hbm:s5], $0x780  }
0x2a: {  	_ =	swait.ge [sflag:s9], $0x780  }
0x2b: {  	[sflag:s9] =	ssyncset.done $0x0  }
0x2c: {  	[sflag:s9] =	ssyncadd.s32 $0xFFFFF880  }
0x2d: {  	s19 =	simm.s32 $0x0;
	[bflag:$0x0] =	sbarrier.arrive $0xFFFF  }
0x2e: {  	[spmem:s3] =	stream.indirect.scatter.add.f32 [tilespmem:s10], [sflag:$0x1], $0x80, s19, s17, $0xb8;
	[tilespmem:$0x19000] =	vst v63  }
0x2f: {  	_ =	swait.ge [sflag:s9], $0x4000  }
0x30: {  	s19 =	simm.s32 $0x200;
	[sflag:s9] =	ssyncset.done $0x0  }
.LBB2_2:
0x31: {  	s20 =	sshra.s32 s19, $0x2;
	[sflag:s9] =	ssyncadd.s32 $0xFFFFC000;
	p0 =	sne.s32 s19, $0x4E00  }
0x32: {  	[spmem:s3] =	stream.indirect.scatter.add.f32 [tilespmem:s10], [sflag:$0x1], $0x80, s20, s17, $0xb8;
	[tilespmem:$0x19000] =	vst v63  }
.Ltmp0:
0x33: {  	_ = 	snop;
	(pc) =	sbr.rel @p0 .LBB2_2-.Ltmp0, $4  }
0x34: {  	_ = 	snop  }
0x35: {  	s19 =	sadd.s32 $0x200, s19  }
0x36: {  	_ =	swait.ge [sflag:s9], $0x4000  }
0x37: {  	[sflag:s9] =	ssyncset.done $0x0  }
0x38: {  	s18 =	sadd.s32 $0x1, s18  }
0x39: {  	[sflag:s9] =	ssyncadd.s32 $0xFFFFC000;
	p0 =	sne.s32 s18, s8  }
.Ltmp1:
0x3a: {  	[bflag:$0x0] =	sbarrier.arrive $0xFFFF;
	(pc) =	sbr.rel @p0 .LBB2_1-.Ltmp1, $4  }
0x3b: {  	[hbm:s7], [sflag:s11] =	dma.local [spmem:s12], $0x2780  }
0x3c: {  	_ =	swait.ge [sflag:s9], $0x2780  }
0x3d: {  	[sflag:s9] =	ssyncset.done $0x0  }
0x3e: {  	[sflag:s9] =	ssyncadd.s32 $0xFFFFD880  }
0x3f: {  	_ =	sfence.sel $0x180000  }
0x40: {  	[bflag:$0x0] =	sbarrier.arrive $0xFFFF  }
0x41: {  	p0 =	sne.s32 s0, $0x0;
	_ =	strace $0x90000047  }
0x42: {  	s0 =	sadd.s32 @!p0 $0x100000, s1;
	[bflag:$0x2] =	sbarrier.arrive $0xFFFF  }
0x43: {  	[sflag:s0] =	ssyncadd.tile.s32 @!p0 $0x1;
	_ =	shalt  }
.Lfunc_end2:
_tile_overlayer_lowered:
.L_overlay_start_2:
0x44: {  	(tag) =	ssettag $0x2  }
0x45: {  	s0 =	rddreg [dreg:$0x0];
	s2 =	stileid.u32  }
0x46: {  	s1 =	rddreg [dreg:$0x1];
	p0 =	sne.s32 s2, $0x0  }
0x47: {  	s3 =	rddreg [dreg:$0x2];
	[bflag:$0x3] =	sbarrier.arrive $0xFFFF;
	s2 =	simm.s32 @!p0 $0x1C01  }
0x48: {  	[timem:s3], [sflag:s2] =	dma.local @!p0 [hbm:s0], s1  }
0x49: {  	s0 =	simm.s32 @!p0 $0x1  }
0x4a: {  	_ =	swait.ge @!p0 [sflag:s0], s1  }
0x4b: {  	s1 =	ssub.s32 @!p0 $0x0, s1;
	[sflag:s0] =	ssyncset.done @!p0 $0x0  }
0x4c: {  	[sflag:s0] =	ssyncadd.s32 @!p0 s1  }
0x4d: {  	[bflag:$0x3] =	sbarrier.arrive $0xFFFF  }
0x4e: {  	_ =	shalt  }

// kernel: kernel.13.cloned.1.call-start
scs
__scs_entry_jumppad:
0x0: {  	(pc) =	sbr.rel $0x88, $3  }
0x1: {  	(tag) =	ssettag $0x0;
	lr =	simm.s32 $0x1  }
0x2: {  	[smem:$0x3F99] =	sst lr;
	_ =	strace $0xD0000000  }
0x3: {  	_ = 	snop  }
0x4: {  	_ = 	snop  }
0x5: {  	_ = 	snop  }
0x6: {  	_ = 	snop  }
0x7: {  	_ = 	snop  }
__scs_overlays_trampoline_lowered:
0x8: {  	[smem:$0x3FA8] =	sst s0  }
0x9: {  	[smem:$0x3FA9] =	sst s1  }
0xa: {  	[smem:$0x3FAA] =	sst s2  }
0xb: {  	[smem:$0x3FAB] =	sst s3  }
0xc: {  	[smem:$0x3FAC] =	sst s4  }
0xd: {  	[smem:$0x3FAD] =	sst s5  }
0xe: {  	[smem:$0x3FAE] =	sst s6  }
0xf: {  	[smem:$0x3FAF] =	sst s7  }
0x10: {  	[smem:$0x3FB0] =	sst s8  }
0x11: {  	[smem:$0x3FB1] =	sst s9;
	s0 =	simm.s32 @!p0 $0x0  }
0x12: {  	s1 =	sld [smem:$0x3F97];
	s0 =	simm.s32 @p0 $0x1  }
0x13: {  	[smem:$0x3FB2] =	sst s0;
	s0 =	simm.s32 @!p1 $0x0  }
0x14: {  	s2 =	sld [smem:$0x3F96];
	s0 =	simm.s32 @p1 $0x1  }
0x15: {  	[smem:$0x3FB3] =	sst s0;
	s0 =	simm.s32 @!p2 $0x0  }
0x16: {  	s3 =	sld [smem:$0x3FDB];
	s0 =	simm.s32 @p2 $0x1  }
0x17: {  	s4 =	simm.s32 $0x1BF5;
	[smem:$0x3FB5] =	sst s0  }
0x18: {  	s0 =	sld [smem:$0x3F98];
	_ =	swait.ge [sflag:s4], $0x0  }
0x19: {  	s7 =	sld [smem:$0x3F99]  }
0x1a: {  	s8 =	sadd.s32 $0xFFFFE003, lr  }
0x1b: {  	s9 =	sadd.s32 $0xFFFFFEF7, lr;
	s5 =	simm.s32 $0xFFFFFFFF;
	p2 =	slt.u32 s8, $0xFFFFF086  }
0x1c: {  	p1 =	slt.u32 s9, $0xF7A;
	s5 =	simm.s32 @!p2 $0x0  }
0x1d: {  	s5 =	simm.s32 @p1 $0x1;
	p0 =	seq.s32 s7, s2  }
0x1e: {  	s7 =	smul.u32 @!p0 $0xF7A, s2;
	p2 =	seq.s32 @!p0 s5, $0x0  }
0x1f: {  	s9 =	smul.u32 $0xF7A, s1;
	s8 =	simm.s32 @!p0 $0x1BF5;
	p2 =	por !p2, p0  }
0x20: {  	[sflag:s8] =	ssyncset.s32 @!p0 $0xFFFFF086;
	s6 =	sadd.s32 @!p0 s3, s7;
	s7 =	simm.s32 @!p0 $0x108  }
0x21: {  	s3 =	sadd.s32 s3, s9;
	s6 =	sadd.s32 @!p0 $0x88, s6;
	s7 =	simm.s32 @p2 $0x1082  }
0x22: {  	[simem:s7], [sflag:s8] =	dma.local @!p0 [hbm:s6], $0xF7A  }
0x23: {  	s9 =	sor.u32 $0xD0000000, s2;
	s6 =	simm.s32 $0x108;
	_ =	swait.ge @!p0 [sflag:s8], $0x0  }
0x24: {  	s3 =	sadd.s32 $0x88, s3;
	s6 =	simm.s32 @!p1 $0x1082;
	[sflag:s4] =	ssyncset.s32 $0xFFFFF086  }
0x25: {  	[simem:s6], [sflag:s4] =	dma.local [hbm:s3], $0xF7A  }
0x26: {  	[smem:$0x3F99] =	sst s1;
	(tag) =	ssettag s2;
	_ =	strace s9  }
0x27: {  	s1 =	sld [smem:$0x3FA9]  }
0x28: {  	s2 =	sld [smem:$0x3FAA]  }
0x29: {  	s4 =	sld [smem:$0x3FAC]  }
0x2a: {  	p0 =	seq.s32 s5, $0x0;
	s5 =	sld [smem:$0x3FAD]  }
0x2b: {  	s6 =	sld [smem:$0x3FAE]  }
0x2c: {  	s7 =	sld [smem:$0x3FAF]  }
0x2d: {  	s3 =	simm.s32 $0x108;
	s8 =	sld [smem:$0x3FB0]  }
0x2e: {  	s3 =	simm.s32 @!p0 $0x1082;
	s9 =	sld [smem:$0x3FB1]  }
0x2f: {  	lr =	sadd.s32 s0, s3;
	s0 =	sld [smem:$0x3FA8]  }
0x30: {  	s3 =	sld [smem:$0x3FAB]  }
0x31: {  	[smem:$0x3FB4] =	sst s10  }
0x32: {  	s10 =	sld [smem:$0x3FB2];
	_ =	sdelay $0x3  }
0x33: {  	p0 =	seq.s32 s10, $0x1;
	s10 =	sld [smem:$0x3FB4];
	_ =	sdelay $0x3  }
0x34: {  	[smem:$0x3FB4] =	sst s10  }
0x35: {  	s10 =	sld [smem:$0x3FB3];
	_ =	sdelay $0x3  }
0x36: {  	p1 =	seq.s32 s10, $0x1;
	s10 =	sld [smem:$0x3FB4];
	_ =	sdelay $0x3  }
0x37: {  	[smem:$0x3FB4] =	sst s10  }
0x38: {  	s10 =	sld [smem:$0x3FB5]  }
0x39: {  	_ = 	snop;
	(pc) =	sbr.ind lr, $3  }
0x3a: {  	_ = 	snop  }
0x3b: {  	_ = 	snop  }
0x3c: {  	p2 =	seq.s32 s10, $0x1;
	s10 =	sld [smem:$0x3FB4]  }
0x3d: {  	_ =	shalt  }
0x3e: {  	_ =	shalt  }
0x3f: {  	_ =	shalt  }
0x40: {  	_ =	shalt  }
0x41: {  	_ =	shalt  }
0x42: {  	_ =	shalt  }
0x43: {  	_ =	shalt  }
0x44: {  	_ =	shalt  }
0x45: {  	_ =	shalt  }
0x46: {  	_ =	shalt  }
0x47: {  	_ =	shalt  }
0x48: {  	_ =	shalt  }
0x49: {  	_ =	shalt  }
0x4a: {  	_ =	shalt  }
0x4b: {  	_ =	shalt  }
0x4c: {  	_ =	shalt  }
0x4d: {  	_ =	shalt  }
0x4e: {  	_ =	shalt  }
0x4f: {  	_ =	shalt  }
0x50: {  	_ =	shalt  }
0x51: {  	_ =	shalt  }
0x52: {  	_ =	shalt  }
0x53: {  	_ =	shalt  }
0x54: {  	_ =	shalt  }
0x55: {  	_ =	shalt  }
0x56: {  	_ =	shalt  }
0x57: {  	_ =	shalt  }
0x58: {  	_ =	shalt  }
0x59: {  	_ =	shalt  }
0x5a: {  	_ =	shalt  }
0x5b: {  	_ =	shalt  }
0x5c: {  	_ =	shalt  }
0x5d: {  	_ =	shalt  }
0x5e: {  	_ =	shalt  }
0x5f: {  	_ =	shalt  }
0x60: {  	_ =	shalt  }
0x61: {  	_ =	shalt  }
0x62: {  	_ =	shalt  }
0x63: {  	_ =	shalt  }
0x64: {  	_ =	shalt  }
0x65: {  	_ =	shalt  }
0x66: {  	_ =	shalt  }
0x67: {  	_ =	shalt  }
0x68: {  	_ =	shalt  }
0x69: {  	_ =	shalt  }
0x6a: {  	_ =	shalt  }
0x6b: {  	_ =	shalt  }
0x6c: {  	_ =	shalt  }
0x6d: {  	_ =	shalt  }
0x6e: {  	_ =	shalt  }
0x6f: {  	_ =	shalt  }
0x70: {  	_ =	shalt  }
0x71: {  	_ =	shalt  }
0x72: {  	_ =	shalt  }
0x73: {  	_ =	shalt  }
0x74: {  	_ =	shalt  }
0x75: {  	_ =	shalt  }
0x76: {  	_ =	shalt  }
0x77: {  	_ =	shalt  }
0x78: {  	_ =	shalt  }
0x79: {  	_ =	shalt  }
0x7a: {  	_ =	shalt  }
0x7b: {  	_ =	shalt  }
0x7c: {  	_ =	shalt  }
0x7d: {  	_ =	shalt  }
0x7e: {  	_ =	shalt  }
0x7f: {  	_ =	shalt  }
0x80: {  	_ =	shalt  }
0x81: {  	_ =	shalt  }
0x82: {  	_ =	shalt  }
0x83: {  	_ =	shalt  }
0x84: {  	_ =	shalt  }
0x85: {  	_ =	shalt  }
0x86: {  	_ =	shalt  }
0x87: {  	_ =	shalt  }
.Lfunc_end0:
.L_simem_size_0:
called_computation.1_lowered:
.L_overlay_start_0:
0x88: {  	s2 =	sld [smem:$0x3FD9]  }
0x89: {  	s3 =	sld [smem:$0x3FFE];
	_ =	sdelay $0x1  }
0x8a: {  	s1 =	srdreg.scid  }
0x8b: {  	s0 =	sand.u32 $0x1, s1  }
0x8c: {  	s14 =	sshll.u32 s0, $0xA;
	s2 =	sadd.s32 s3, s2  }
0x8d: {  	s2 =	sadd.s32 s2, s14  }
0x8e: {  	[smem:$0x3FC0] =	sst s2  }
0x8f: {  	_ = 	snop  }
0x90: {  	s2 =	sld [smem:$0x3FD0];
	_ =	sdelay $0x2  }
0x91: {  	s15 =	simm.s32 $0xA;
	s4 =	simm.s32 $0x10  }
0x92: {  	[smem:s4], [sflag:s15] =	dma.local [hbm:s2], $0x1  }
0x93: {  	_ =	swait.eq [sflag:s15], $0x1  }
0x94: {  	[sflag:s15] =	ssyncset.done $0x0  }
0x95: {  	s16 =	sld [smem:$0x10];
	[sflag:s15] =	ssyncadd.s32 $0xFFFFFFFF  }
0x96: {  	s17 =	sld [smem:$0x12];
	(tm) =	ssettm $0x1  }
0x97: {  	s18 =	sld [smem:$0x3FFB];
	_ =	sdelay $0x3  }
0x98: {  	_ =	strace s18  }
0x99: {  	s4 =	sld [smem:$0x3FFC];
	_ =	sdelay $0x3  }
0x9a: {  	_ =	strace s4  }
0x9b: {  	s4 =	sld [smem:$0x3FFD];
	_ =	sdelay $0x3  }
0x9c: {  	_ =	strace s4  }
0x9d: {  	_ =	strace $0x8FFFFFFF  }
0x9e: {  	s19 =	sld [smem:$0x3FDB];
	_ =	sdelay $0x1  }
0x9f: {  	s5 =	simm.s32 $_scs_section_size  }
0xa0: {  	s6 =	simm.s32 $_size__tile_overlayer_lowered;
	s7 =	simm.s32 $_tile_overlayer_lowered  }
0xa1: {  	s22 =	simm.s32 $0x1BFF;
	s21 =	sshll.u32 s7, $0x1;
	s4 =	sadd.s32 s5, s19  }
0xa2: {  	s8 =	simm.s32 $0x0;
	s20 =	sshll.u32 s6, $0x1;
	s6 =	sadd.s32 s21, s4  }
0xa3: {  	[timem:s8], [sflag:s22] =	dma.local [hbm:s6], s20  }
0xa4: {  	_ =	swait.ge [sflag:s22], s20  }
0xa5: {  	s5 =	ssub.s32 $0x0, s20;
	[sflag:s22] =	ssyncset.done $0x0  }
0xa6: {  	[sflag:s22] =	ssyncadd.s32 s5;
	_ =	sdelay $0x1  }
0xa7: {  	s23 =	simm.s32 $0x1B8B  }
0xa8: {  	_ =	swait.ge [sflag:s23], $0x1  }
0xa9: {  	[sflag:s23] =	ssyncset.done $0x0  }
0xaa: {  	s25 =	simm.s32 $0x1B8E;
	s24 =	sld [smem:$0x3FFE];
	[sflag:s23] =	ssyncadd.s32 $0xFFFFFFFF  }
0xab: {  	s26 =	simm.s32 $execute0_lowered;
	[smem:$0x3FD2] =	sst s25  }
0xac: {  	s6 =	sshll.u32 s26, $0x1;
	_ =	strace $0x80000049;
	[dreg:$0x1] =	wrdreg $0xFFFFFFFF  }
0xad: {  	s28 =	simm.s32 $_size_execute0_lowered;
	s4 =	sadd.s32 s4, s6;
	[dreg:$0x0] =	wrdreg $0x0  }
0xae: {  	s6 =	sshll.u32 s28, $0x1;
	[dreg:$0x2] =	wrdreg s4  }
0xaf: {  	[dreg:$0x3] =	wrdreg s6  }
0xb0: {  	[dreg:$0x4] =	wrdreg $0xC0  }
0xb1: {  	_ =	task [dreg:s8], $0x5FFFF  }
0xb2: {  	[dreg:$0x1] =	wrdreg $0xFFFFFFFF  }
0xb3: {  	[dreg:$0x0] =	wrdreg $0x60  }
0xb4: {  	[dreg:$0x2] =	wrdreg s17  }
0xb5: {  	[dreg:$0x3] =	wrdreg s16  }
0xb6: {  	[dreg:$0x4] =	wrdreg s24  }
0xb7: {  	[dreg:$0x5] =	wrdreg $0xA8000  }
0xb8: {  	[dreg:$0x6] =	wrdreg $0x9  }
0xb9: {  	_ =	task.clear_ibuf [dreg:s8], $0x7FFFF;
	_ =	strace $0x90000049  }
0xba: {  	s29 =	simm.s32 $0x9;
	_ =	strace $0x8000004B  }
0xbb: {  	_ =	swait.ge [sflag:s29], $0x1  }
0xbc: {  	[sflag:s29] =	ssyncadd.s32 $0xFFFFFFFF  }
0xbd: {  	_ =	strace $0x9000004B  }
0xbe: {  	_ =	sfence  }
0xbf: {  	s30 =	sld [smem:$0x0];
	_ =	sdelay $0x2  }
0xc0: {  	s31 =	sshll.u32 s1, $0xD;
	s1 =	sshrl.u32 s1, $0x2  }
0xc1: {  	s3 =	sand.u32 $0x4000, s31;
	s1 =	sadd.s32 s1, s30  }
0xc2: {  	s0 =	sor.u32 s3, s0;
	s1 =	sshll.u32 s1, $0x11  }
0xc3: {  	s0 =	sor.u32 s1, s0  }
0xc4: {  	s0 =	sadd.s32 $0x8F2B, s0  }
0xc5: {  	[sflag:s0] =	ssyncadd.remote.s32 $0x1  }
0xc6: {  	_ =	sfence.sel $0xFFFF  }
0xc7: {  	[dreg:$0x0] =	wrdreg $0xFFFFFFFF;
	(pc) =	sbr.abs _section_cstart, $3  }
0xc8: {  	[dreg:$0x1] =	wrdreg $0xFFFFFFFF  }
0xc9: {  	_ =	task.clear_ibuf [dreg:s8], $0x2FFFF;
	_ =	strace $0x9FFFFFFF  }
0xca: {  	(tm) =	ssettm $0x7FFFFFFF  }
0xcb: {  	_ =	shalt  }
tec
execute0_lowered:
.L_overlay_start_1:
0x0: {  	(tag) =	ssettag $0x1  }
0x1: {  	s1 =	rddreg [dreg:$0x0]  }
0x2: {  	s11 =	rddreg [dreg:$0x1]  }
0x3: {  	s6 =	rddreg [dreg:$0x2]  }
0x4: {  	s3 =	rddreg [dreg:$0x3]  }
0x5: {  	s0 =	rddreg [dreg:$0x4];
	s4 =	simm.s32 $0x0;
	s5 =	srdreg.scid  }
0x6: {  	s2 =	stileid.u32;
	s19 =	simm.s32 $0x1400;
	s20 =	simm.s32 $0x80  }
0x7: {  	s21 =	simm.s32 $0x2800;
	s22 =	simm.s32 $0x6800;
	s23 =	simm.s32 $0x1  }
0x8: {  	s24 =	simm.s32 $0x2;
	s28 =	simm.s32 $0x0;
	[smem:$0x7FF] =	sst s4  }
0x9: {  	s7 =	sand.u32 $0x1, s5;
	s8 =	smul.u32 $0x2780, s2;
	s12 =	sadd.s32 $0x5EA00, s6  }
0xa: {  	s5 =	sadd.s32 $0xF200, s6;
	s13 =	smul.u32 $0x4F000, s2;
	s30 =	sshll.u32 s2, $0x6  }
0xb: {  	s9 =	smul.u32 $0x27800, s7;
	s10 =	ssub.s32 $0x2, s7;
	s26 =	sshll.u32 s7, $0x4  }
0xc: {  	_ =	strace $0x8000004A;
	s25 =	sshrl.u32 s10, $0x1;
	s7 =	sor.u32 s2, s26  }
0xd: {  	s29 =	sshrl.u32 s13, $0x2;
	s26 =	simm.s32 $0x2780;
	s8 =	sadd.s32 s8, s9  }
0xe: {  	s9 =	ssub.s32 s10, s25;
	s13 =	sadd.s32 s29, s3;
	s31 =	smul.u32 $0x2800, s7  }
0xf: {  	s25 =	simm.s32 $0x2700;
	s8 =	sadd.s32 s8, s6;
	s6 =	sor.u32 $0x1C03, s30  }
0x10: {  	s15 =	sadd.s32 $0x4000, s13;
	s16 =	sadd.s32 $0x8000, s13;
	s17 =	sadd.s32 $0xC000, s13  }
0x11: {  	s18 =	sadd.s32 $0x10000, s13;
	s13 =	sshrl.u32 s13, $0x3;
	s7 =	sadd.s32 $0x68A00, s8  }
0x12: {  	s10 =	sshrl.u32 s31, $0x3;
	s8 =	smax.u32 s9, $0x1;
	s15 =	sshrl.u32 s15, $0x3  }
0x13: {  	s16 =	sshrl.u32 s16, $0x3;
	s17 =	sshrl.u32 s17, $0x3;
	s18 =	sshrl.u32 s18, $0x3  }
0x14: {  	s9 =	sadd.s32 s11, s10;
	s14 =	sadd.s32 $0x280, s10;
	s10 =	sadd.s32 s12, s10  }
0x15: {  	s11 =	sadd.s32 s11, s14;
	s12 =	sadd.s32 s12, s14;
	s14 =	simm.s32 $0x3  }
.LBB2_1:
0x16: {  	[spmem:s13], [sflag:s6] =	dma.local [hbm:s5], $0x800  }
0x17: {  	_ =	swait.ge [sflag:s14], $0x800  }
0x18: {  	[sflag:s14] =	ssyncset.done $0x0  }
0x19: {  	[sflag:s14] =	ssyncadd.s32 $0xFFFFF800  }
0x1a: {  	[spmem:s15], [sflag:s6] =	dma.local [hbm:s5], $0x800  }
0x1b: {  	_ =	swait.ge [sflag:s14], $0x800  }
0x1c: {  	[sflag:s14] =	ssyncset.done $0x0  }
0x1d: {  	[sflag:s14] =	ssyncadd.s32 $0xFFFFF800  }
0x1e: {  	[spmem:s16], [sflag:s6] =	dma.local [hbm:s5], $0x800  }
0x1f: {  	_ =	swait.ge [sflag:s14], $0x800  }
0x20: {  	[sflag:s14] =	ssyncset.done $0x0  }
0x21: {  	[sflag:s14] =	ssyncadd.s32 $0xFFFFF800  }
0x22: {  	[spmem:s17], [sflag:s6] =	dma.local [hbm:s5], $0x800  }
0x23: {  	_ =	swait.ge [sflag:s14], $0x800  }
0x24: {  	[sflag:s14] =	ssyncset.done $0x0  }
0x25: {  	[sflag:s14] =	ssyncadd.s32 $0xFFFFF800  }
0x26: {  	[spmem:s18], [sflag:s6] =	dma.local [hbm:s5], $0x780  }
0x27: {  	_ =	swait.ge [sflag:s14], $0x780  }
0x28: {  	[sflag:s14] =	ssyncset.done $0x0  }
0x29: {  	[sflag:s14] =	ssyncadd.s32 $0xFFFFF880  }
0x2a: {  	[bflag:$0x0] =	sbarrier.arrive $0xFFFF  }
0x2b: {  	[tilespmem:s4], [sflag:$0x3] =	stream.linear.gather [hbm4b:s9+s4], $0x1400, $0x38;
	[tilespmem:$0x1E400] =	vst v63  }
0x2c: {  	_ =	swait.ge [sflag:s14], $0x1400  }
0x2d: {  	[sflag:s14] =	ssyncset.done $0x0  }
0x2e: {  	[sflag:s14] =	ssyncadd.s32 $0xFFFFEC00  }
0x2f: {  	[tilespmem:s19], [sflag:$0x3] =	stream.linear.gather [hbm4b:s10+s4], $0x1400, $0x38;
	[tilespmem:$0x1E400] =	vst v63  }
0x30: {  	_ =	swait.ge [sflag:s14], $0x1400  }
0x31: {  	[sflag:s14] =	ssyncset.done $0x0  }
0x32: {  	[sflag:s14] =	ssyncadd.s32 $0xFFFFEC00  }
0x33: {  	[tilespmem:s21], [sflag:$0x1] =	stream.indirect.gather [hbm4b:s1+s20], $0x80, s4, s20, $0xb8;
	[tilespmem:$0x1E400] =	vst v63  }
0x34: {  	_ = 	snop  }
0x35: {  	[tilespmem:s22], [sflag:$0x2] =	stream.indirect.gather [hbm4b:s1+s20], $0x80, s20, s20, $0xb8;
	[tilespmem:$0x1E400] =	vst v63  }
0x36: {  	_ =	swait.ge [sflag:s23], $0x4000  }
0x37: {  	[sflag:s23] =	ssyncset.done $0x0  }
0x38: {  	s29 =	simm.s32 $0x1400;
	[sflag:s23] =	ssyncadd.s32 $0xFFFFC000  }
0x39: {  	[spmem:s3] =	stream.indirect.scatter.add.f32 [tilespmem:s21], [sflag:$0x3], $0x80, s29, s20, $0xb8;
	[tilespmem:$0x1E400] =	vst v63  }
0x3a: {  	_ =	swait.ge [sflag:s14], $0x4000  }
0x3b: {  	[sflag:s14] =	ssyncset.done $0x0  }
0x3c: {  	s29 =	simm.s32 $0x100;
	[sflag:s14] =	ssyncadd.s32 $0xFFFFC000  }
0x3d: {  	[tilespmem:s21], [sflag:$0x1] =	stream.indirect.gather [hbm4b:s1+s20], $0x80, s29, s20, $0xb8;
	[tilespmem:$0x1E400] =	vst v63  }
0x3e: {  	_ =	swait.ge [sflag:s24], $0x4000  }
0x3f: {  	[sflag:s24] =	ssyncset.done $0x0  }
0x40: {  	s29 =	simm.s32 $0x1480;
	[sflag:s24] =	ssyncadd.s32 $0xFFFFC000  }
0x41: {  	[spmem:s3] =	stream.indirect.scatter.add.f32 [tilespmem:s22], [sflag:$0x3], $0x80, s29, s20, $0xb8;
	[tilespmem:$0x1E400] =	vst v63  }
0x42: {  	_ =	swait.ge [sflag:s14], $0x4000  }
0x43: {  	[sflag:s14] =	ssyncset.done $0x0  }
0x44: {  	s30 =	simm.s32 $0x180;
	s29 =	simm.s32 $0x400;
	[sflag:s14] =	ssyncadd.s32 $0xFFFFC000  }
.LBB2_2:
0x45: {  	[tilespmem:s22], [sflag:$0x2] =	stream.indirect.gather [hbm4b:s1+s20], $0x80, s30, s20, $0xb8;
	[tilespmem:$0x1E400] =	vst v63  }
0x46: {  	s30 =	smov.u32 s29  }
0x47: {  	p0 =	sne.s32 s29, $0x4800;
	s29 =	sadd.s32 $0x400, s29;
	_ =	swait.ge [sflag:s23], $0x4000  }
0x48: {  	s30 =	sshra.s32 s30, $0x2;
	[sflag:s23] =	ssyncset.done $0x0  }
0x49: {  	s31 =	sadd.s32 $0x1400, s30;
	[sflag:s23] =	ssyncadd.s32 $0xFFFFC000  }
0x4a: {  	[spmem:s3] =	stream.indirect.scatter.add.f32 [tilespmem:s21], [sflag:$0x3], $0x80, s31, s20, $0xb8;
	[tilespmem:$0x1E400] =	vst v63  }
0x4b: {  	_ =	swait.ge [sflag:s14], $0x4000  }
0x4c: {  	[sflag:s14] =	ssyncset.done $0x0  }
0x4d: {  	s31 =	sadd.s32 $0x100, s30;
	[sflag:s14] =	ssyncadd.s32 $0xFFFFC000  }
0x4e: {  	[tilespmem:s21], [sflag:$0x1] =	stream.indirect.gather [hbm4b:s1+s20], $0x80, s31, s20, $0xb8;
	[tilespmem:$0x1E400] =	vst v63  }
0x4f: {  	_ =	swait.ge [sflag:s24], $0x4000  }
0x50: {  	[sflag:s24] =	ssyncset.done $0x0  }
.Ltmp0:
0x51: {  	s31 =	sadd.s32 $0x1480, s30;
	[sflag:s24] =	ssyncadd.s32 $0xFFFFC000;
	(pc) =	sbr.rel @p0 .LBB2_2-.Ltmp0, $4  }
0x52: {  	[spmem:s3] =	stream.indirect.scatter.add.f32 [tilespmem:s22], [sflag:$0x3], $0x80, s31, s20, $0xb8;
	[tilespmem:$0x1E400] =	vst v63  }
0x53: {  	_ =	swait.ge [sflag:s14], $0x4000  }
0x54: {  	[sflag:s14] =	ssyncset.done $0x0  }
0x55: {  	s30 =	sadd.s32 $0x180, s30;
	[sflag:s14] =	ssyncadd.s32 $0xFFFFC000  }
0x56: {  	[tilespmem:s22], [sflag:$0x2] =	stream.indirect.gather [hbm4b:s1+s20], $0x80, s30, s20, $0xb8;
	[tilespmem:$0x1E400] =	vst v63  }
0x57: {  	_ =	swait.ge [sflag:s23], $0x4000  }
0x58: {  	[sflag:s23] =	ssyncset.done $0x0  }
0x59: {  	[sflag:s23] =	ssyncadd.s32 $0xFFFFC000  }
0x5a: {  	[spmem:s3] =	stream.indirect.scatter.add.f32 [tilespmem:s21], [sflag:$0x3], $0x80, s25, s20, $0xb8;
	[tilespmem:$0x1E400] =	vst v63  }
0x5b: {  	_ =	swait.ge [sflag:s14], $0x4000  }
0x5c: {  	[sflag:s14] =	ssyncset.done $0x0  }
0x5d: {  	[sflag:s14] =	ssyncadd.s32 $0xFFFFC000  }
0x5e: {  	_ =	swait.ge [sflag:s24], $0x4000  }
0x5f: {  	[sflag:s24] =	ssyncset.done $0x0  }
0x60: {  	[sflag:s24] =	ssyncadd.s32 $0xFFFFC000  }
0x61: {  	[spmem:s3] =	stream.indirect.scatter.add.f32 [tilespmem:s22], [sflag:$0x3], $0x80, s26, s20, $0xb8;
	[tilespmem:$0x1E400] =	vst v63  }
0x62: {  	_ =	swait.ge [sflag:s14], $0x4000  }
0x63: {  	[sflag:s14] =	ssyncset.done $0x0  }
0x64: {  	s29 =	simm.s32 $0x0;
	[sflag:s14] =	ssyncadd.s32 $0xFFFFC000  }
0x65: {  	[tilespmem:s29], [sflag:$0x3] =	stream.linear.gather [hbm4b:s11+s29], $0x1400, $0x38;
	[tilespmem:$0x1E400] =	vst v63  }
0x66: {  	_ =	swait.ge [sflag:s14], $0x1400  }
0x67: {  	[sflag:s14] =	ssyncset.done $0x0  }
0x68: {  	[sflag:s14] =	ssyncadd.s32 $0xFFFFEC00  }
0x69: {  	[tilespmem:s19], [sflag:$0x3] =	stream.linear.gather [hbm4b:s12+s29], $0x1400, $0x38;
	[tilespmem:$0x1E400] =	vst v63  }
0x6a: {  	_ =	swait.ge [sflag:s14], $0x1400  }
0x6b: {  	[sflag:s14] =	ssyncset.done $0x0  }
0x6c: {  	[sflag:s14] =	ssyncadd.s32 $0xFFFFEC00  }
0x6d: {  	[tilespmem:s21], [sflag:$0x1] =	stream.indirect.gather [hbm4b:s1+s20], $0x80, s29, s20, $0xb8;
	[tilespmem:$0x1E400] =	vst v63  }
0x6e: {  	_ = 	snop  }
0x6f: {  	[tilespmem:s22], [sflag:$0x2] =	stream.indirect.gather [hbm4b:s1+s20], $0x80, s20, s20, $0xb8;
	[tilespmem:$0x1E400] =	vst v63  }
0x70: {  	_ =	swait.ge [sflag:s23], $0x4000  }
0x71: {  	[sflag:s23] =	ssyncset.done $0x0  }
0x72: {  	s29 =	simm.s32 $0x1400;
	[sflag:s23] =	ssyncadd.s32 $0xFFFFC000  }
0x73: {  	[spmem:s3] =	stream.indirect.scatter.add.f32 [tilespmem:s21], [sflag:$0x3], $0x80, s29, s20, $0xb8;
	[tilespmem:$0x1E400] =	vst v63  }
0x74: {  	_ =	swait.ge [sflag:s14], $0x4000  }
0x75: {  	[sflag:s14] =	ssyncset.done $0x0  }
0x76: {  	s29 =	simm.s32 $0x100;
	[sflag:s14] =	ssyncadd.s32 $0xFFFFC000  }
0x77: {  	[tilespmem:s21], [sflag:$0x1] =	stream.indirect.gather [hbm4b:s1+s20], $0x80, s29, s20, $0xb8;
	[tilespmem:$0x1E400] =	vst v63  }
0x78: {  	_ =	swait.ge [sflag:s24], $0x4000  }
0x79: {  	[sflag:s24] =	ssyncset.done $0x0  }
0x7a: {  	s29 =	simm.s32 $0x1480;
	[sflag:s24] =	ssyncadd.s32 $0xFFFFC000  }
0x7b: {  	[spmem:s3] =	stream.indirect.scatter.add.f32 [tilespmem:s22], [sflag:$0x3], $0x80, s29, s20, $0xb8;
	[tilespmem:$0x1E400] =	vst v63  }
0x7c: {  	_ =	swait.ge [sflag:s14], $0x4000  }
0x7d: {  	[sflag:s14] =	ssyncset.done $0x0  }
0x7e: {  	s30 =	simm.s32 $0x180;
	s29 =	simm.s32 $0x400;
	[sflag:s14] =	ssyncadd.s32 $0xFFFFC000  }
.LBB2_4:
0x7f: {  	[tilespmem:s22], [sflag:$0x2] =	stream.indirect.gather [hbm4b:s1+s20], $0x80, s30, s20, $0xb8;
	[tilespmem:$0x1E400] =	vst v63  }
0x80: {  	s30 =	smov.u32 s29  }
0x81: {  	p0 =	sne.s32 s29, $0x4800;
	s29 =	sadd.s32 $0x400, s29;
	_ =	swait.ge [sflag:s23], $0x4000  }
0x82: {  	s30 =	sshra.s32 s30, $0x2;
	[sflag:s23] =	ssyncset.done $0x0  }
0x83: {  	s31 =	sadd.s32 $0x1400, s30;
	[sflag:s23] =	ssyncadd.s32 $0xFFFFC000  }
0x84: {  	[spmem:s3] =	stream.indirect.scatter.add.f32 [tilespmem:s21], [sflag:$0x3], $0x80, s31, s20, $0xb8;
	[tilespmem:$0x1E400] =	vst v63  }
0x85: {  	_ =	swait.ge [sflag:s14], $0x4000  }
0x86: {  	[sflag:s14] =	ssyncset.done $0x0  }
0x87: {  	s31 =	sadd.s32 $0x100, s30;
	[sflag:s14] =	ssyncadd.s32 $0xFFFFC000  }
0x88: {  	[tilespmem:s21], [sflag:$0x1] =	stream.indirect.gather [hbm4b:s1+s20], $0x80, s31, s20, $0xb8;
	[tilespmem:$0x1E400] =	vst v63  }
0x89: {  	_ =	swait.ge [sflag:s24], $0x4000  }
0x8a: {  	[sflag:s24] =	ssyncset.done $0x0  }
.Ltmp1:
0x8b: {  	s31 =	sadd.s32 $0x1480, s30;
	[sflag:s24] =	ssyncadd.s32 $0xFFFFC000;
	(pc) =	sbr.rel @p0 .LBB2_4-.Ltmp1, $4  }
0x8c: {  	[spmem:s3] =	stream.indirect.scatter.add.f32 [tilespmem:s22], [sflag:$0x3], $0x80, s31, s20, $0xb8;
	[tilespmem:$0x1E400] =	vst v63  }
0x8d: {  	_ =	swait.ge [sflag:s14], $0x4000  }
0x8e: {  	[sflag:s14] =	ssyncset.done $0x0  }
0x8f: {  	s30 =	sadd.s32 $0x180, s30;
	[sflag:s14] =	ssyncadd.s32 $0xFFFFC000  }
0x90: {  	[tilespmem:s22], [sflag:$0x2] =	stream.indirect.gather [hbm4b:s1+s20], $0x80, s30, s20, $0xb8;
	[tilespmem:$0x1E400] =	vst v63  }
0x91: {  	_ =	swait.ge [sflag:s23], $0x4000  }
0x92: {  	[sflag:s23] =	ssyncset.done $0x0  }
0x93: {  	[sflag:s23] =	ssyncadd.s32 $0xFFFFC000  }
0x94: {  	[spmem:s3] =	stream.indirect.scatter.add.f32 [tilespmem:s21], [sflag:$0x3], $0x80, s25, s20, $0xb8;
	[tilespmem:$0x1E400] =	vst v63  }
0x95: {  	_ =	swait.ge [sflag:s14], $0x4000  }
0x96: {  	[sflag:s14] =	ssyncset.done $0x0  }
0x97: {  	[sflag:s14] =	ssyncadd.s32 $0xFFFFC000  }
0x98: {  	_ =	swait.ge [sflag:s24], $0x4000  }
0x99: {  	[sflag:s24] =	ssyncset.done $0x0  }
0x9a: {  	[sflag:s24] =	ssyncadd.s32 $0xFFFFC000  }
0x9b: {  	[spmem:s3] =	stream.indirect.scatter.add.f32 [tilespmem:s22], [sflag:$0x3], $0x80, s26, s20, $0xb8;
	[tilespmem:$0x1E400] =	vst v63  }
0x9c: {  	_ =	swait.ge [sflag:s14], $0x4000  }
0x9d: {  	s28 =	sadd.s32 $0x1, s28;
	[sflag:s14] =	ssyncset.done $0x0  }
0x9e: {  	p0 =	sne.s32 s28, s8;
	[sflag:s14] =	ssyncadd.s32 $0xFFFFC000  }
.Ltmp2:
0x9f: {  	[bflag:$0x0] =	sbarrier.arrive $0xFFFF;
	(pc) =	sbr.rel @p0 .LBB2_1-.Ltmp2, $4  }
0xa0: {  	[hbm:s7], [sflag:s6] =	dma.local [spmem:s13], $0x2780  }
0xa1: {  	_ =	swait.ge [sflag:s14], $0x2780  }
0xa2: {  	[sflag:s14] =	ssyncset.done $0x0  }
0xa3: {  	[sflag:s14] =	ssyncadd.s32 $0xFFFFD880  }
0xa4: {  	_ =	sfence.sel $0x180000  }
0xa5: {  	[bflag:$0x0] =	sbarrier.arrive $0xFFFF  }
0xa6: {  	p0 =	sne.s32 s2, $0x0;
	_ =	strace $0x9000004A  }
0xa7: {  	s0 =	sadd.s32 @!p0 $0x100000, s0;
	[bflag:$0x2] =	sbarrier.arrive $0xFFFF  }
0xa8: {  	[sflag:s0] =	ssyncadd.tile.s32 @!p0 $0x1;
	_ =	shalt  }
.Lfunc_end2:
_tile_overlayer_lowered:
.L_overlay_start_2:
0xa9: {  	(tag) =	ssettag $0x2  }
0xaa: {  	s0 =	rddreg [dreg:$0x0];
	s2 =	stileid.u32  }
0xab: {  	s1 =	rddreg [dreg:$0x1];
	p0 =	sne.s32 s2, $0x0  }
0xac: {  	s3 =	rddreg [dreg:$0x2];
	[bflag:$0x3] =	sbarrier.arrive $0xFFFF;
	s2 =	simm.s32 @!p0 $0x1C03  }
0xad: {  	[timem:s3], [sflag:s2] =	dma.local @!p0 [hbm:s0], s1  }
0xae: {  	s0 =	simm.s32 @!p0 $0x3  }
0xaf: {  	_ =	swait.ge @!p0 [sflag:s0], s1  }
0xb0: {  	s1 =	ssub.s32 @!p0 $0x0, s1;
	[sflag:s0] =	ssyncset.done @!p0 $0x0  }
0xb1: {  	[sflag:s0] =	ssyncadd.s32 @!p0 s1  }
0xb2: {  	[bflag:$0x3] =	sbarrier.arrive $0xFFFF  }
0xb3: {  	_ =	shalt  }

// kernel: kernel.16.cloned.1.call-start
scs
__scs_entry_jumppad:
0x0: {  	(pc) =	sbr.rel $0x88, $3  }
0x1: {  	(tag) =	ssettag $0x0;
	lr =	simm.s32 $0x1  }
0x2: {  	[smem:$0x3F99] =	sst lr;
	_ =	strace $0xD0000000  }
0x3: {  	_ = 	snop  }
0x4: {  	_ = 	snop  }
0x5: {  	_ = 	snop  }
0x6: {  	_ = 	snop  }
0x7: {  	_ = 	snop  }
__scs_overlays_trampoline_lowered:
0x8: {  	[smem:$0x3FA8] =	sst s0  }
0x9: {  	[smem:$0x3FA9] =	sst s1  }
0xa: {  	[smem:$0x3FAA] =	sst s2  }
0xb: {  	[smem:$0x3FAB] =	sst s3  }
0xc: {  	[smem:$0x3FAC] =	sst s4  }
0xd: {  	[smem:$0x3FAD] =	sst s5  }
0xe: {  	[smem:$0x3FAE] =	sst s6  }
0xf: {  	[smem:$0x3FAF] =	sst s7  }
0x10: {  	[smem:$0x3FB0] =	sst s8  }
0x11: {  	[smem:$0x3FB1] =	sst s9;
	s0 =	simm.s32 @!p0 $0x0  }
0x12: {  	s1 =	sld [smem:$0x3F97];
	s0 =	simm.s32 @p0 $0x1  }
0x13: {  	[smem:$0x3FB2] =	sst s0;
	s0 =	simm.s32 @!p1 $0x0  }
0x14: {  	s2 =	sld [smem:$0x3F96];
	s0 =	simm.s32 @p1 $0x1  }
0x15: {  	[smem:$0x3FB3] =	sst s0;
	s0 =	simm.s32 @!p2 $0x0  }
0x16: {  	s3 =	sld [smem:$0x3FDB];
	s0 =	simm.s32 @p2 $0x1  }
0x17: {  	s4 =	simm.s32 $0x1BF5;
	[smem:$0x3FB5] =	sst s0  }
0x18: {  	s0 =	sld [smem:$0x3F98];
	_ =	swait.ge [sflag:s4], $0x0  }
0x19: {  	s7 =	sld [smem:$0x3F99]  }
0x1a: {  	s8 =	sadd.s32 $0xFFFFE003, lr  }
0x1b: {  	s9 =	sadd.s32 $0xFFFFFEF7, lr;
	s5 =	simm.s32 $0xFFFFFFFF;
	p2 =	slt.u32 s8, $0xFFFFF086  }
0x1c: {  	p1 =	slt.u32 s9, $0xF7A;
	s5 =	simm.s32 @!p2 $0x0  }
0x1d: {  	s5 =	simm.s32 @p1 $0x1;
	p0 =	seq.s32 s7, s2  }
0x1e: {  	s7 =	smul.u32 @!p0 $0xF7A, s2;
	p2 =	seq.s32 @!p0 s5, $0x0  }
0x1f: {  	s9 =	smul.u32 $0xF7A, s1;
	s8 =	simm.s32 @!p0 $0x1BF5;
	p2 =	por !p2, p0  }
0x20: {  	[sflag:s8] =	ssyncset.s32 @!p0 $0xFFFFF086;
	s6 =	sadd.s32 @!p0 s3, s7;
	s7 =	simm.s32 @!p0 $0x108  }
0x21: {  	s3 =	sadd.s32 s3, s9;
	s6 =	sadd.s32 @!p0 $0x88, s6;
	s7 =	simm.s32 @p2 $0x1082  }
0x22: {  	[simem:s7], [sflag:s8] =	dma.local @!p0 [hbm:s6], $0xF7A  }
0x23: {  	s9 =	sor.u32 $0xD0000000, s2;
	s6 =	simm.s32 $0x108;
	_ =	swait.ge @!p0 [sflag:s8], $0x0  }
0x24: {  	s3 =	sadd.s32 $0x88, s3;
	s6 =	simm.s32 @!p1 $0x1082;
	[sflag:s4] =	ssyncset.s32 $0xFFFFF086  }
0x25: {  	[simem:s6], [sflag:s4] =	dma.local [hbm:s3], $0xF7A  }
0x26: {  	[smem:$0x3F99] =	sst s1;
	(tag) =	ssettag s2;
	_ =	strace s9  }
0x27: {  	s1 =	sld [smem:$0x3FA9]  }
0x28: {  	s2 =	sld [smem:$0x3FAA]  }
0x29: {  	s4 =	sld [smem:$0x3FAC]  }
0x2a: {  	p0 =	seq.s32 s5, $0x0;
	s5 =	sld [smem:$0x3FAD]  }
0x2b: {  	s6 =	sld [smem:$0x3FAE]  }
0x2c: {  	s7 =	sld [smem:$0x3FAF]  }
0x2d: {  	s3 =	simm.s32 $0x108;
	s8 =	sld [smem:$0x3FB0]  }
0x2e: {  	s3 =	simm.s32 @!p0 $0x1082;
	s9 =	sld [smem:$0x3FB1]  }
0x2f: {  	lr =	sadd.s32 s0, s3;
	s0 =	sld [smem:$0x3FA8]  }
0x30: {  	s3 =	sld [smem:$0x3FAB]  }
0x31: {  	[smem:$0x3FB4] =	sst s10  }
0x32: {  	s10 =	sld [smem:$0x3FB2];
	_ =	sdelay $0x3  }
0x33: {  	p0 =	seq.s32 s10, $0x1;
	s10 =	sld [smem:$0x3FB4];
	_ =	sdelay $0x3  }
0x34: {  	[smem:$0x3FB4] =	sst s10  }
0x35: {  	s10 =	sld [smem:$0x3FB3];
	_ =	sdelay $0x3  }
0x36: {  	p1 =	seq.s32 s10, $0x1;
	s10 =	sld [smem:$0x3FB4];
	_ =	sdelay $0x3  }
0x37: {  	[smem:$0x3FB4] =	sst s10  }
0x38: {  	s10 =	sld [smem:$0x3FB5]  }
0x39: {  	_ = 	snop;
	(pc) =	sbr.ind lr, $3  }
0x3a: {  	_ = 	snop  }
0x3b: {  	_ = 	snop  }
0x3c: {  	p2 =	seq.s32 s10, $0x1;
	s10 =	sld [smem:$0x3FB4]  }
0x3d: {  	_ =	shalt  }
0x3e: {  	_ =	shalt  }
0x3f: {  	_ =	shalt  }
0x40: {  	_ =	shalt  }
0x41: {  	_ =	shalt  }
0x42: {  	_ =	shalt  }
0x43: {  	_ =	shalt  }
0x44: {  	_ =	shalt  }
0x45: {  	_ =	shalt  }
0x46: {  	_ =	shalt  }
0x47: {  	_ =	shalt  }
0x48: {  	_ =	shalt  }
0x49: {  	_ =	shalt  }
0x4a: {  	_ =	shalt  }
0x4b: {  	_ =	shalt  }
0x4c: {  	_ =	shalt  }
0x4d: {  	_ =	shalt  }
0x4e: {  	_ =	shalt  }
0x4f: {  	_ =	shalt  }
0x50: {  	_ =	shalt  }
0x51: {  	_ =	shalt  }
0x52: {  	_ =	shalt  }
0x53: {  	_ =	shalt  }
0x54: {  	_ =	shalt  }
0x55: {  	_ =	shalt  }
0x56: {  	_ =	shalt  }
0x57: {  	_ =	shalt  }
0x58: {  	_ =	shalt  }
0x59: {  	_ =	shalt  }
0x5a: {  	_ =	shalt  }
0x5b: {  	_ =	shalt  }
0x5c: {  	_ =	shalt  }
0x5d: {  	_ =	shalt  }
0x5e: {  	_ =	shalt  }
0x5f: {  	_ =	shalt  }
0x60: {  	_ =	shalt  }
0x61: {  	_ =	shalt  }
0x62: {  	_ =	shalt  }
0x63: {  	_ =	shalt  }
0x64: {  	_ =	shalt  }
0x65: {  	_ =	shalt  }
0x66: {  	_ =	shalt  }
0x67: {  	_ =	shalt  }
0x68: {  	_ =	shalt  }
0x69: {  	_ =	shalt  }
0x6a: {  	_ =	shalt  }
0x6b: {  	_ =	shalt  }
0x6c: {  	_ =	shalt  }
0x6d: {  	_ =	shalt  }
0x6e: {  	_ =	shalt  }
0x6f: {  	_ =	shalt  }
0x70: {  	_ =	shalt  }
0x71: {  	_ =	shalt  }
0x72: {  	_ =	shalt  }
0x73: {  	_ =	shalt  }
0x74: {  	_ =	shalt  }
0x75: {  	_ =	shalt  }
0x76: {  	_ =	shalt  }
0x77: {  	_ =	shalt  }
0x78: {  	_ =	shalt  }
0x79: {  	_ =	shalt  }
0x7a: {  	_ =	shalt  }
0x7b: {  	_ =	shalt  }
0x7c: {  	_ =	shalt  }
0x7d: {  	_ =	shalt  }
0x7e: {  	_ =	shalt  }
0x7f: {  	_ =	shalt  }
0x80: {  	_ =	shalt  }
0x81: {  	_ =	shalt  }
0x82: {  	_ =	shalt  }
0x83: {  	_ =	shalt  }
0x84: {  	_ =	shalt  }
0x85: {  	_ =	shalt  }
0x86: {  	_ =	shalt  }
0x87: {  	_ =	shalt  }
.Lfunc_end0:
.L_simem_size_0:
called_computation.2_lowered:
.L_overlay_start_0:
0x88: {  	s2 =	sld [smem:$0x3FD9]  }
0x89: {  	s3 =	sld [smem:$0x3FFE];
	_ =	sdelay $0x1  }
0x8a: {  	s1 =	srdreg.scid  }
0x8b: {  	s0 =	sand.u32 $0x1, s1  }
0x8c: {  	s14 =	sshll.u32 s0, $0xA;
	s2 =	sadd.s32 s3, s2  }
0x8d: {  	s2 =	sadd.s32 s2, s14  }
0x8e: {  	[smem:$0x3FC0] =	sst s2  }
0x8f: {  	_ = 	snop  }
0x90: {  	s2 =	sld [smem:$0x3FD0];
	_ =	sdelay $0x2  }
0x91: {  	s15 =	simm.s32 $0xA;
	s4 =	simm.s32 $0x10  }
0x92: {  	[smem:s4], [sflag:s15] =	dma.local [hbm:s2], $0x1  }
0x93: {  	_ =	swait.eq [sflag:s15], $0x1  }
0x94: {  	[sflag:s15] =	ssyncset.done $0x0  }
0x95: {  	s16 =	sld [smem:$0x10];
	[sflag:s15] =	ssyncadd.s32 $0xFFFFFFFF  }
0x96: {  	s17 =	sld [smem:$0x12];
	(tm) =	ssettm $0x1  }
0x97: {  	s18 =	sld [smem:$0x3FFB];
	_ =	sdelay $0x3  }
0x98: {  	_ =	strace s18  }
0x99: {  	s4 =	sld [smem:$0x3FFC];
	_ =	sdelay $0x3  }
0x9a: {  	_ =	strace s4  }
0x9b: {  	s4 =	sld [smem:$0x3FFD];
	_ =	sdelay $0x3  }
0x9c: {  	_ =	strace s4  }
0x9d: {  	_ =	strace $0x8FFFFFFF  }
0x9e: {  	s19 =	sld [smem:$0x3FDB];
	_ =	sdelay $0x1  }
0x9f: {  	s5 =	simm.s32 $_scs_section_size  }
0xa0: {  	s6 =	simm.s32 $_size__tile_overlayer_lowered;
	s7 =	simm.s32 $_tile_overlayer_lowered  }
0xa1: {  	s22 =	simm.s32 $0x1BFF;
	s21 =	sshll.u32 s7, $0x1;
	s4 =	sadd.s32 s5, s19  }
0xa2: {  	s8 =	simm.s32 $0x0;
	s20 =	sshll.u32 s6, $0x1;
	s6 =	sadd.s32 s21, s4  }
0xa3: {  	[timem:s8], [sflag:s22] =	dma.local [hbm:s6], s20  }
0xa4: {  	_ =	swait.ge [sflag:s22], s20  }
0xa5: {  	s5 =	ssub.s32 $0x0, s20;
	[sflag:s22] =	ssyncset.done $0x0  }
0xa6: {  	[sflag:s22] =	ssyncadd.s32 s5;
	_ =	sdelay $0x1  }
0xa7: {  	s23 =	simm.s32 $0x1B8B  }
0xa8: {  	_ =	swait.ge [sflag:s23], $0x1  }
0xa9: {  	[sflag:s23] =	ssyncset.done $0x0  }
0xaa: {  	s25 =	simm.s32 $0x1B8E;
	s24 =	sld [smem:$0x3FFE];
	[sflag:s23] =	ssyncadd.s32 $0xFFFFFFFF  }
0xab: {  	s26 =	simm.s32 $execute0_lowered;
	[smem:$0x3FD2] =	sst s25  }
0xac: {  	s6 =	sshll.u32 s26, $0x1;
	_ =	strace $0x8000004C;
	[dreg:$0x1] =	wrdreg $0xFFFFFFFF  }
0xad: {  	s28 =	simm.s32 $_size_execute0_lowered;
	s4 =	sadd.s32 s4, s6;
	[dreg:$0x0] =	wrdreg $0x0  }
0xae: {  	s6 =	sshll.u32 s28, $0x1;
	[dreg:$0x2] =	wrdreg s4  }
0xaf: {  	[dreg:$0x3] =	wrdreg s6  }
0xb0: {  	[dreg:$0x4] =	wrdreg $0xC0  }
0xb1: {  	_ =	task [dreg:s8], $0x5FFFF  }
0xb2: {  	[dreg:$0x1] =	wrdreg $0xFFFFFFFF  }
0xb3: {  	[dreg:$0x0] =	wrdreg $0x60  }
0xb4: {  	[dreg:$0x2] =	wrdreg s17  }
0xb5: {  	[dreg:$0x3] =	wrdreg s16  }
0xb6: {  	[dreg:$0x4] =	wrdreg s24  }
0xb7: {  	[dreg:$0x5] =	wrdreg $0xA8000  }
0xb8: {  	[dreg:$0x6] =	wrdreg $0x9  }
0xb9: {  	_ =	task.clear_ibuf [dreg:s8], $0x7FFFF;
	_ =	strace $0x9000004C  }
0xba: {  	s29 =	simm.s32 $0x9;
	_ =	strace $0x8000004E  }
0xbb: {  	_ =	swait.ge [sflag:s29], $0x1  }
0xbc: {  	[sflag:s29] =	ssyncadd.s32 $0xFFFFFFFF  }
0xbd: {  	_ =	strace $0x9000004E  }
0xbe: {  	_ =	sfence  }
0xbf: {  	s30 =	sld [smem:$0x0];
	_ =	sdelay $0x2  }
0xc0: {  	s31 =	sshll.u32 s1, $0xD;
	s1 =	sshrl.u32 s1, $0x2  }
0xc1: {  	s3 =	sand.u32 $0x4000, s31;
	s1 =	sadd.s32 s1, s30  }
0xc2: {  	s0 =	sor.u32 s3, s0;
	s1 =	sshll.u32 s1, $0x11  }
0xc3: {  	s0 =	sor.u32 s1, s0  }
0xc4: {  	s0 =	sadd.s32 $0x8F2B, s0  }
0xc5: {  	[sflag:s0] =	ssyncadd.remote.s32 $0x1  }
0xc6: {  	_ =	sfence.sel $0xFFFF  }
0xc7: {  	[dreg:$0x0] =	wrdreg $0xFFFFFFFF;
	(pc) =	sbr.abs _section_cstart, $3  }
0xc8: {  	[dreg:$0x1] =	wrdreg $0xFFFFFFFF  }
0xc9: {  	_ =	task.clear_ibuf [dreg:s8], $0x2FFFF;
	_ =	strace $0x9FFFFFFF  }
0xca: {  	(tm) =	ssettm $0x7FFFFFFF  }
0xcb: {  	_ =	shalt  }
tec
execute0_lowered:
.L_overlay_start_1:
0x0: {  	(tag) =	ssettag $0x1  }
0x1: {  	s1 =	rddreg [dreg:$0x0]  }
0x2: {  	s11 =	rddreg [dreg:$0x1]  }
0x3: {  	s6 =	rddreg [dreg:$0x2]  }
0x4: {  	s3 =	rddreg [dreg:$0x3]  }
0x5: {  	s0 =	rddreg [dreg:$0x4];
	s4 =	simm.s32 $0x0;
	s5 =	srdreg.scid  }
0x6: {  	s2 =	stileid.u32;
	s19 =	simm.s32 $0x1400;
	s20 =	simm.s32 $0x80  }
0x7: {  	s21 =	simm.s32 $0x2800;
	s22 =	simm.s32 $0x6800;
	s23 =	simm.s32 $0x1  }
0x8: {  	s24 =	simm.s32 $0x2;
	s28 =	simm.s32 $0x0;
	[smem:$0x7FF] =	sst s4  }
0x9: {  	s7 =	sand.u32 $0x1, s5;
	s8 =	smul.u32 $0x2780, s2;
	s12 =	sadd.s32 $0x5EA00, s6  }
0xa: {  	s5 =	sadd.s32 $0xF200, s6;
	s13 =	smul.u32 $0x4F000, s2;
	s30 =	sshll.u32 s2, $0x6  }
0xb: {  	s9 =	smul.u32 $0x27800, s7;
	s10 =	ssub.s32 $0x2, s7;
	s26 =	sshll.u32 s7, $0x4  }
0xc: {  	_ =	strace $0x8000004D;
	s25 =	sshrl.u32 s10, $0x1;
	s7 =	sor.u32 s2, s26  }
0xd: {  	s29 =	sshrl.u32 s13, $0x2;
	s26 =	simm.s32 $0x2780;
	s8 =	sadd.s32 s8, s9  }
0xe: {  	s9 =	ssub.s32 s10, s25;
	s13 =	sadd.s32 s29, s3;
	s31 =	smul.u32 $0x2800, s7  }
0xf: {  	s25 =	simm.s32 $0x2700;
	s8 =	sadd.s32 s8, s6;
	s6 =	sor.u32 $0x1C03, s30  }
0x10: {  	s15 =	sadd.s32 $0x4000, s13;
	s16 =	sadd.s32 $0x8000, s13;
	s17 =	sadd.s32 $0xC000, s13  }
0x11: {  	s18 =	sadd.s32 $0x10000, s13;
	s13 =	sshrl.u32 s13, $0x3;
	s7 =	sadd.s32 $0x68A00, s8  }
0x12: {  	s10 =	sshrl.u32 s31, $0x3;
	s8 =	smax.u32 s9, $0x1;
	s15 =	sshrl.u32 s15, $0x3  }
0x13: {  	s16 =	sshrl.u32 s16, $0x3;
	s17 =	sshrl.u32 s17, $0x3;
	s18 =	sshrl.u32 s18, $0x3  }
0x14: {  	s9 =	sadd.s32 s11, s10;
	s14 =	sadd.s32 $0x280, s10;
	s10 =	sadd.s32 s12, s10  }
0x15: {  	s11 =	sadd.s32 s11, s14;
	s12 =	sadd.s32 s12, s14;
	s14 =	simm.s32 $0x3  }
.LBB2_1:
0x16: {  	[spmem:s13], [sflag:s6] =	dma.local [hbm:s5], $0x800  }
0x17: {  	_ =	swait.ge [sflag:s14], $0x800  }
0x18: {  	[sflag:s14] =	ssyncset.done $0x0  }
0x19: {  	[sflag:s14] =	ssyncadd.s32 $0xFFFFF800  }
0x1a: {  	[spmem:s15], [sflag:s6] =	dma.local [hbm:s5], $0x800  }
0x1b: {  	_ =	swait.ge [sflag:s14], $0x800  }
0x1c: {  	[sflag:s14] =	ssyncset.done $0x0  }
0x1d: {  	[sflag:s14] =	ssyncadd.s32 $0xFFFFF800  }
0x1e: {  	[spmem:s16], [sflag:s6] =	dma.local [hbm:s5], $0x800  }
0x1f: {  	_ =	swait.ge [sflag:s14], $0x800  }
0x20: {  	[sflag:s14] =	ssyncset.done $0x0  }
0x21: {  	[sflag:s14] =	ssyncadd.s32 $0xFFFFF800  }
0x22: {  	[spmem:s17], [sflag:s6] =	dma.local [hbm:s5], $0x800  }
0x23: {  	_ =	swait.ge [sflag:s14], $0x800  }
0x24: {  	[sflag:s14] =	ssyncset.done $0x0  }
0x25: {  	[sflag:s14] =	ssyncadd.s32 $0xFFFFF800  }
0x26: {  	[spmem:s18], [sflag:s6] =	dma.local [hbm:s5], $0x780  }
0x27: {  	_ =	swait.ge [sflag:s14], $0x780  }
0x28: {  	[sflag:s14] =	ssyncset.done $0x0  }
0x29: {  	[sflag:s14] =	ssyncadd.s32 $0xFFFFF880  }
0x2a: {  	[bflag:$0x0] =	sbarrier.arrive $0xFFFF  }
0x2b: {  	[tilespmem:s4], [sflag:$0x3] =	stream.linear.gather [hbm4b:s9+s4], $0x1400, $0x38;
	[tilespmem:$0x1E400] =	vst v63  }
0x2c: {  	_ =	swait.ge [sflag:s14], $0x1400  }
0x2d: {  	[sflag:s14] =	ssyncset.done $0x0  }
0x2e: {  	[sflag:s14] =	ssyncadd.s32 $0xFFFFEC00  }
0x2f: {  	[tilespmem:s19], [sflag:$0x3] =	stream.linear.gather [hbm4b:s10+s4], $0x1400, $0x38;
	[tilespmem:$0x1E400] =	vst v63  }
0x30: {  	_ =	swait.ge [sflag:s14], $0x1400  }
0x31: {  	[sflag:s14] =	ssyncset.done $0x0  }
0x32: {  	[sflag:s14] =	ssyncadd.s32 $0xFFFFEC00  }
0x33: {  	[tilespmem:s21], [sflag:$0x1] =	stream.indirect.gather [hbm4b:s1+s20], $0x80, s4, s20, $0xb8;
	[tilespmem:$0x1E400] =	vst v63  }
0x34: {  	_ = 	snop  }
0x35: {  	[tilespmem:s22], [sflag:$0x2] =	stream.indirect.gather [hbm4b:s1+s20], $0x80, s20, s20, $0xb8;
	[tilespmem:$0x1E400] =	vst v63  }
0x36: {  	_ =	swait.ge [sflag:s23], $0x4000  }
0x37: {  	[sflag:s23] =	ssyncset.done $0x0  }
0x38: {  	s29 =	simm.s32 $0x1400;
	[sflag:s23] =	ssyncadd.s32 $0xFFFFC000  }
0x39: {  	[spmem:s3] =	stream.indirect.scatter.add.f32 [tilespmem:s21], [sflag:$0x3], $0x80, s29, s20, $0xb8;
	[tilespmem:$0x1E400] =	vst v63  }
0x3a: {  	_ =	swait.ge [sflag:s14], $0x4000  }
0x3b: {  	[sflag:s14] =	ssyncset.done $0x0  }
0x3c: {  	s29 =	simm.s32 $0x100;
	[sflag:s14] =	ssyncadd.s32 $0xFFFFC000  }
0x3d: {  	[tilespmem:s21], [sflag:$0x1] =	stream.indirect.gather [hbm4b:s1+s20], $0x80, s29, s20, $0xb8;
	[tilespmem:$0x1E400] =	vst v63  }
0x3e: {  	_ =	swait.ge [sflag:s24], $0x4000  }
0x3f: {  	[sflag:s24] =	ssyncset.done $0x0  }
0x40: {  	s29 =	simm.s32 $0x1480;
	[sflag:s24] =	ssyncadd.s32 $0xFFFFC000  }
0x41: {  	[spmem:s3] =	stream.indirect.scatter.add.f32 [tilespmem:s22], [sflag:$0x3], $0x80, s29, s20, $0xb8;
	[tilespmem:$0x1E400] =	vst v63  }
0x42: {  	_ =	swait.ge [sflag:s14], $0x4000  }
0x43: {  	[sflag:s14] =	ssyncset.done $0x0  }
0x44: {  	s30 =	simm.s32 $0x180;
	s29 =	simm.s32 $0x400;
	[sflag:s14] =	ssyncadd.s32 $0xFFFFC000  }
.LBB2_2:
0x45: {  	[tilespmem:s22], [sflag:$0x2] =	stream.indirect.gather [hbm4b:s1+s20], $0x80, s30, s20, $0xb8;
	[tilespmem:$0x1E400] =	vst v63  }
0x46: {  	s30 =	smov.u32 s29  }
0x47: {  	p0 =	sne.s32 s29, $0x4800;
	s29 =	sadd.s32 $0x400, s29;
	_ =	swait.ge [sflag:s23], $0x4000  }
0x48: {  	s30 =	sshra.s32 s30, $0x2;
	[sflag:s23] =	ssyncset.done $0x0  }
0x49: {  	s31 =	sadd.s32 $0x1400, s30;
	[sflag:s23] =	ssyncadd.s32 $0xFFFFC000  }
0x4a: {  	[spmem:s3] =	stream.indirect.scatter.add.f32 [tilespmem:s21], [sflag:$0x3], $0x80, s31, s20, $0xb8;
	[tilespmem:$0x1E400] =	vst v63  }
0x4b: {  	_ =	swait.ge [sflag:s14], $0x4000  }
0x4c: {  	[sflag:s14] =	ssyncset.done $0x0  }
0x4d: {  	s31 =	sadd.s32 $0x100, s30;
	[sflag:s14] =	ssyncadd.s32 $0xFFFFC000  }
0x4e: {  	[tilespmem:s21], [sflag:$0x1] =	stream.indirect.gather [hbm4b:s1+s20], $0x80, s31, s20, $0xb8;
	[tilespmem:$0x1E400] =	vst v63  }
0x4f: {  	_ =	swait.ge [sflag:s24], $0x4000  }
0x50: {  	[sflag:s24] =	ssyncset.done $0x0  }
.Ltmp0:
0x51: {  	s31 =	sadd.s32 $0x1480, s30;
	[sflag:s24] =	ssyncadd.s32 $0xFFFFC000;
	(pc) =	sbr.rel @p0 .LBB2_2-.Ltmp0, $4  }
0x52: {  	[spmem:s3] =	stream.indirect.scatter.add.f32 [tilespmem:s22], [sflag:$0x3], $0x80, s31, s20, $0xb8;
	[tilespmem:$0x1E400] =	vst v63  }
0x53: {  	_ =	swait.ge [sflag:s14], $0x4000  }
0x54: {  	[sflag:s14] =	ssyncset.done $0x0  }
0x55: {  	s30 =	sadd.s32 $0x180, s30;
	[sflag:s14] =	ssyncadd.s32 $0xFFFFC000  }
0x56: {  	[tilespmem:s22], [sflag:$0x2] =	stream.indirect.gather [hbm4b:s1+s20], $0x80, s30, s20, $0xb8;
	[tilespmem:$0x1E400] =	vst v63  }
0x57: {  	_ =	swait.ge [sflag:s23], $0x4000  }
0x58: {  	[sflag:s23] =	ssyncset.done $0x0  }
0x59: {  	[sflag:s23] =	ssyncadd.s32 $0xFFFFC000  }
0x5a: {  	[spmem:s3] =	stream.indirect.scatter.add.f32 [tilespmem:s21], [sflag:$0x3], $0x80, s25, s20, $0xb8;
	[tilespmem:$0x1E400] =	vst v63  }
0x5b: {  	_ =	swait.ge [sflag:s14], $0x4000  }
0x5c: {  	[sflag:s14] =	ssyncset.done $0x0  }
0x5d: {  	[sflag:s14] =	ssyncadd.s32 $0xFFFFC000  }
0x5e: {  	_ =	swait.ge [sflag:s24], $0x4000  }
0x5f: {  	[sflag:s24] =	ssyncset.done $0x0  }
0x60: {  	[sflag:s24] =	ssyncadd.s32 $0xFFFFC000  }
0x61: {  	[spmem:s3] =	stream.indirect.scatter.add.f32 [tilespmem:s22], [sflag:$0x3], $0x80, s26, s20, $0xb8;
	[tilespmem:$0x1E400] =	vst v63  }
0x62: {  	_ =	swait.ge [sflag:s14], $0x4000  }
0x63: {  	[sflag:s14] =	ssyncset.done $0x0  }
0x64: {  	s29 =	simm.s32 $0x0;
	[sflag:s14] =	ssyncadd.s32 $0xFFFFC000  }
0x65: {  	[tilespmem:s29], [sflag:$0x3] =	stream.linear.gather [hbm4b:s11+s29], $0x1400, $0x38;
	[tilespmem:$0x1E400] =	vst v63  }
0x66: {  	_ =	swait.ge [sflag:s14], $0x1400  }
0x67: {  	[sflag:s14] =	ssyncset.done $0x0  }
0x68: {  	[sflag:s14] =	ssyncadd.s32 $0xFFFFEC00  }
0x69: {  	[tilespmem:s19], [sflag:$0x3] =	stream.linear.gather [hbm4b:s12+s29], $0x1400, $0x38;
	[tilespmem:$0x1E400] =	vst v63  }
0x6a: {  	_ =	swait.ge [sflag:s14], $0x1400  }
0x6b: {  	[sflag:s14] =	ssyncset.done $0x0  }
0x6c: {  	[sflag:s14] =	ssyncadd.s32 $0xFFFFEC00  }
0x6d: {  	[tilespmem:s21], [sflag:$0x1] =	stream.indirect.gather [hbm4b:s1+s20], $0x80, s29, s20, $0xb8;
	[tilespmem:$0x1E400] =	vst v63  }
0x6e: {  	_ = 	snop  }
0x6f: {  	[tilespmem:s22], [sflag:$0x2] =	stream.indirect.gather [hbm4b:s1+s20], $0x80, s20, s20, $0xb8;
	[tilespmem:$0x1E400] =	vst v63  }
0x70: {  	_ =	swait.ge [sflag:s23], $0x4000  }
0x71: {  	[sflag:s23] =	ssyncset.done $0x0  }
0x72: {  	s29 =	simm.s32 $0x1400;
	[sflag:s23] =	ssyncadd.s32 $0xFFFFC000  }
0x73: {  	[spmem:s3] =	stream.indirect.scatter.add.f32 [tilespmem:s21], [sflag:$0x3], $0x80, s29, s20, $0xb8;
	[tilespmem:$0x1E400] =	vst v63  }
0x74: {  	_ =	swait.ge [sflag:s14], $0x4000  }
0x75: {  	[sflag:s14] =	ssyncset.done $0x0  }
0x76: {  	s29 =	simm.s32 $0x100;
	[sflag:s14] =	ssyncadd.s32 $0xFFFFC000  }
0x77: {  	[tilespmem:s21], [sflag:$0x1] =	stream.indirect.gather [hbm4b:s1+s20], $0x80, s29, s20, $0xb8;
	[tilespmem:$0x1E400] =	vst v63  }
0x78: {  	_ =	swait.ge [sflag:s24], $0x4000  }
0x79: {  	[sflag:s24] =	ssyncset.done $0x0  }
0x7a: {  	s29 =	simm.s32 $0x1480;
	[sflag:s24] =	ssyncadd.s32 $0xFFFFC000  }
0x7b: {  	[spmem:s3] =	stream.indirect.scatter.add.f32 [tilespmem:s22], [sflag:$0x3], $0x80, s29, s20, $0xb8;
	[tilespmem:$0x1E400] =	vst v63  }
0x7c: {  	_ =	swait.ge [sflag:s14], $0x4000  }
0x7d: {  	[sflag:s14] =	ssyncset.done $0x0  }
0x7e: {  	s30 =	simm.s32 $0x180;
	s29 =	simm.s32 $0x400;
	[sflag:s14] =	ssyncadd.s32 $0xFFFFC000  }
.LBB2_4:
0x7f: {  	[tilespmem:s22], [sflag:$0x2] =	stream.indirect.gather [hbm4b:s1+s20], $0x80, s30, s20, $0xb8;
	[tilespmem:$0x1E400] =	vst v63  }
0x80: {  	s30 =	smov.u32 s29  }
0x81: {  	p0 =	sne.s32 s29, $0x4800;
	s29 =	sadd.s32 $0x400, s29;
	_ =	swait.ge [sflag:s23], $0x4000  }
0x82: {  	s30 =	sshra.s32 s30, $0x2;
	[sflag:s23] =	ssyncset.done $0x0  }
0x83: {  	s31 =	sadd.s32 $0x1400, s30;
	[sflag:s23] =	ssyncadd.s32 $0xFFFFC000  }
0x84: {  	[spmem:s3] =	stream.indirect.scatter.add.f32 [tilespmem:s21], [sflag:$0x3], $0x80, s31, s20, $0xb8;
	[tilespmem:$0x1E400] =	vst v63  }
0x85: {  	_ =	swait.ge [sflag:s14], $0x4000  }
0x86: {  	[sflag:s14] =	ssyncset.done $0x0  }
0x87: {  	s31 =	sadd.s32 $0x100, s30;
	[sflag:s14] =	ssyncadd.s32 $0xFFFFC000  }
0x88: {  	[tilespmem:s21], [sflag:$0x1] =	stream.indirect.gather [hbm4b:s1+s20], $0x80, s31, s20, $0xb8;
	[tilespmem:$0x1E400] =	vst v63  }
0x89: {  	_ =	swait.ge [sflag:s24], $0x4000  }
0x8a: {  	[sflag:s24] =	ssyncset.done $0x0  }
.Ltmp1:
0x8b: {  	s31 =	sadd.s32 $0x1480, s30;
	[sflag:s24] =	ssyncadd.s32 $0xFFFFC000;
	(pc) =	sbr.rel @p0 .LBB2_4-.Ltmp1, $4  }
0x8c: {  	[spmem:s3] =	stream.indirect.scatter.add.f32 [tilespmem:s22], [sflag:$0x3], $0x80, s31, s20, $0xb8;
	[tilespmem:$0x1E400] =	vst v63  }
0x8d: {  	_ =	swait.ge [sflag:s14], $0x4000  }
0x8e: {  	[sflag:s14] =	ssyncset.done $0x0  }
0x8f: {  	s30 =	sadd.s32 $0x180, s30;
	[sflag:s14] =	ssyncadd.s32 $0xFFFFC000  }
0x90: {  	[tilespmem:s22], [sflag:$0x2] =	stream.indirect.gather [hbm4b:s1+s20], $0x80, s30, s20, $0xb8;
	[tilespmem:$0x1E400] =	vst v63  }
0x91: {  	_ =	swait.ge [sflag:s23], $0x4000  }
0x92: {  	[sflag:s23] =	ssyncset.done $0x0  }
0x93: {  	[sflag:s23] =	ssyncadd.s32 $0xFFFFC000  }
0x94: {  	[spmem:s3] =	stream.indirect.scatter.add.f32 [tilespmem:s21], [sflag:$0x3], $0x80, s25, s20, $0xb8;
	[tilespmem:$0x1E400] =	vst v63  }
0x95: {  	_ =	swait.ge [sflag:s14], $0x4000  }
0x96: {  	[sflag:s14] =	ssyncset.done $0x0  }
0x97: {  	[sflag:s14] =	ssyncadd.s32 $0xFFFFC000  }
0x98: {  	_ =	swait.ge [sflag:s24], $0x4000  }
0x99: {  	[sflag:s24] =	ssyncset.done $0x0  }
0x9a: {  	[sflag:s24] =	ssyncadd.s32 $0xFFFFC000  }
0x9b: {  	[spmem:s3] =	stream.indirect.scatter.add.f32 [tilespmem:s22], [sflag:$0x3], $0x80, s26, s20, $0xb8;
	[tilespmem:$0x1E400] =	vst v63  }
0x9c: {  	_ =	swait.ge [sflag:s14], $0x4000  }
0x9d: {  	s28 =	sadd.s32 $0x1, s28;
	[sflag:s14] =	ssyncset.done $0x0  }
0x9e: {  	p0 =	sne.s32 s28, s8;
	[sflag:s14] =	ssyncadd.s32 $0xFFFFC000  }
.Ltmp2:
0x9f: {  	[bflag:$0x0] =	sbarrier.arrive $0xFFFF;
	(pc) =	sbr.rel @p0 .LBB2_1-.Ltmp2, $4  }
0xa0: {  	[hbm:s7], [sflag:s6] =	dma.local [spmem:s13], $0x2780  }
0xa1: {  	_ =	swait.ge [sflag:s14], $0x2780  }
0xa2: {  	[sflag:s14] =	ssyncset.done $0x0  }
0xa3: {  	[sflag:s14] =	ssyncadd.s32 $0xFFFFD880  }
0xa4: {  	_ =	sfence.sel $0x180000  }
0xa5: {  	[bflag:$0x0] =	sbarrier.arrive $0xFFFF  }
0xa6: {  	p0 =	sne.s32 s2, $0x0;
	_ =	strace $0x9000004D  }
0xa7: {  	s0 =	sadd.s32 @!p0 $0x100000, s0;
	[bflag:$0x2] =	sbarrier.arrive $0xFFFF  }
0xa8: {  	[sflag:s0] =	ssyncadd.tile.s32 @!p0 $0x1;
	_ =	shalt  }
.Lfunc_end2:
_tile_overlayer_lowered:
.L_overlay_start_2:
0xa9: {  	(tag) =	ssettag $0x2  }
0xaa: {  	s0 =	rddreg [dreg:$0x0];
	s2 =	stileid.u32  }
0xab: {  	s1 =	rddreg [dreg:$0x1];
	p0 =	sne.s32 s2, $0x0  }
0xac: {  	s3 =	rddreg [dreg:$0x2];
	[bflag:$0x3] =	sbarrier.arrive $0xFFFF;
	s2 =	simm.s32 @!p0 $0x1C03  }
0xad: {  	[timem:s3], [sflag:s2] =	dma.local @!p0 [hbm:s0], s1  }
0xae: {  	s0 =	simm.s32 @!p0 $0x3  }
0xaf: {  	_ =	swait.ge @!p0 [sflag:s0], s1  }
0xb0: {  	s1 =	ssub.s32 @!p0 $0x0, s1;
	[sflag:s0] =	ssyncset.done @!p0 $0x0  }
0xb1: {  	[sflag:s0] =	ssyncadd.s32 @!p0 s1  }
0xb2: {  	[bflag:$0x3] =	sbarrier.arrive $0xFFFF  }
0xb3: {  	_ =	shalt  }

// kernel: kernel.19.cloned.1.call-start
scs
__scs_entry_jumppad:
0x0: {  	(pc) =	sbr.rel $0x88, $3  }
0x1: {  	(tag) =	ssettag $0x0;
	lr =	simm.s32 $0x1  }
0x2: {  	[smem:$0x3F99] =	sst lr;
	_ =	strace $0xD0000000  }
0x3: {  	_ = 	snop  }
0x4: {  	_ = 	snop  }
0x5: {  	_ = 	snop  }
0x6: {  	_ = 	snop  }
0x7: {  	_ = 	snop  }
__scs_overlays_trampoline_lowered:
0x8: {  	[smem:$0x3FA8] =	sst s0  }
0x9: {  	[smem:$0x3FA9] =	sst s1  }
0xa: {  	[smem:$0x3FAA] =	sst s2  }
0xb: {  	[smem:$0x3FAB] =	sst s3  }
0xc: {  	[smem:$0x3FAC] =	sst s4  }
0xd: {  	[smem:$0x3FAD] =	sst s5  }
0xe: {  	[smem:$0x3FAE] =	sst s6  }
0xf: {  	[smem:$0x3FAF] =	sst s7  }
0x10: {  	[smem:$0x3FB0] =	sst s8  }
0x11: {  	[smem:$0x3FB1] =	sst s9;
	s0 =	simm.s32 @!p0 $0x0  }
0x12: {  	s1 =	sld [smem:$0x3F97];
	s0 =	simm.s32 @p0 $0x1  }
0x13: {  	[smem:$0x3FB2] =	sst s0;
	s0 =	simm.s32 @!p1 $0x0  }
0x14: {  	s2 =	sld [smem:$0x3F96];
	s0 =	simm.s32 @p1 $0x1  }
0x15: {  	[smem:$0x3FB3] =	sst s0;
	s0 =	simm.s32 @!p2 $0x0  }
0x16: {  	s3 =	sld [smem:$0x3FDB];
	s0 =	simm.s32 @p2 $0x1  }
0x17: {  	s4 =	simm.s32 $0x1BF5;
	[smem:$0x3FB5] =	sst s0  }
0x18: {  	s0 =	sld [smem:$0x3F98];
	_ =	swait.ge [sflag:s4], $0x0  }
0x19: {  	s7 =	sld [smem:$0x3F99]  }
0x1a: {  	s8 =	sadd.s32 $0xFFFFE003, lr  }
0x1b: {  	s9 =	sadd.s32 $0xFFFFFEF7, lr;
	s5 =	simm.s32 $0xFFFFFFFF;
	p2 =	slt.u32 s8, $0xFFFFF086  }
0x1c: {  	p1 =	slt.u32 s9, $0xF7A;
	s5 =	simm.s32 @!p2 $0x0  }
0x1d: {  	s5 =	simm.s32 @p1 $0x1;
	p0 =	seq.s32 s7, s2  }
0x1e: {  	s7 =	smul.u32 @!p0 $0xF7A, s2;
	p2 =	seq.s32 @!p0 s5, $0x0  }
0x1f: {  	s9 =	smul.u32 $0xF7A, s1;
	s8 =	simm.s32 @!p0 $0x1BF5;
	p2 =	por !p2, p0  }
0x20: {  	[sflag:s8] =	ssyncset.s32 @!p0 $0xFFFFF086;
	s6 =	sadd.s32 @!p0 s3, s7;
	s7 =	simm.s32 @!p0 $0x108  }
0x21: {  	s3 =	sadd.s32 s3, s9;
	s6 =	sadd.s32 @!p0 $0x88, s6;
	s7 =	simm.s32 @p2 $0x1082  }
0x22: {  	[simem:s7], [sflag:s8] =	dma.local @!p0 [hbm:s6], $0xF7A  }
0x23: {  	s9 =	sor.u32 $0xD0000000, s2;
	s6 =	simm.s32 $0x108;
	_ =	swait.ge @!p0 [sflag:s8], $0x0  }
0x24: {  	s3 =	sadd.s32 $0x88, s3;
	s6 =	simm.s32 @!p1 $0x1082;
	[sflag:s4] =	ssyncset.s32 $0xFFFFF086  }
0x25: {  	[simem:s6], [sflag:s4] =	dma.local [hbm:s3], $0xF7A  }
0x26: {  	[smem:$0x3F99] =	sst s1;
	(tag) =	ssettag s2;
	_ =	strace s9  }
0x27: {  	s1 =	sld [smem:$0x3FA9]  }
0x28: {  	s2 =	sld [smem:$0x3FAA]  }
0x29: {  	s4 =	sld [smem:$0x3FAC]  }
0x2a: {  	p0 =	seq.s32 s5, $0x0;
	s5 =	sld [smem:$0x3FAD]  }
0x2b: {  	s6 =	sld [smem:$0x3FAE]  }
0x2c: {  	s7 =	sld [smem:$0x3FAF]  }
0x2d: {  	s3 =	simm.s32 $0x108;
	s8 =	sld [smem:$0x3FB0]  }
0x2e: {  	s3 =	simm.s32 @!p0 $0x1082;
	s9 =	sld [smem:$0x3FB1]  }
0x2f: {  	lr =	sadd.s32 s0, s3;
	s0 =	sld [smem:$0x3FA8]  }
0x30: {  	s3 =	sld [smem:$0x3FAB]  }
0x31: {  	[smem:$0x3FB4] =	sst s10  }
0x32: {  	s10 =	sld [smem:$0x3FB2];
	_ =	sdelay $0x3  }
0x33: {  	p0 =	seq.s32 s10, $0x1;
	s10 =	sld [smem:$0x3FB4];
	_ =	sdelay $0x3  }
0x34: {  	[smem:$0x3FB4] =	sst s10  }
0x35: {  	s10 =	sld [smem:$0x3FB3];
	_ =	sdelay $0x3  }
0x36: {  	p1 =	seq.s32 s10, $0x1;
	s10 =	sld [smem:$0x3FB4];
	_ =	sdelay $0x3  }
0x37: {  	[smem:$0x3FB4] =	sst s10  }
0x38: {  	s10 =	sld [smem:$0x3FB5]  }
0x39: {  	_ = 	snop;
	(pc) =	sbr.ind lr, $3  }
0x3a: {  	_ = 	snop  }
0x3b: {  	_ = 	snop  }
0x3c: {  	p2 =	seq.s32 s10, $0x1;
	s10 =	sld [smem:$0x3FB4]  }
0x3d: {  	_ =	shalt  }
0x3e: {  	_ =	shalt  }
0x3f: {  	_ =	shalt  }
0x40: {  	_ =	shalt  }
0x41: {  	_ =	shalt  }
0x42: {  	_ =	shalt  }
0x43: {  	_ =	shalt  }
0x44: {  	_ =	shalt  }
0x45: {  	_ =	shalt  }
0x46: {  	_ =	shalt  }
0x47: {  	_ =	shalt  }
0x48: {  	_ =	shalt  }
0x49: {  	_ =	shalt  }
0x4a: {  	_ =	shalt  }
0x4b: {  	_ =	shalt  }
0x4c: {  	_ =	shalt  }
0x4d: {  	_ =	shalt  }
0x4e: {  	_ =	shalt  }
0x4f: {  	_ =	shalt  }
0x50: {  	_ =	shalt  }
0x51: {  	_ =	shalt  }
0x52: {  	_ =	shalt  }
0x53: {  	_ =	shalt  }
0x54: {  	_ =	shalt  }
0x55: {  	_ =	shalt  }
0x56: {  	_ =	shalt  }
0x57: {  	_ =	shalt  }
0x58: {  	_ =	shalt  }
0x59: {  	_ =	shalt  }
0x5a: {  	_ =	shalt  }
0x5b: {  	_ =	shalt  }
0x5c: {  	_ =	shalt  }
0x5d: {  	_ =	shalt  }
0x5e: {  	_ =	shalt  }
0x5f: {  	_ =	shalt  }
0x60: {  	_ =	shalt  }
0x61: {  	_ =	shalt  }
0x62: {  	_ =	shalt  }
0x63: {  	_ =	shalt  }
0x64: {  	_ =	shalt  }
0x65: {  	_ =	shalt  }
0x66: {  	_ =	shalt  }
0x67: {  	_ =	shalt  }
0x68: {  	_ =	shalt  }
0x69: {  	_ =	shalt  }
0x6a: {  	_ =	shalt  }
0x6b: {  	_ =	shalt  }
0x6c: {  	_ =	shalt  }
0x6d: {  	_ =	shalt  }
0x6e: {  	_ =	shalt  }
0x6f: {  	_ =	shalt  }
0x70: {  	_ =	shalt  }
0x71: {  	_ =	shalt  }
0x72: {  	_ =	shalt  }
0x73: {  	_ =	shalt  }
0x74: {  	_ =	shalt  }
0x75: {  	_ =	shalt  }
0x76: {  	_ =	shalt  }
0x77: {  	_ =	shalt  }
0x78: {  	_ =	shalt  }
0x79: {  	_ =	shalt  }
0x7a: {  	_ =	shalt  }
0x7b: {  	_ =	shalt  }
0x7c: {  	_ =	shalt  }
0x7d: {  	_ =	shalt  }
0x7e: {  	_ =	shalt  }
0x7f: {  	_ =	shalt  }
0x80: {  	_ =	shalt  }
0x81: {  	_ =	shalt  }
0x82: {  	_ =	shalt  }
0x83: {  	_ =	shalt  }
0x84: {  	_ =	shalt  }
0x85: {  	_ =	shalt  }
0x86: {  	_ =	shalt  }
0x87: {  	_ =	shalt  }
.Lfunc_end0:
.L_simem_size_0:
called_computation.3_lowered:
.L_overlay_start_0:
0x88: {  	s2 =	sld [smem:$0x3FD9]  }
0x89: {  	s3 =	sld [smem:$0x3FFE];
	_ =	sdelay $0x1  }
0x8a: {  	s1 =	srdreg.scid  }
0x8b: {  	s0 =	sand.u32 $0x1, s1  }
0x8c: {  	s14 =	sshll.u32 s0, $0xA;
	s2 =	sadd.s32 s3, s2  }
0x8d: {  	s2 =	sadd.s32 s2, s14  }
0x8e: {  	[smem:$0x3FC0] =	sst s2  }
0x8f: {  	_ = 	snop  }
0x90: {  	s2 =	sld [smem:$0x3FD0];
	_ =	sdelay $0x2  }
0x91: {  	s15 =	simm.s32 $0xA;
	s4 =	simm.s32 $0x10  }
0x92: {  	[smem:s4], [sflag:s15] =	dma.local [hbm:s2], $0x1  }
0x93: {  	_ =	swait.eq [sflag:s15], $0x1  }
0x94: {  	[sflag:s15] =	ssyncset.done $0x0  }
0x95: {  	[sflag:s15] =	ssyncadd.s32 $0xFFFFFFFF  }
0x96: {  	s16 =	sld [smem:$0x10];
	(tm) =	ssettm $0x1  }
0x97: {  	s17 =	sld [smem:$0x3FFB];
	_ =	sdelay $0x3  }
0x98: {  	_ =	strace s17  }
0x99: {  	s3 =	sld [smem:$0x3FFC];
	_ =	sdelay $0x3  }
0x9a: {  	_ =	strace s3  }
0x9b: {  	s3 =	sld [smem:$0x3FFD];
	_ =	sdelay $0x3  }
0x9c: {  	_ =	strace s3  }
0x9d: {  	_ =	strace $0x8FFFFFFF  }
0x9e: {  	s18 =	sld [smem:$0x3FDB];
	_ =	sdelay $0x1  }
0x9f: {  	s19 =	simm.s32 $_scs_section_size  }
0xa0: {  	s5 =	simm.s32 $_size__tile_overlayer_lowered;
	s6 =	simm.s32 $_tile_overlayer_lowered  }
0xa1: {  	s22 =	simm.s32 $0x1BFF;
	s21 =	sshll.u32 s6, $0x1;
	s3 =	sadd.s32 s19, s18  }
0xa2: {  	s7 =	simm.s32 $0x0;
	s20 =	sshll.u32 s5, $0x1;
	s5 =	sadd.s32 s21, s3  }
0xa3: {  	[timem:s7], [sflag:s22] =	dma.local [hbm:s5], s20  }
0xa4: {  	_ =	swait.ge [sflag:s22], s20  }
0xa5: {  	s4 =	ssub.s32 $0x0, s20;
	[sflag:s22] =	ssyncset.done $0x0  }
0xa6: {  	[sflag:s22] =	ssyncadd.s32 s4;
	_ =	sdelay $0x1  }
0xa7: {  	s23 =	simm.s32 $0x1B8B  }
0xa8: {  	_ =	swait.ge [sflag:s23], $0x1  }
0xa9: {  	[sflag:s23] =	ssyncset.done $0x0  }
0xaa: {  	s25 =	simm.s32 $0x1B8E;
	s24 =	sld [smem:$0x3FFE];
	[sflag:s23] =	ssyncadd.s32 $0xFFFFFFFF  }
0xab: {  	s26 =	simm.s32 $execute0_lowered;
	[smem:$0x3FD2] =	sst s25  }
0xac: {  	s5 =	sshll.u32 s26, $0x1;
	_ =	strace $0x8000004F;
	[dreg:$0x1] =	wrdreg $0xFFFFFFFF  }
0xad: {  	s28 =	simm.s32 $_size_execute0_lowered;
	s3 =	sadd.s32 s3, s5;
	[dreg:$0x0] =	wrdreg $0x0  }
0xae: {  	s5 =	sshll.u32 s28, $0x1;
	[dreg:$0x2] =	wrdreg s3  }
0xaf: {  	[dreg:$0x3] =	wrdreg s5  }
0xb0: {  	[dreg:$0x4] =	wrdreg $0xC0  }
0xb1: {  	_ =	task [dreg:s7], $0x5FFFF  }
0xb2: {  	[dreg:$0x1] =	wrdreg $0xFFFFFFFF  }
0xb3: {  	[dreg:$0x0] =	wrdreg $0x60  }
0xb4: {  	[dreg:$0x2] =	wrdreg s16  }
0xb5: {  	[dreg:$0x3] =	wrdreg s24  }
0xb6: {  	[dreg:$0x4] =	wrdreg $0xA8000  }
0xb7: {  	[dreg:$0x5] =	wrdreg $0x9  }
0xb8: {  	_ =	task.clear_ibuf [dreg:s7], $0x6FFFF;
	_ =	strace $0x9000004F  }
0xb9: {  	s29 =	simm.s32 $0x9;
	_ =	strace $0x80000051  }
0xba: {  	_ =	swait.ge [sflag:s29], $0x1  }
0xbb: {  	[sflag:s29] =	ssyncadd.s32 $0xFFFFFFFF  }
0xbc: {  	_ =	strace $0x90000051  }
0xbd: {  	_ =	sfence  }
0xbe: {  	s30 =	sld [smem:$0x0];
	_ =	sdelay $0x2  }
0xbf: {  	s31 =	sshll.u32 s1, $0xD;
	s1 =	sshrl.u32 s1, $0x2  }
0xc0: {  	s3 =	sand.u32 $0x4000, s31;
	s1 =	sadd.s32 s1, s30  }
0xc1: {  	s0 =	sor.u32 s3, s0;
	s1 =	sshll.u32 s1, $0x11  }
0xc2: {  	s0 =	sor.u32 s1, s0  }
0xc3: {  	s0 =	sadd.s32 $0x8F2B, s0  }
0xc4: {  	[sflag:s0] =	ssyncadd.remote.s32 $0x1  }
0xc5: {  	_ =	sfence.sel $0xFFFF  }
0xc6: {  	[dreg:$0x0] =	wrdreg $0xFFFFFFFF;
	(pc) =	sbr.abs _section_cstart, $3  }
0xc7: {  	[dreg:$0x1] =	wrdreg $0xFFFFFFFF  }
0xc8: {  	_ =	task.clear_ibuf [dreg:s7], $0x2FFFF;
	_ =	strace $0x9FFFFFFF  }
0xc9: {  	(tm) =	ssettm $0x7FFFFFFF  }
tec
execute0_lowered:
.L_overlay_start_1:
0x0: {  	(tag) =	ssettag $0x1  }
0x1: {  	s1 =	rddreg [dreg:$0x0]  }
0x2: {  	s7 =	rddreg [dreg:$0x1]  }
0x3: {  	s0 =	srdreg.scid;
	s3 =	rddreg [dreg:$0x2];
	s4 =	simm.s32 $0x0  }
0x4: {  	s17 =	simm.s32 $0x1400;
	s18 =	simm.s32 $0x80;
	s19 =	simm.s32 $0x2800  }
0x5: {  	s20 =	simm.s32 $0x6800;
	s21 =	simm.s32 $0x1;
	s22 =	simm.s32 $0x2  }
0x6: {  	s23 =	simm.s32 $0x2700;
	s6 =	sand.u32 $0x1, s0;
	s0 =	stileid.u32  }
0x7: {  	s24 =	simm.s32 $0x2780;
	s25 =	simm.s32 $0x0;
	s8 =	smul.u32 $0x2780, s0  }
0x8: {  	[smem:$0x7FF] =	sst s4;
	s2 =	sshll.u32 s6, $0x4;
	s9 =	smul.u32 $0x27800, s6  }
0x9: {  	s11 =	smul.u32 $0x4F000, s0;
	s6 =	ssub.s32 $0x2, s6;
	s2 =	sor.u32 s0, s2  }
0xa: {  	s31 =	sshll.u32 s0, $0x6;
	s28 =	sshrl.u32 s6, $0x1;
	s5 =	smul.u32 $0x280, s2  }
0xb: {  	s2 =	rddreg [dreg:$0x3];
	_ =	strace $0x80000050;
	s8 =	sadd.s32 s8, s9  }
0xc: {  	s29 =	sshrl.u32 s11, $0x2;
	s30 =	ssub.s32 s6, s28;
	s6 =	sor.u32 $0x1C03, s31  }
0xd: {  	s9 =	sadd.s32 s8, s7;
	s12 =	sadd.s32 s29, s3;
	s10 =	sadd.s32 s5, s7  }
0xe: {  	s5 =	sadd.s32 $0xF200, s7;
	s13 =	sadd.s32 $0x4000, s12;
	s14 =	sadd.s32 $0x8000, s12  }
0xf: {  	s15 =	sadd.s32 $0xC000, s12;
	s16 =	sadd.s32 $0x10000, s12;
	s9 =	sadd.s32 $0x5EA00, s9  }
0x10: {  	s11 =	sshrl.u32 s12, $0x3;
	s12 =	simm.s32 $0x3;
	s7 =	sadd.s32 $0xA200, s10  }
0x11: {  	s8 =	sadd.s32 $0x5200, s10;
	s10 =	smax.u32 s30, $0x1;
	s13 =	sshrl.u32 s13, $0x3  }
0x12: {  	s14 =	sshrl.u32 s14, $0x3;
	s15 =	sshrl.u32 s15, $0x3;
	s16 =	sshrl.u32 s16, $0x3  }
.LBB2_1:
0x13: {  	[spmem:s11], [sflag:s6] =	dma.local [hbm:s5], $0x800  }
0x14: {  	_ =	swait.ge [sflag:s12], $0x800  }
0x15: {  	[sflag:s12] =	ssyncset.done $0x0  }
0x16: {  	[sflag:s12] =	ssyncadd.s32 $0xFFFFF800  }
0x17: {  	[spmem:s13], [sflag:s6] =	dma.local [hbm:s5], $0x800  }
0x18: {  	_ =	swait.ge [sflag:s12], $0x800  }
0x19: {  	[sflag:s12] =	ssyncset.done $0x0  }
0x1a: {  	[sflag:s12] =	ssyncadd.s32 $0xFFFFF800  }
0x1b: {  	[spmem:s14], [sflag:s6] =	dma.local [hbm:s5], $0x800  }
0x1c: {  	_ =	swait.ge [sflag:s12], $0x800  }
0x1d: {  	[sflag:s12] =	ssyncset.done $0x0  }
0x1e: {  	[sflag:s12] =	ssyncadd.s32 $0xFFFFF800  }
0x1f: {  	[spmem:s15], [sflag:s6] =	dma.local [hbm:s5], $0x800  }
0x20: {  	_ =	swait.ge [sflag:s12], $0x800  }
0x21: {  	[sflag:s12] =	ssyncset.done $0x0  }
0x22: {  	[sflag:s12] =	ssyncadd.s32 $0xFFFFF800  }
0x23: {  	[spmem:s16], [sflag:s6] =	dma.local [hbm:s5], $0x780  }
0x24: {  	_ =	swait.ge [sflag:s12], $0x780  }
0x25: {  	[sflag:s12] =	ssyncset.done $0x0  }
0x26: {  	[sflag:s12] =	ssyncadd.s32 $0xFFFFF880  }
0x27: {  	[bflag:$0x0] =	sbarrier.arrive $0xFFFF  }
0x28: {  	[tilespmem:s4], [sflag:$0x3] =	stream.linear.gather [hbm4b:s7+s4], $0x1400, $0x38;
	[tilespmem:$0x1E400] =	vst v63  }
0x29: {  	_ =	swait.ge [sflag:s12], $0x1400  }
0x2a: {  	[sflag:s12] =	ssyncset.done $0x0  }
0x2b: {  	[sflag:s12] =	ssyncadd.s32 $0xFFFFEC00  }
0x2c: {  	[tilespmem:s17], [sflag:$0x3] =	stream.linear.gather [hbm4b:s8+s4], $0x1400, $0x38;
	[tilespmem:$0x1E400] =	vst v63  }
0x2d: {  	_ =	swait.ge [sflag:s12], $0x1400  }
0x2e: {  	[sflag:s12] =	ssyncset.done $0x0  }
0x2f: {  	[sflag:s12] =	ssyncadd.s32 $0xFFFFEC00  }
0x30: {  	[tilespmem:s19], [sflag:$0x1] =	stream.indirect.gather [hbm4b:s1+s18], $0x80, s4, s18, $0xb8;
	[tilespmem:$0x1E400] =	vst v63  }
0x31: {  	_ = 	snop  }
0x32: {  	[tilespmem:s20], [sflag:$0x2] =	stream.indirect.gather [hbm4b:s1+s18], $0x80, s18, s18, $0xb8;
	[tilespmem:$0x1E400] =	vst v63  }
0x33: {  	_ =	swait.ge [sflag:s21], $0x4000  }
0x34: {  	[sflag:s21] =	ssyncset.done $0x0  }
0x35: {  	s26 =	simm.s32 $0x1400;
	[sflag:s21] =	ssyncadd.s32 $0xFFFFC000  }
0x36: {  	[spmem:s3] =	stream.indirect.scatter.add.f32 [tilespmem:s19], [sflag:$0x3], $0x80, s26, s18, $0xb8;
	[tilespmem:$0x1E400] =	vst v63  }
0x37: {  	_ =	swait.ge [sflag:s12], $0x4000  }
0x38: {  	[sflag:s12] =	ssyncset.done $0x0  }
0x39: {  	s30 =	simm.s32 $0x100;
	[sflag:s12] =	ssyncadd.s32 $0xFFFFC000  }
0x3a: {  	[tilespmem:s19], [sflag:$0x1] =	stream.indirect.gather [hbm4b:s1+s18], $0x80, s30, s18, $0xb8;
	[tilespmem:$0x1E400] =	vst v63  }
0x3b: {  	_ =	swait.ge [sflag:s22], $0x4000  }
0x3c: {  	[sflag:s22] =	ssyncset.done $0x0  }
0x3d: {  	s31 =	simm.s32 $0x1480;
	[sflag:s22] =	ssyncadd.s32 $0xFFFFC000  }
0x3e: {  	[spmem:s3] =	stream.indirect.scatter.add.f32 [tilespmem:s20], [sflag:$0x3], $0x80, s31, s18, $0xb8;
	[tilespmem:$0x1E400] =	vst v63  }
0x3f: {  	_ =	swait.ge [sflag:s12], $0x4000  }
0x40: {  	[sflag:s12] =	ssyncset.done $0x0  }
0x41: {  	s28 =	simm.s32 $0x180;
	s26 =	simm.s32 $0x400;
	[sflag:s12] =	ssyncadd.s32 $0xFFFFC000  }
.LBB2_2:
0x42: {  	[tilespmem:s20], [sflag:$0x2] =	stream.indirect.gather [hbm4b:s1+s18], $0x80, s28, s18, $0xb8;
	[tilespmem:$0x1E400] =	vst v63  }
0x43: {  	s28 =	smov.u32 s26  }
0x44: {  	p0 =	sne.s32 s26, $0x4800;
	s26 =	sadd.s32 $0x400, s26;
	_ =	swait.ge [sflag:s21], $0x4000  }
0x45: {  	s28 =	sshra.s32 s28, $0x2;
	[sflag:s21] =	ssyncset.done $0x0  }
0x46: {  	s29 =	sadd.s32 $0x1400, s28;
	[sflag:s21] =	ssyncadd.s32 $0xFFFFC000  }
0x47: {  	[spmem:s3] =	stream.indirect.scatter.add.f32 [tilespmem:s19], [sflag:$0x3], $0x80, s29, s18, $0xb8;
	[tilespmem:$0x1E400] =	vst v63  }
0x48: {  	_ =	swait.ge [sflag:s12], $0x4000  }
0x49: {  	[sflag:s12] =	ssyncset.done $0x0  }
0x4a: {  	s29 =	sadd.s32 $0x100, s28;
	[sflag:s12] =	ssyncadd.s32 $0xFFFFC000  }
0x4b: {  	[tilespmem:s19], [sflag:$0x1] =	stream.indirect.gather [hbm4b:s1+s18], $0x80, s29, s18, $0xb8;
	[tilespmem:$0x1E400] =	vst v63  }
0x4c: {  	_ =	swait.ge [sflag:s22], $0x4000  }
0x4d: {  	[sflag:s22] =	ssyncset.done $0x0  }
.Ltmp0:
0x4e: {  	s29 =	sadd.s32 $0x1480, s28;
	[sflag:s22] =	ssyncadd.s32 $0xFFFFC000;
	(pc) =	sbr.rel @p0 .LBB2_2-.Ltmp0, $4  }
0x4f: {  	[spmem:s3] =	stream.indirect.scatter.add.f32 [tilespmem:s20], [sflag:$0x3], $0x80, s29, s18, $0xb8;
	[tilespmem:$0x1E400] =	vst v63  }
0x50: {  	_ =	swait.ge [sflag:s12], $0x4000  }
0x51: {  	[sflag:s12] =	ssyncset.done $0x0  }
0x52: {  	s28 =	sadd.s32 $0x180, s28;
	[sflag:s12] =	ssyncadd.s32 $0xFFFFC000  }
0x53: {  	[tilespmem:s20], [sflag:$0x2] =	stream.indirect.gather [hbm4b:s1+s18], $0x80, s28, s18, $0xb8;
	[tilespmem:$0x1E400] =	vst v63  }
0x54: {  	_ =	swait.ge [sflag:s21], $0x4000  }
0x55: {  	[sflag:s21] =	ssyncset.done $0x0  }
0x56: {  	[sflag:s21] =	ssyncadd.s32 $0xFFFFC000  }
0x57: {  	[spmem:s3] =	stream.indirect.scatter.add.f32 [tilespmem:s19], [sflag:$0x3], $0x80, s23, s18, $0xb8;
	[tilespmem:$0x1E400] =	vst v63  }
0x58: {  	_ =	swait.ge [sflag:s12], $0x4000  }
0x59: {  	[sflag:s12] =	ssyncset.done $0x0  }
0x5a: {  	[sflag:s12] =	ssyncadd.s32 $0xFFFFC000  }
0x5b: {  	_ =	swait.ge [sflag:s22], $0x4000  }
0x5c: {  	[sflag:s22] =	ssyncset.done $0x0  }
0x5d: {  	[sflag:s22] =	ssyncadd.s32 $0xFFFFC000  }
0x5e: {  	[spmem:s3] =	stream.indirect.scatter.add.f32 [tilespmem:s20], [sflag:$0x3], $0x80, s24, s18, $0xb8;
	[tilespmem:$0x1E400] =	vst v63  }
0x5f: {  	_ =	swait.ge [sflag:s12], $0x4000  }
0x60: {  	s25 =	sadd.s32 $0x1, s25;
	[sflag:s12] =	ssyncset.done $0x0  }
0x61: {  	p0 =	sne.s32 s25, s10;
	[sflag:s12] =	ssyncadd.s32 $0xFFFFC000  }
.Ltmp1:
0x62: {  	[bflag:$0x0] =	sbarrier.arrive $0xFFFF;
	(pc) =	sbr.rel @p0 .LBB2_1-.Ltmp1, $4  }
0x63: {  	[hbm:s9], [sflag:s6] =	dma.local [spmem:s11], $0x2780  }
0x64: {  	_ =	swait.ge [sflag:s12], $0x2780  }
0x65: {  	[sflag:s12] =	ssyncset.done $0x0  }
0x66: {  	[sflag:s12] =	ssyncadd.s32 $0xFFFFD880  }
0x67: {  	_ =	sfence.sel $0x180000  }
0x68: {  	[bflag:$0x0] =	sbarrier.arrive $0xFFFF  }
0x69: {  	p0 =	sne.s32 s0, $0x0;
	_ =	strace $0x90000050  }
0x6a: {  	s0 =	sadd.s32 @!p0 $0x100000, s2;
	[bflag:$0x2] =	sbarrier.arrive $0xFFFF  }
0x6b: {  	[sflag:s0] =	ssyncadd.tile.s32 @!p0 $0x1;
	_ =	shalt  }
.Lfunc_end2:
_tile_overlayer_lowered:
.L_overlay_start_2:
0x6c: {  	(tag) =	ssettag $0x2  }
0x6d: {  	s0 =	rddreg [dreg:$0x0];
	s2 =	stileid.u32  }
0x6e: {  	s1 =	rddreg [dreg:$0x1];
	p0 =	sne.s32 s2, $0x0  }
0x6f: {  	s3 =	rddreg [dreg:$0x2];
	[bflag:$0x3] =	sbarrier.arrive $0xFFFF;
	s2 =	simm.s32 @!p0 $0x1C03  }
0x70: {  	[timem:s3], [sflag:s2] =	dma.local @!p0 [hbm:s0], s1  }
0x71: {  	s0 =	simm.s32 @!p0 $0x3  }
0x72: {  	_ =	swait.ge @!p0 [sflag:s0], s1  }
0x73: {  	s1 =	ssub.s32 @!p0 $0x0, s1;
	[sflag:s0] =	ssyncset.done @!p0 $0x0  }
0x74: {  	[sflag:s0] =	ssyncadd.s32 @!p0 s1  }
0x75: {  	[bflag:$0x3] =	sbarrier.arrive $0xFFFF  }
0x76: {  	_ =	shalt  }

</sc_bundles>
